<compile_context>
chip_gen: v7x
topology: tpu7x:2x2x1
jax: 0.10.2.dev20260603
libtpu: 0.0.44.dev20260713+nightly
codegen_flags: <defaults>
</compile_context>

<pallas_src>
import functools

import jax
import jax.numpy as jnp
from jax import lax
from jax.experimental import pallas as pl
from jax.experimental.pallas import tpu as pltpu
from jax.experimental.pallas import tpu_sc as plsc

S = 2048
D = 1024
H = 16
HD = 64
CB = 16
NBLK = S // CB
SB = 8
TK = 2
WIN = 256
BQ = 256
NI = S // BQ
SCALE = 1.0 / 8.0
IMP_COEF = 1.0 / (H * S)
NEG = -1e9
SHIFT3 = 40.0



def _proj_body(x_ref, wq_ref, wk_ref, wv_ref, wg_ref, bg_ref, wkc_ref,
               wvc_ref, wpe_ref,
               q_ref, kt_ref, v_ref, ckt_ref, cv_ref, g_ref, imp_ref,
               ck_acc, qsum):
    i = pl.program_id(0)
    xb = x_ref[...]
    qb = jnp.dot(xb, wq_ref[...], preferred_element_type=jnp.float32) * SCALE
    kb = jnp.dot(xb, wk_ref[...], preferred_element_type=jnp.float32)
    vb = jnp.dot(xb, wv_ref[...], preferred_element_type=jnp.float32)
    q_ref[...] = qb
    kt_ref[...] = lax.transpose(kb, (1, 0))
    v_ref[...] = vb
    row16 = lax.broadcasted_iota(jnp.int32, (CB, BQ), 0)
    col16 = lax.broadcasted_iota(jnp.int32, (CB, BQ), 1)
    onblk = (col16 >> 4) == row16
    wkrow = lax.transpose(wkc_ref[...], (1, 0))
    wvrow = lax.transpose(wvc_ref[...], (1, 0))
    wktile = jnp.concatenate([wkrow] * (BQ // CB), axis=1)
    wvtile = jnp.concatenate([wvrow] * (BQ // CB), axis=1)
    wck = jnp.where(onblk, wktile, 0.0)
    wcv = jnp.where(onblk, wvtile, 0.0)
    pek = jnp.dot(wkrow, wpe_ref[...], preferred_element_type=jnp.float32)
    pev = jnp.dot(wvrow, wpe_ref[...], preferred_element_type=jnp.float32)
    ckb = jnp.dot(wck, kb, preferred_element_type=jnp.float32) + pek
    cvb = jnp.dot(wcv, vb, preferred_element_type=jnp.float32) + pev
    cv_ref[...] = cvb
    g_ref[...] = jax.nn.sigmoid(
        jnp.dot(xb, wg_ref[...], preferred_element_type=jnp.float32) + bg_ref[...])
    nb = BQ // CB
    ck_acc[pl.ds(i * nb, nb), :] = ckb
    part = jnp.sum(qb, axis=0, keepdims=True)

    @pl.when(i == 0)
    def _():
        qsum[...] = part
        imp_ref[...] = jnp.zeros_like(imp_ref)

    @pl.when(i > 0)
    def _():
        qsum[...] += part

    @pl.when(i == NI - 1)
    def _():
        ckt_ref[...] = lax.transpose(ck_acc[...], (1, 0))
        imp_ref[...] = lax.dot_general(
            qsum[...], ck_acc[...], (((1,), (1,)), ((), ())),
            preferred_element_type=jnp.float32) * IMP_COEF


def _projections(x2, Wq, Wk, Wv, Wg, bg2, wk_comp, wv_comp, w_pe):
    full = lambda shape: pl.BlockSpec(shape, lambda i: (0, 0))
    return pl.pallas_call(
        _proj_body,
        grid=(NI,),
        in_specs=[
            pl.BlockSpec((BQ, D), lambda i: (i, 0)),
            full((D, D)), full((D, D)), full((D, D)),
            full((D, 3)), full((1, 3)),
            full((CB, 1)), full((CB, 1)),
            full((CB, D)),
        ],
        out_specs=[
            pl.BlockSpec((BQ, D), lambda i: (i, 0)),
            pl.BlockSpec((D, BQ), lambda i: (0, i)),
            pl.BlockSpec((BQ, D), lambda i: (i, 0)),
            pl.BlockSpec((D, NBLK), lambda i: (0, 0)),
            pl.BlockSpec((BQ // CB, D), lambda i: (i, 0)),
            pl.BlockSpec((BQ, 3), lambda i: (i, 0)),
            pl.BlockSpec((1, NBLK), lambda i: (0, 0)),
        ],
        out_shape=[
            jax.ShapeDtypeStruct((S, D), jnp.float32),
            jax.ShapeDtypeStruct((D, S), jnp.float32),
            jax.ShapeDtypeStruct((S, D), jnp.float32),
            jax.ShapeDtypeStruct((D, NBLK), jnp.float32),
            jax.ShapeDtypeStruct((NBLK, D), jnp.float32),
            jax.ShapeDtypeStruct((S, 3), jnp.float32),
            jax.ShapeDtypeStruct((1, NBLK), jnp.float32),
        ],
        scratch_shapes=[
            pltpu.VMEM((NBLK, D), jnp.float32),
            pltpu.VMEM((1, D), jnp.float32),
        ],
    )(x2, Wq, Wk, Wv, Wg, bg2, wk_comp, wv_comp, w_pe)



def _topk_gather(imp, x2):
    mesh = plsc.VectorSubcoreMesh(core_axis_name="c", subcore_axis_name="s")

    @functools.partial(
        pl.kernel,
        out_type=[
            jax.ShapeDtypeStruct((CB,), jnp.int32),
            jax.ShapeDtypeStruct((TK * SB, D), jnp.float32),
        ],
        mesh=mesh,
        scratch_types=[
            pltpu.VMEM((NBLK,), jnp.float32),
            pltpu.VMEM((CB,), jnp.int32),
            pltpu.VMEM((TK * SB, D), jnp.float32),
            pltpu.SemaphoreType.DMA,
        ],
    )
    def sel_kernel(imp_hbm, x_hbm, selpos_hbm, xs_hbm,
                   imp_v, selpos_v, rows_v, sem):
        cid = lax.axis_index("c")
        sid = lax.axis_index("s")
        wid = sid * 2 + cid

        @pl.when(wid == 0)
        def _():
            pltpu.sync_copy(imp_hbm, imp_v)
            lane = lax.iota(jnp.int32, 16)
            neg = jnp.full((16,), -3.4e38, jnp.float32)
            big = jnp.full((16,), 2 ** 30, jnp.int32)
            dnums = lax.GatherDimensionNumbers(
                offset_dims=(), collapsed_slice_dims=(0,), start_index_map=(0,))

            def lperm(u, idx):
                return lax.gather(u, idx[:, None], dnums, slice_sizes=(1,),
                                  mode=lax.GatherScatterMode.PROMISE_IN_BOUNDS)

            def allreduce(u, op):
                for s in (8, 4, 2, 1):
                    u = op(u, lperm(u, lane ^ s))
                return u

            vs = [imp_v[pl.ds(j * 16, 16)] for j in range(NBLK // 16)]
            gs = [lane + j * 16 for j in range(NBLK // 16)]

            def top1(vals):
                m = functools.reduce(jnp.maximum, vals)
                mall = allreduce(m, jnp.maximum)
                cand = functools.reduce(jnp.minimum, [
                    jnp.where(vv == mall, gg, big) for vv, gg in zip(vals, gs)])
                return allreduce(cand, jnp.minimum)

            i1 = top1(vs)
            i2 = top1([jnp.where(gg == i1, neg, vv) for vv, gg in zip(vs, gs)])
            sel = jnp.where(lane < SB, i1, i2) * CB + (lane & (SB - 1))
            selpos_v[...] = sel
            pltpu.sync_copy(selpos_v, selpos_hbm)
            pltpu.async_copy(x_hbm.at[selpos_v], rows_v, sem).wait()
            pltpu.sync_copy(rows_v, xs_hbm)

    return sel_kernel(imp, x2)



def _attn_body(q_ref, ktp_ref, ktc_ref, vp_ref, vc_ref, ckt_ref, cv_ref,
               xs_ref, wk_ref, wv_ref, selpos_ref, g_ref, wo_ref, bo_ref,
               out_ref, skt_s, sv_s):
    i = pl.program_id(0)
    rowpos = i * BQ + lax.broadcasted_iota(jnp.int32, (BQ, 1), 0)

    def dot_n(a, b):
        return lax.dot_general(a, b, (((1,), (0,)), ((), ())),
                               preferred_element_type=jnp.float32)

    xsb = xs_ref[...]
    skt_s[...] = lax.transpose(
        dot_n(xsb, wk_ref[...]), (1, 0))
    sv_s[...] = dot_n(xsb, wv_ref[...])

    blk_end = (lax.broadcasted_iota(jnp.int32, (1, NBLK), 1) + 1) * CB
    mask1 = blk_end <= rowpos
    mask2 = selpos_ref[...] <= rowpos
    colid = lax.broadcasted_iota(jnp.int32, (1, BQ), 1)
    pa = jnp.maximum(i - 1, 0) * BQ + colid
    pb = i * BQ + colid
    ma = (pa <= rowpos) & (pa > rowpos - WIN) & (i > 0)
    mb = pb <= rowpos
    gb = g_ref[...]
    g0, g1, g2 = gb[:, 0:1], gb[:, 1:2], gb[:, 2:3]

    parts = []
    for t in range(H):
        sl = pl.ds(t * HD, HD)
        qb = q_ref[:, sl]

        s1 = dot_n(qb, ckt_ref[sl, :])
        s1 = jnp.where(mask1, s1, NEG)
        m1 = jnp.max(s1, axis=1, keepdims=True)
        p1 = jnp.exp(s1 - m1)
        w1 = g0 / jnp.sum(p1, axis=1, keepdims=True)
        o1 = dot_n(p1, cv_ref[:, sl])

        s2 = dot_n(qb, skt_s[sl, :])
        s2 = jnp.where(mask2, s2, NEG)
        m2 = jnp.max(s2, axis=1, keepdims=True)
        p2 = jnp.exp(s2 - m2)
        w2 = g1 / jnp.sum(p2, axis=1, keepdims=True)
        o2 = dot_n(p2, sv_s[:, sl])

        s3a = dot_n(qb, ktp_ref[sl, :])
        s3b = dot_n(qb, ktc_ref[sl, :])
        p3a = jnp.exp(jnp.where(ma, s3a - SHIFT3, NEG))
        p3b = jnp.exp(jnp.where(mb, s3b - SHIFT3, NEG))
        w3 = g2 / (jnp.sum(p3a, axis=1, keepdims=True)
                   + jnp.sum(p3b, axis=1, keepdims=True))
        o3 = dot_n(p3a, vp_ref[:, sl]) + dot_n(p3b, vc_ref[:, sl])

        parts.append(w1 * o1 + w2 * o2 + w3 * o3)

    comb = jnp.concatenate(parts, axis=1)
    out_ref[...] = dot_n(comb, wo_ref[...]) + bo_ref[...]


def _attention(q, kT, v, ckT, cv, xs, selpos, g, Wk, Wv, Wo, bo2):
    full = lambda shape: pl.BlockSpec(shape, lambda i: (0, 0))
    return pl.pallas_call(
        _attn_body,
        grid=(NI,),
        in_specs=[
            pl.BlockSpec((BQ, D), lambda i: (i, 0)),
            pl.BlockSpec((D, BQ), lambda i: (0, jnp.maximum(i - 1, 0))),
            pl.BlockSpec((D, BQ), lambda i: (0, i)),
            pl.BlockSpec((BQ, D), lambda i: (jnp.maximum(i - 1, 0), 0)),
            pl.BlockSpec((BQ, D), lambda i: (i, 0)),
            full((D, NBLK)),
            full((NBLK, D)),
            full((TK * SB, D)),
            full((D, D)),
            full((D, D)),
            full((1, TK * SB)),
            pl.BlockSpec((BQ, 3), lambda i: (i, 0)),
            full((D, D)),
            full((1, D)),
        ],
        out_specs=pl.BlockSpec((BQ, D), lambda i: (i, 0)),
        out_shape=jax.ShapeDtypeStruct((S, D), jnp.float32),
        scratch_shapes=[
            pltpu.VMEM((D, TK * SB), jnp.float32),
            pltpu.VMEM((TK * SB, D), jnp.float32),
        ],
    )(q, kT, kT, v, v, ckT, cv, xs, Wk, Wv, selpos, g, Wo, bo2)



def kernel(x, Wq, Wk, Wv, Wo, bo, wk_comp, wv_comp, w_pe, Wg, bg):
    x2 = x[0]
    q, kT, v, ckT, cv, g, imp = _projections(
        x2, Wq, Wk, Wv, Wg, bg[None, :], wk_comp, wv_comp, w_pe)
    selpos, xs = _topk_gather(imp.reshape(NBLK), x2)
    out = _attention(q, kT, v, ckT, cv, xs,
                     selpos.reshape(1, TK * SB), g, Wk, Wv, Wo, bo[None, :])
    return out[None]

# --- scband reference (transcript-rebuilt; emitter-appended) ---
"""Pipeline reference for scband-native-sparse-attention-60095182406244 (READ-ONLY COPY).

The authoritative reference and input builder live on the scoring server;
editing this copy changes nothing except your own understanding.
"""

import jax, jax.numpy as jnp
import numpy as np

B, S, D_IN, D_OUT, H, NKV = 1, 2048, 1024, 1024, 16, 16
HD = D_OUT // H
CB, CS, SB, TK, WIN = 16, 16, 8, 2, 256

def setup_inputs(seed: int = 0):
    key = jax.random.key(seed)
    ks = jax.random.split(key, 12)
    s = 0.02
    return {
        "x": jax.random.normal(ks[0], (B, S, D_IN), dtype=jnp.float32),
        "Wq": jax.random.normal(ks[1], (D_IN, D_OUT), dtype=jnp.float32) * s,
        "Wk": jax.random.normal(ks[2], (D_IN, NKV * HD), dtype=jnp.float32) * s,
        "Wv": jax.random.normal(ks[3], (D_IN, NKV * HD), dtype=jnp.float32) * s,
        "Wo": jax.random.normal(ks[4], (D_OUT, D_OUT), dtype=jnp.float32) * s,
        "bo": jnp.zeros((D_OUT,), dtype=jnp.float32),
        "wk_comp": jax.random.normal(ks[5], (CB, 1), dtype=jnp.float32),
        "wv_comp": jax.random.normal(ks[6], (CB, 1), dtype=jnp.float32),
        "w_pe": jax.random.normal(ks[7], (CB, NKV * HD), dtype=jnp.float32),
        "Wg": jax.random.normal(ks[8], (D_IN, 3), dtype=jnp.float32) * s,
        "bg": jnp.zeros((3,), dtype=jnp.float32),
    }

def _attend(q, k, v, mask, scale):
    scores = jnp.einsum('bhqd,bhkd->bhqk', q, k) * scale
    scores = jnp.where(mask, scores, -1e9)
    p = jax.nn.softmax(scores, axis=-1)
    return jnp.einsum('bhqk,bhkd->bhqd', p, v)

def reference(x, Wq, Wk, Wv, Wo, bo, wk_comp, wv_comp, w_pe, Wg, bg):
    scale = 1.0 / np.sqrt(HD)
    q = x @ Wq
    k = x @ Wk
    v = x @ Wv
    # --- token compression (stride == block, seq divisible -> non-overlapping blocks) ---
    nblk = (S - CB) // CS + 1
    kb = k.reshape(B, nblk, CB, NKV * HD) + w_pe[None, None]
    vb = v.reshape(B, nblk, CB, NKV * HD) + w_pe[None, None]
    ck = jnp.einsum('bncd,c->bnd', kb, wk_comp[:, 0])
    cv = jnp.einsum('bncd,c->bnd', vb, wv_comp[:, 0])
    # --- split heads ---
    qh = q.reshape(B, S, H, HD).transpose(0, 2, 1, 3)
    kch = ck.reshape(B, nblk, NKV, HD).transpose(0, 2, 1, 3)
    vch = cv.reshape(B, nblk, NKV, HD).transpose(0, 2, 1, 3)
    pos = jnp.arange(S)
    # --- branch 1: compressed attention with compressed causal mask ---
    blk_end = (jnp.arange(nblk) + 1) * CS
    cmask = blk_end[None, :] <= pos[:, None]  # (S, nblk)
    out_c = _attend(qh, kch, vch, cmask[None, None], scale)
    # --- branch 2: block selection via compressed scores (top-k gather) ---
    sel_scores = jnp.einsum('bhqd,bhkd->bhqk', qh, kch) * scale
    importance = sel_scores.mean(axis=(1, 2))  # (B, nblk)
    _, top_idx = jax.lax.top_k(importance, TK)  # (B, TK)
    sel_pos = (top_idx[:, :, None] * CS + jnp.arange(SB)[None, None, :]).reshape(B, TK * SB)
    sel_pos = jnp.clip(sel_pos, 0, S - 1)
    sk = jnp.take_along_axis(k, sel_pos[:, :, None], axis=1)
    sv = jnp.take_along_axis(v, sel_pos[:, :, None], axis=1)
    skh = sk.reshape(B, TK * SB, NKV, HD).transpose(0, 2, 1, 3)
    svh = sv.reshape(B, TK * SB, NKV, HD).transpose(0, 2, 1, 3)
    smask = sel_pos[:, None, None, :] <= pos[None, None, :, None]  # (B,1,S,M)
    out_s = _attend(qh, skh, svh, smask, scale)
    # --- branch 3: sliding window attention ---
    kh = k.reshape(B, S, NKV, HD).transpose(0, 2, 1, 3)
    vh = v.reshape(B, S, NKV, HD).transpose(0, 2, 1, 3)
    wmask = (pos[None, :] <= pos[:, None]) & (pos[None, :] > pos[:, None] - WIN)
    out_w = _attend(qh, kh, vh, wmask[None, None], scale)
    # --- gated combination + output projection ---
    g = jax.nn.sigmoid(x @ Wg + bg)  # (B, S, 3)
    def merge(o):
        return o.transpose(0, 2, 1, 3).reshape(B, S, D_OUT)
    out = g[..., 0:1] * merge(out_c) + g[..., 1:2] * merge(out_s) + g[..., 2:3] * merge(out_w)
    return out @ Wo + bo

if __name__ == "__main__":
    import jax
    _d = setup_inputs()
    print(jax.jit(kernel)(*tuple(_d.values())))

</pallas_src>

<mosaic_0001>
#map = affine_map<(d0, d1) -> (0)>
#map1 = affine_map<(d0, d1) -> (0, 0)>
module attributes {stable_mosaic.version = 14 : i64} {
  func.func @sel_kernel(%arg0: i32, %arg1: i32, %arg2: memref<128xf32, #tpu.memory_space<hbm>>, %arg3: memref<2048x1024xf32, #tpu.memory_space<hbm>>, %arg4: memref<16xi32, #tpu.memory_space<hbm>>, %arg5: memref<16x1024xf32, #tpu.memory_space<hbm>>, %arg6: memref<128xf32, #tpu.memory_space<vmem>>, %arg7: memref<16xi32, #tpu.memory_space<vmem>>, %arg8: memref<16x1024xf32, #tpu.memory_space<vmem>>, %arg9: memref<!tpu.dma_semaphore, #tpu.memory_space<semaphore_mem>>) attributes {dimension_semantics = [#tpu.dimension_semantics<core_parallel>, #tpu.dimension_semantics<subcore_parallel>], iteration_bounds = array<i64: 2, 16>, scalar_prefetch = 0 : i64, scratch_operands = 4 : i64, tpu.core_type = #tpu.core_type<sc_vector_subcore>, window_params = [{transform_indices = #map}, {transform_indices = #map1}, {transform_indices = #map}, {transform_indices = #map1}]} {
    %mul3A = arith.constant 2 : i32
    %mul3A_0 = arith.muli %arg1, %mul3A : i32
    %add3A = arith.addi %mul3A_0, %arg0 : i32
    %eq3A = arith.constant 0 : i32
    %eq3A_1 = arith.cmpi eq, %add3A, %eq3A : i32
    %convert_element_type3A = arith.extui %eq3A_1 : i1 to i32
    %cond3A = arith.constant 0 : i32
    %cond3A_2 = arith.cmpi ne, %convert_element_type3A, %cond3A : i32
    scf.if %cond3A_2 {
      "tpu.region"() ({
        %run_scoped3A = tpu.sem_alloc : memref<!tpu.dma_semaphore, #tpu.memory_space<semaphore_mem>>
        tpu.enqueue_dma source(%arg2 : memref<128xf32, #tpu.memory_space<hbm>>) target(%arg6 : memref<128xf32, #tpu.memory_space<vmem>>) target_semaphore(%run_scoped3A : memref<!tpu.dma_semaphore, #tpu.memory_space<semaphore_mem>>)
        tpu.wait_dma2 semaphore(%run_scoped3A : memref<!tpu.dma_semaphore, #tpu.memory_space<semaphore_mem>>) src(%arg2 : memref<128xf32, #tpu.memory_space<hbm>>) dst(%arg6 : memref<128xf32, #tpu.memory_space<vmem>>)
        tpu.yield
      }) : () -> ()
      %iota3A = tpu.iota {dimensions = array<i32: 0>} : vector<16xi32>
      %broadcast_in_dim3A = arith.constant -3.400000e+38 : f32
      %broadcast_in_dim3A_3 = vector.broadcast %broadcast_in_dim3A : f32 to vector<16xf32>
      %broadcast_in_dim3A_4 = arith.constant 1073741824 : i32
      %broadcast_in_dim3A_5 = vector.broadcast %broadcast_in_dim3A_4 : i32 to vector<16xi32>
      %get3A = arith.constant 0 : index
      %get3A_6 = tpu.vector_load %arg6[%get3A] {strides = array<i32>} : memref<128xf32, #tpu.memory_space<vmem>>, vector<16xf32>,
      %get3A_7 = vector.shape_cast %get3A_6 : vector<16xf32> to vector<16xf32>
      %get3A_8 = arith.constant 16 : index
      %get3A_9 = tpu.vector_load %arg6[%get3A_8] {strides = array<i32>} : memref<128xf32, #tpu.memory_space<vmem>>, vector<16xf32>,
      %get3A_10 = vector.shape_cast %get3A_9 : vector<16xf32> to vector<16xf32>
      %get3A_11 = arith.constant 32 : index
      %get3A_12 = tpu.vector_load %arg6[%get3A_11] {strides = array<i32>} : memref<128xf32, #tpu.memory_space<vmem>>, vector<16xf32>,
      %get3A_13 = vector.shape_cast %get3A_12 : vector<16xf32> to vector<16xf32>
      %get3A_14 = arith.constant 48 : index
      %get3A_15 = tpu.vector_load %arg6[%get3A_14] {strides = array<i32>} : memref<128xf32, #tpu.memory_space<vmem>>, vector<16xf32>,
      %get3A_16 = vector.shape_cast %get3A_15 : vector<16xf32> to vector<16xf32>
      %get3A_17 = arith.constant 64 : index
      %get3A_18 = tpu.vector_load %arg6[%get3A_17] {strides = array<i32>} : memref<128xf32, #tpu.memory_space<vmem>>, vector<16xf32>,
      %get3A_19 = vector.shape_cast %get3A_18 : vector<16xf32> to vector<16xf32>
      %get3A_20 = arith.constant 80 : index
      %get3A_21 = tpu.vector_load %arg6[%get3A_20] {strides = array<i32>} : memref<128xf32, #tpu.memory_space<vmem>>, vector<16xf32>,
      %get3A_22 = vector.shape_cast %get3A_21 : vector<16xf32> to vector<16xf32>
      %get3A_23 = arith.constant 96 : index
      %get3A_24 = tpu.vector_load %arg6[%get3A_23] {strides = array<i32>} : memref<128xf32, #tpu.memory_space<vmem>>, vector<16xf32>,
      %get3A_25 = vector.shape_cast %get3A_24 : vector<16xf32> to vector<16xf32>
      %get3A_26 = arith.constant 112 : index
      %get3A_27 = tpu.vector_load %arg6[%get3A_26] {strides = array<i32>} : memref<128xf32, #tpu.memory_space<vmem>>, vector<16xf32>,
      %get3A_28 = vector.shape_cast %get3A_27 : vector<16xf32> to vector<16xf32>
      %add3A_29 = arith.constant 0 : i32
      %add3A_30 = vector.broadcast %add3A_29 : i32 to vector<16xi32>
      %add3A_31 = arith.addi %iota3A, %add3A_30 : vector<16xi32>
      %add3A_32 = arith.constant 16 : i32
      %add3A_33 = vector.broadcast %add3A_32 : i32 to vector<16xi32>
      %add3A_34 = arith.addi %iota3A, %add3A_33 : vector<16xi32>
      %add3A_35 = arith.constant 32 : i32
      %add3A_36 = vector.broadcast %add3A_35 : i32 to vector<16xi32>
      %add3A_37 = arith.addi %iota3A, %add3A_36 : vector<16xi32>
      %add3A_38 = arith.constant 48 : i32
      %add3A_39 = vector.broadcast %add3A_38 : i32 to vector<16xi32>
      %add3A_40 = arith.addi %iota3A, %add3A_39 : vector<16xi32>
      %add3A_41 = arith.constant 64 : i32
      %add3A_42 = vector.broadcast %add3A_41 : i32 to vector<16xi32>
      %add3A_43 = arith.addi %iota3A, %add3A_42 : vector<16xi32>
      %add3A_44 = arith.constant 80 : i32
      %add3A_45 = vector.broadcast %add3A_44 : i32 to vector<16xi32>
      %add3A_46 = arith.addi %iota3A, %add3A_45 : vector<16xi32>
      %add3A_47 = arith.constant 96 : i32
      %add3A_48 = vector.broadcast %add3A_47 : i32 to vector<16xi32>
      %add3A_49 = arith.addi %iota3A, %add3A_48 : vector<16xi32>
      %add3A_50 = arith.constant 112 : i32
      %add3A_51 = vector.broadcast %add3A_50 : i32 to vector<16xi32>
      %add3A_52 = arith.addi %iota3A, %add3A_51 : vector<16xi32>
      %max3A = arith.maximumf %get3A_7, %get3A_10 : vector<16xf32>
      %max3A_53 = arith.maximumf %max3A, %get3A_13 : vector<16xf32>
      %max3A_54 = arith.maximumf %max3A_53, %get3A_16 : vector<16xf32>
      %max3A_55 = arith.maximumf %max3A_54, %get3A_19 : vector<16xf32>
      %max3A_56 = arith.maximumf %max3A_55, %get3A_22 : vector<16xf32>
      %max3A_57 = arith.maximumf %max3A_56, %get3A_25 : vector<16xf32>
      %max3A_58 = arith.maximumf %max3A_57, %get3A_28 : vector<16xf32>
      %xor3A = arith.constant 8 : i32
      %xor3A_59 = vector.broadcast %xor3A : i32 to vector<16xi32>
      %xor3A_60 = arith.xori %iota3A, %xor3A_59 : vector<16xi32>
      %broadcast_in_dim3A_61 = vector.shape_cast %xor3A_60 : vector<16xi32> to vector<16x1xi32>
      %gather3A = vector.shape_cast %broadcast_in_dim3A_61 : vector<16x1xi32> to vector<16xi32>
      %gather3A_62 = tpu.dynamic_gather %max3A_58[%gather3A] in [0] : vector<16xf32>, vector<16xi32> -> vector<16xf32>
      %max3A_63 = arith.maximumf %max3A_58, %gather3A_62 : vector<16xf32>
      %xor3A_64 = arith.constant 4 : i32
      %xor3A_65 = vector.broadcast %xor3A_64 : i32 to vector<16xi32>
      %xor3A_66 = arith.xori %iota3A, %xor3A_65 : vector<16xi32>
      %broadcast_in_dim3A_67 = vector.shape_cast %xor3A_66 : vector<16xi32> to vector<16x1xi32>
      %gather3A_68 = vector.shape_cast %broadcast_in_dim3A_67 : vector<16x1xi32> to vector<16xi32>
      %gather3A_69 = tpu.dynamic_gather %max3A_63[%gather3A_68] in [0] : vector<16xf32>, vector<16xi32> -> vector<16xf32>
      %max3A_70 = arith.maximumf %max3A_63, %gather3A_69 : vector<16xf32>
      %xor3A_71 = arith.constant 2 : i32
      %xor3A_72 = vector.broadcast %xor3A_71 : i32 to vector<16xi32>
      %xor3A_73 = arith.xori %iota3A, %xor3A_72 : vector<16xi32>
      %broadcast_in_dim3A_74 = vector.shape_cast %xor3A_73 : vector<16xi32> to vector<16x1xi32>
      %gather3A_75 = vector.shape_cast %broadcast_in_dim3A_74 : vector<16x1xi32> to vector<16xi32>
      %gather3A_76 = tpu.dynamic_gather %max3A_70[%gather3A_75] in [0] : vector<16xf32>, vector<16xi32> -> vector<16xf32>
      %max3A_77 = arith.maximumf %max3A_70, %gather3A_76 : vector<16xf32>
      %xor3A_78 = arith.constant 1 : i32
      %xor3A_79 = vector.broadcast %xor3A_78 : i32 to vector<16xi32>
      %xor3A_80 = arith.xori %iota3A, %xor3A_79 : vector<16xi32>
      %broadcast_in_dim3A_81 = vector.shape_cast %xor3A_80 : vector<16xi32> to vector<16x1xi32>
      %gather3A_82 = vector.shape_cast %broadcast_in_dim3A_81 : vector<16x1xi32> to vector<16xi32>
      %gather3A_83 = tpu.dynamic_gather %max3A_77[%gather3A_82] in [0] : vector<16xf32>, vector<16xi32> -> vector<16xf32>
      %max3A_84 = arith.maximumf %max3A_77, %gather3A_83 : vector<16xf32>
      %eq3A_85 = arith.cmpf oeq, %get3A_7, %max3A_84 : vector<16xf32>
      %select_n3A = arith.select %eq3A_85, %add3A_31, %broadcast_in_dim3A_5 : vector<16xi1>, vector<16xi32>
      %eq3A_86 = arith.cmpf oeq, %get3A_10, %max3A_84 : vector<16xf32>
      %select_n3A_87 = arith.select %eq3A_86, %add3A_34, %broadcast_in_dim3A_5 : vector<16xi1>, vector<16xi32>
      %eq3A_88 = arith.cmpf oeq, %get3A_13, %max3A_84 : vector<16xf32>
      %select_n3A_89 = arith.select %eq3A_88, %add3A_37, %broadcast_in_dim3A_5 : vector<16xi1>, vector<16xi32>
      %eq3A_90 = arith.cmpf oeq, %get3A_16, %max3A_84 : vector<16xf32>
      %select_n3A_91 = arith.select %eq3A_90, %add3A_40, %broadcast_in_dim3A_5 : vector<16xi1>, vector<16xi32>
      %eq3A_92 = arith.cmpf oeq, %get3A_19, %max3A_84 : vector<16xf32>
      %select_n3A_93 = arith.select %eq3A_92, %add3A_43, %broadcast_in_dim3A_5 : vector<16xi1>, vector<16xi32>
      %eq3A_94 = arith.cmpf oeq, %get3A_22, %max3A_84 : vector<16xf32>
      %select_n3A_95 = arith.select %eq3A_94, %add3A_46, %broadcast_in_dim3A_5 : vector<16xi1>, vector<16xi32>
      %eq3A_96 = arith.cmpf oeq, %get3A_25, %max3A_84 : vector<16xf32>
      %select_n3A_97 = arith.select %eq3A_96, %add3A_49, %broadcast_in_dim3A_5 : vector<16xi1>, vector<16xi32>
      %eq3A_98 = arith.cmpf oeq, %get3A_28, %max3A_84 : vector<16xf32>
      %select_n3A_99 = arith.select %eq3A_98, %add3A_52, %broadcast_in_dim3A_5 : vector<16xi1>, vector<16xi32>
      %min3A = arith.minsi %select_n3A, %select_n3A_87 : vector<16xi32>
      %min3A_100 = arith.minsi %min3A, %select_n3A_89 : vector<16xi32>
      %min3A_101 = arith.minsi %min3A_100, %select_n3A_91 : vector<16xi32>
      %min3A_102 = arith.minsi %min3A_101, %select_n3A_93 : vector<16xi32>
      %min3A_103 = arith.minsi %min3A_102, %select_n3A_95 : vector<16xi32>
      %min3A_104 = arith.minsi %min3A_103, %select_n3A_97 : vector<16xi32>
      %min3A_105 = arith.minsi %min3A_104, %select_n3A_99 : vector<16xi32>
      %xor3A_106 = arith.constant 8 : i32
      %xor3A_107 = vector.broadcast %xor3A_106 : i32 to vector<16xi32>
      %xor3A_108 = arith.xori %iota3A, %xor3A_107 : vector<16xi32>
      %broadcast_in_dim3A_109 = vector.shape_cast %xor3A_108 : vector<16xi32> to vector<16x1xi32>
      %gather3A_110 = vector.shape_cast %broadcast_in_dim3A_109 : vector<16x1xi32> to vector<16xi32>
      %gather3A_111 = tpu.dynamic_gather %min3A_105[%gather3A_110] in [0] : vector<16xi32>, vector<16xi32> -> vector<16xi32>
      %min3A_112 = arith.minsi %min3A_105, %gather3A_111 : vector<16xi32>
      %xor3A_113 = arith.constant 4 : i32
      %xor3A_114 = vector.broadcast %xor3A_113 : i32 to vector<16xi32>
      %xor3A_115 = arith.xori %iota3A, %xor3A_114 : vector<16xi32>
      %broadcast_in_dim3A_116 = vector.shape_cast %xor3A_115 : vector<16xi32> to vector<16x1xi32>
      %gather3A_117 = vector.shape_cast %broadcast_in_dim3A_116 : vector<16x1xi32> to vector<16xi32>
      %gather3A_118 = tpu.dynamic_gather %min3A_112[%gather3A_117] in [0] : vector<16xi32>, vector<16xi32> -> vector<16xi32>
      %min3A_119 = arith.minsi %min3A_112, %gather3A_118 : vector<16xi32>
      %xor3A_120 = arith.constant 2 : i32
      %xor3A_121 = vector.broadcast %xor3A_120 : i32 to vector<16xi32>
      %xor3A_122 = arith.xori %iota3A, %xor3A_121 : vector<16xi32>
      %broadcast_in_dim3A_123 = vector.shape_cast %xor3A_122 : vector<16xi32> to vector<16x1xi32>
      %gather3A_124 = vector.shape_cast %broadcast_in_dim3A_123 : vector<16x1xi32> to vector<16xi32>
      %gather3A_125 = tpu.dynamic_gather %min3A_119[%gather3A_124] in [0] : vector<16xi32>, vector<16xi32> -> vector<16xi32>
      %min3A_126 = arith.minsi %min3A_119, %gather3A_125 : vector<16xi32>
      %xor3A_127 = arith.constant 1 : i32
      %xor3A_128 = vector.broadcast %xor3A_127 : i32 to vector<16xi32>
      %xor3A_129 = arith.xori %iota3A, %xor3A_128 : vector<16xi32>
      %broadcast_in_dim3A_130 = vector.shape_cast %xor3A_129 : vector<16xi32> to vector<16x1xi32>
      %gather3A_131 = vector.shape_cast %broadcast_in_dim3A_130 : vector<16x1xi32> to vector<16xi32>
      %gather3A_132 = tpu.dynamic_gather %min3A_126[%gather3A_131] in [0] : vector<16xi32>, vector<16xi32> -> vector<16xi32>
      %min3A_133 = arith.minsi %min3A_126, %gather3A_132 : vector<16xi32>
      %eq3A_134 = arith.cmpi eq, %add3A_31, %min3A_133 : vector<16xi32>
      %select_n3A_135 = arith.select %eq3A_134, %broadcast_in_dim3A_3, %get3A_7 : vector<16xi1>, vector<16xf32>
      %eq3A_136 = arith.cmpi eq, %add3A_34, %min3A_133 : vector<16xi32>
      %select_n3A_137 = arith.select %eq3A_136, %broadcast_in_dim3A_3, %get3A_10 : vector<16xi1>, vector<16xf32>
      %eq3A_138 = arith.cmpi eq, %add3A_37, %min3A_133 : vector<16xi32>
      %select_n3A_139 = arith.select %eq3A_138, %broadcast_in_dim3A_3, %get3A_13 : vector<16xi1>, vector<16xf32>
      %eq3A_140 = arith.cmpi eq, %add3A_40, %min3A_133 : vector<16xi32>
      %select_n3A_141 = arith.select %eq3A_140, %broadcast_in_dim3A_3, %get3A_16 : vector<16xi1>, vector<16xf32>
      %eq3A_142 = arith.cmpi eq, %add3A_43, %min3A_133 : vector<16xi32>
      %select_n3A_143 = arith.select %eq3A_142, %broadcast_in_dim3A_3, %get3A_19 : vector<16xi1>, vector<16xf32>
      %eq3A_144 = arith.cmpi eq, %add3A_46, %min3A_133 : vector<16xi32>
      %select_n3A_145 = arith.select %eq3A_144, %broadcast_in_dim3A_3, %get3A_22 : vector<16xi1>, vector<16xf32>
      %eq3A_146 = arith.cmpi eq, %add3A_49, %min3A_133 : vector<16xi32>
      %select_n3A_147 = arith.select %eq3A_146, %broadcast_in_dim3A_3, %get3A_25 : vector<16xi1>, vector<16xf32>
      %eq3A_148 = arith.cmpi eq, %add3A_52, %min3A_133 : vector<16xi32>
      %select_n3A_149 = arith.select %eq3A_148, %broadcast_in_dim3A_3, %get3A_28 : vector<16xi1>, vector<16xf32>
      %max3A_150 = arith.maximumf %select_n3A_135, %select_n3A_137 : vector<16xf32>
      %max3A_151 = arith.maximumf %max3A_150, %select_n3A_139 : vector<16xf32>
      %max3A_152 = arith.maximumf %max3A_151, %select_n3A_141 : vector<16xf32>
      %max3A_153 = arith.maximumf %max3A_152, %select_n3A_143 : vector<16xf32>
      %max3A_154 = arith.maximumf %max3A_153, %select_n3A_145 : vector<16xf32>
      %max3A_155 = arith.maximumf %max3A_154, %select_n3A_147 : vector<16xf32>
      %max3A_156 = arith.maximumf %max3A_155, %select_n3A_149 : vector<16xf32>
      %xor3A_157 = arith.constant 8 : i32
      %xor3A_158 = vector.broadcast %xor3A_157 : i32 to vector<16xi32>
      %xor3A_159 = arith.xori %iota3A, %xor3A_158 : vector<16xi32>
      %broadcast_in_dim3A_160 = vector.shape_cast %xor3A_159 : vector<16xi32> to vector<16x1xi32>
      %gather3A_161 = vector.shape_cast %broadcast_in_dim3A_160 : vector<16x1xi32> to vector<16xi32>
      %gather3A_162 = tpu.dynamic_gather %max3A_156[%gather3A_161] in [0] : vector<16xf32>, vector<16xi32> -> vector<16xf32>
      %max3A_163 = arith.maximumf %max3A_156, %gather3A_162 : vector<16xf32>
      %xor3A_164 = arith.constant 4 : i32
      %xor3A_165 = vector.broadcast %xor3A_164 : i32 to vector<16xi32>
      %xor3A_166 = arith.xori %iota3A, %xor3A_165 : vector<16xi32>
      %broadcast_in_dim3A_167 = vector.shape_cast %xor3A_166 : vector<16xi32> to vector<16x1xi32>
      %gather3A_168 = vector.shape_cast %broadcast_in_dim3A_167 : vector<16x1xi32> to vector<16xi32>
      %gather3A_169 = tpu.dynamic_gather %max3A_163[%gather3A_168] in [0] : vector<16xf32>, vector<16xi32> -> vector<16xf32>
      %max3A_170 = arith.maximumf %max3A_163, %gather3A_169 : vector<16xf32>
      %xor3A_171 = arith.constant 2 : i32
      %xor3A_172 = vector.broadcast %xor3A_171 : i32 to vector<16xi32>
      %xor3A_173 = arith.xori %iota3A, %xor3A_172 : vector<16xi32>
      %broadcast_in_dim3A_174 = vector.shape_cast %xor3A_173 : vector<16xi32> to vector<16x1xi32>
      %gather3A_175 = vector.shape_cast %broadcast_in_dim3A_174 : vector<16x1xi32> to vector<16xi32>
      %gather3A_176 = tpu.dynamic_gather %max3A_170[%gather3A_175] in [0] : vector<16xf32>, vector<16xi32> -> vector<16xf32>
      %max3A_177 = arith.maximumf %max3A_170, %gather3A_176 : vector<16xf32>
      %xor3A_178 = arith.constant 1 : i32
      %xor3A_179 = vector.broadcast %xor3A_178 : i32 to vector<16xi32>
      %xor3A_180 = arith.xori %iota3A, %xor3A_179 : vector<16xi32>
      %broadcast_in_dim3A_181 = vector.shape_cast %xor3A_180 : vector<16xi32> to vector<16x1xi32>
      %gather3A_182 = vector.shape_cast %broadcast_in_dim3A_181 : vector<16x1xi32> to vector<16xi32>
      %gather3A_183 = tpu.dynamic_gather %max3A_177[%gather3A_182] in [0] : vector<16xf32>, vector<16xi32> -> vector<16xf32>
      %max3A_184 = arith.maximumf %max3A_177, %gather3A_183 : vector<16xf32>
      %eq3A_185 = arith.cmpf oeq, %select_n3A_135, %max3A_184 : vector<16xf32>
      %select_n3A_186 = arith.select %eq3A_185, %add3A_31, %broadcast_in_dim3A_5 : vector<16xi1>, vector<16xi32>
      %eq3A_187 = arith.cmpf oeq, %select_n3A_137, %max3A_184 : vector<16xf32>
      %select_n3A_188 = arith.select %eq3A_187, %add3A_34, %broadcast_in_dim3A_5 : vector<16xi1>, vector<16xi32>
      %eq3A_189 = arith.cmpf oeq, %select_n3A_139, %max3A_184 : vector<16xf32>
      %select_n3A_190 = arith.select %eq3A_189, %add3A_37, %broadcast_in_dim3A_5 : vector<16xi1>, vector<16xi32>
      %eq3A_191 = arith.cmpf oeq, %select_n3A_141, %max3A_184 : vector<16xf32>
      %select_n3A_192 = arith.select %eq3A_191, %add3A_40, %broadcast_in_dim3A_5 : vector<16xi1>, vector<16xi32>
      %eq3A_193 = arith.cmpf oeq, %select_n3A_143, %max3A_184 : vector<16xf32>
      %select_n3A_194 = arith.select %eq3A_193, %add3A_43, %broadcast_in_dim3A_5 : vector<16xi1>, vector<16xi32>
      %eq3A_195 = arith.cmpf oeq, %select_n3A_145, %max3A_184 : vector<16xf32>
      %select_n3A_196 = arith.select %eq3A_195, %add3A_46, %broadcast_in_dim3A_5 : vector<16xi1>, vector<16xi32>
      %eq3A_197 = arith.cmpf oeq, %select_n3A_147, %max3A_184 : vector<16xf32>
      %select_n3A_198 = arith.select %eq3A_197, %add3A_49, %broadcast_in_dim3A_5 : vector<16xi1>, vector<16xi32>
      %eq3A_199 = arith.cmpf oeq, %select_n3A_149, %max3A_184 : vector<16xf32>
      %select_n3A_200 = arith.select %eq3A_199, %add3A_52, %broadcast_in_dim3A_5 : vector<16xi1>, vector<16xi32>
      %min3A_201 = arith.minsi %select_n3A_186, %select_n3A_188 : vector<16xi32>
      %min3A_202 = arith.minsi %min3A_201, %select_n3A_190 : vector<16xi32>
      %min3A_203 = arith.minsi %min3A_202, %select_n3A_192 : vector<16xi32>
      %min3A_204 = arith.minsi %min3A_203, %select_n3A_194 : vector<16xi32>
      %min3A_205 = arith.minsi %min3A_204, %select_n3A_196 : vector<16xi32>
      %min3A_206 = arith.minsi %min3A_205, %select_n3A_198 : vector<16xi32>
      %min3A_207 = arith.minsi %min3A_206, %select_n3A_200 : vector<16xi32>
      %xor3A_208 = arith.constant 8 : i32
      %xor3A_209 = vector.broadcast %xor3A_208 : i32 to vector<16xi32>
      %xor3A_210 = arith.xori %iota3A, %xor3A_209 : vector<16xi32>
      %broadcast_in_dim3A_211 = vector.shape_cast %xor3A_210 : vector<16xi32> to vector<16x1xi32>
      %gather3A_212 = vector.shape_cast %broadcast_in_dim3A_211 : vector<16x1xi32> to vector<16xi32>
      %gather3A_213 = tpu.dynamic_gather %min3A_207[%gather3A_212] in [0] : vector<16xi32>, vector<16xi32> -> vector<16xi32>
      %min3A_214 = arith.minsi %min3A_207, %gather3A_213 : vector<16xi32>
      %xor3A_215 = arith.constant 4 : i32
      %xor3A_216 = vector.broadcast %xor3A_215 : i32 to vector<16xi32>
      %xor3A_217 = arith.xori %iota3A, %xor3A_216 : vector<16xi32>
      %broadcast_in_dim3A_218 = vector.shape_cast %xor3A_217 : vector<16xi32> to vector<16x1xi32>
      %gather3A_219 = vector.shape_cast %broadcast_in_dim3A_218 : vector<16x1xi32> to vector<16xi32>
      %gather3A_220 = tpu.dynamic_gather %min3A_214[%gather3A_219] in [0] : vector<16xi32>, vector<16xi32> -> vector<16xi32>
      %min3A_221 = arith.minsi %min3A_214, %gather3A_220 : vector<16xi32>
      %xor3A_222 = arith.constant 2 : i32
      %xor3A_223 = vector.broadcast %xor3A_222 : i32 to vector<16xi32>
      %xor3A_224 = arith.xori %iota3A, %xor3A_223 : vector<16xi32>
      %broadcast_in_dim3A_225 = vector.shape_cast %xor3A_224 : vector<16xi32> to vector<16x1xi32>
      %gather3A_226 = vector.shape_cast %broadcast_in_dim3A_225 : vector<16x1xi32> to vector<16xi32>
      %gather3A_227 = tpu.dynamic_gather %min3A_221[%gather3A_226] in [0] : vector<16xi32>, vector<16xi32> -> vector<16xi32>
      %min3A_228 = arith.minsi %min3A_221, %gather3A_227 : vector<16xi32>
      %xor3A_229 = arith.constant 1 : i32
      %xor3A_230 = vector.broadcast %xor3A_229 : i32 to vector<16xi32>
      %xor3A_231 = arith.xori %iota3A, %xor3A_230 : vector<16xi32>
      %broadcast_in_dim3A_232 = vector.shape_cast %xor3A_231 : vector<16xi32> to vector<16x1xi32>
      %gather3A_233 = vector.shape_cast %broadcast_in_dim3A_232 : vector<16x1xi32> to vector<16xi32>
      %gather3A_234 = tpu.dynamic_gather %min3A_228[%gather3A_233] in [0] : vector<16xi32>, vector<16xi32> -> vector<16xi32>
      %min3A_235 = arith.minsi %min3A_228, %gather3A_234 : vector<16xi32>
      %lt3A = arith.constant 8 : i32
      %lt3A_236 = vector.broadcast %lt3A : i32 to vector<16xi32>
      %lt3A_237 = arith.cmpi slt, %iota3A, %lt3A_236 : vector<16xi32>
      %select_n3A_238 = arith.select %lt3A_237, %min3A_133, %min3A_235 : vector<16xi1>, vector<16xi32>
      %mul3A_239 = arith.constant 16 : i32
      %mul3A_240 = vector.broadcast %mul3A_239 : i32 to vector<16xi32>
      %mul3A_241 = arith.muli %select_n3A_238, %mul3A_240 : vector<16xi32>
      %and3A = arith.constant 7 : i32
      %and3A_242 = vector.broadcast %and3A : i32 to vector<16xi32>
      %and3A_243 = arith.andi %iota3A, %and3A_242 : vector<16xi32>
      %add3A_244 = arith.addi %mul3A_241, %and3A_243 : vector<16xi32>
      %swap3A = arith.constant 0 : index
      %swap3A_245 = tpu.vector_load %arg7[%swap3A] {strides = array<i32>} : memref<16xi32, #tpu.memory_space<vmem>>, vector<16xi32>,
      %swap3A_246 = vector.shape_cast %swap3A_245 : vector<16xi32> to vector<16xi32>
      %swap3A_247 = vector.shape_cast %add3A_244 : vector<16xi32> to vector<16xi32>
      tpu.vector_store %arg7[%swap3A], %swap3A_247 {strides = array<i32>} : memref<16xi32, #tpu.memory_space<vmem>>, vector<16xi32>,
      "tpu.region"() ({
        %run_scoped3A = tpu.sem_alloc : memref<!tpu.dma_semaphore, #tpu.memory_space<semaphore_mem>>
        tpu.enqueue_dma source(%arg7 : memref<16xi32, #tpu.memory_space<vmem>>) target(%arg4 : memref<16xi32, #tpu.memory_space<hbm>>) target_semaphore(%run_scoped3A : memref<!tpu.dma_semaphore, #tpu.memory_space<semaphore_mem>>)
        tpu.wait_dma2 semaphore(%run_scoped3A : memref<!tpu.dma_semaphore, #tpu.memory_space<semaphore_mem>>) src(%arg7 : memref<16xi32, #tpu.memory_space<vmem>>) dst(%arg4 : memref<16xi32, #tpu.memory_space<hbm>>)
        tpu.yield
      }) : () -> ()
      %dma_start3A = arith.constant 0 : i32
      %dma_start3A_248 = arith.constant 0 : i32
      %dma_start3A_249 = tpu.memref_slice %arg3[%dma_start3A, %dma_start3A_248] : memref<2048x1024xf32, #tpu.memory_space<hbm>> -> memref<2048x1024xf32, #tpu.memory_space<hbm>>
      tpu.enqueue_indirect_dma source(%dma_start3A_249 : memref<2048x1024xf32, #tpu.memory_space<hbm>>) target(%arg8 : memref<16x1024xf32, #tpu.memory_space<vmem>>) offsets(%arg7 : memref<16xi32, #tpu.memory_space<vmem>>) semaphore(%arg9 : memref<!tpu.dma_semaphore, #tpu.memory_space<semaphore_mem>>)
      %dma_wait3A = arith.constant 0 : i32
      %dma_wait3A_250 = arith.constant 0 : i32
      %dma_wait3A_251 = tpu.memref_slice %arg3[%dma_wait3A, %dma_wait3A_250] : memref<2048x1024xf32, #tpu.memory_space<hbm>> -> memref<2048x1024xf32, #tpu.memory_space<hbm>>
      tpu.wait_indirect_dma semaphore(%arg9 : memref<!tpu.dma_semaphore, #tpu.memory_space<semaphore_mem>>) src(%dma_wait3A_251 : memref<2048x1024xf32, #tpu.memory_space<hbm>>) dst(%arg8 : memref<16x1024xf32, #tpu.memory_space<vmem>>)
      "tpu.region"() ({
        %run_scoped3A = tpu.sem_alloc : memref<!tpu.dma_semaphore, #tpu.memory_space<semaphore_mem>>
        tpu.enqueue_dma source(%arg8 : memref<16x1024xf32, #tpu.memory_space<vmem>>) target(%arg5 : memref<16x1024xf32, #tpu.memory_space<hbm>>) target_semaphore(%run_scoped3A : memref<!tpu.dma_semaphore, #tpu.memory_space<semaphore_mem>>)
        tpu.wait_dma2 semaphore(%run_scoped3A : memref<!tpu.dma_semaphore, #tpu.memory_space<semaphore_mem>>) src(%arg8 : memref<16x1024xf32, #tpu.memory_space<vmem>>) dst(%arg5 : memref<16x1024xf32, #tpu.memory_space<hbm>>)
        tpu.yield
      }) : () -> ()
    } else {
    }
    return
  }
}

module attributes {stable_mosaic.version = 14 : i64} {
  func.func @_proj_body(%arg0: i32, %arg1: memref<256x1024xf32, #tpu.memory_space<vmem>>, %arg2: memref<1024x1024xf32, #tpu.memory_space<vmem>>, %arg3: memref<1024x1024xf32, #tpu.memory_space<vmem>>, %arg4: memref<1024x1024xf32, #tpu.memory_space<vmem>>, %arg5: memref<1024x3xf32, #tpu.memory_space<vmem>>, %arg6: memref<1x3xf32, #tpu.memory_space<vmem>>, %arg7: memref<16x1xf32, #tpu.memory_space<vmem>>, %arg8: memref<16x1xf32, #tpu.memory_space<vmem>>, %arg9: memref<16x1024xf32, #tpu.memory_space<vmem>>, %arg10: memref<256x1024xf32, #tpu.memory_space<vmem>>, %arg11: memref<1024x256xf32, #tpu.memory_space<vmem>>, %arg12: memref<256x1024xf32, #tpu.memory_space<vmem>>, %arg13: memref<1024x128xf32, #tpu.memory_space<vmem>>, %arg14: memref<16x1024xf32, #tpu.memory_space<vmem>>, %arg15: memref<256x3xf32, #tpu.memory_space<vmem>>, %arg16: memref<1x128xf32, #tpu.memory_space<vmem>>, %arg17: memref<128x1024xf32, #tpu.memory_space<vmem>>, %arg18: memref<1x1024xf32, #tpu.memory_space<vmem>>) attributes {dimension_semantics = [#tpu.dimension_semantics<arbitrary>], iteration_bounds = array<i64: 8>, scalar_prefetch = 0 : i64, scratch_operands = 2 : i64, tpu.core_type = #tpu.core_type<tc>, window_params = [{transform_indices = @transform_0, window_bounds = array<i64: 256, 1024>}, {pipeline_mode = #tpu.pipeline_mode<synchronous>, transform_indices = @transform_1, window_bounds = array<i64: 1024, 1024>}, {pipeline_mode = #tpu.pipeline_mode<synchronous>, transform_indices = @transform_2, window_bounds = array<i64: 1024, 1024>}, {pipeline_mode = #tpu.pipeline_mode<synchronous>, transform_indices = @transform_3, window_bounds = array<i64: 1024, 1024>}, {pipeline_mode = #tpu.pipeline_mode<synchronous>, transform_indices = @transform_4, window_bounds = array<i64: 1024, 3>}, {pipeline_mode = #tpu.pipeline_mode<synchronous>, transform_indices = @transform_5, window_bounds = array<i64: 1, 3>}, {pipeline_mode = #tpu.pipeline_mode<synchronous>, transform_indices = @transform_6, window_bounds = array<i64: 16, 1>}, {pipeline_mode = #tpu.pipeline_mode<synchronous>, transform_indices = @transform_7, window_bounds = array<i64: 16, 1>}, {pipeline_mode = #tpu.pipeline_mode<synchronous>, transform_indices = @transform_8, window_bounds = array<i64: 16, 1024>}, {transform_indices = @transform_9, window_bounds = array<i64: 256, 1024>}, {transform_indices = @transform_10, window_bounds = array<i64: 1024, 256>}, {transform_indices = @transform_11, window_bounds = array<i64: 256, 1024>}, {pipeline_mode = #tpu.pipeline_mode<synchronous>, transform_indices = @transform_12, window_bounds = array<i64: 1024, 128>}, {transform_indices = @transform_13, window_bounds = array<i64: 16, 1024>}, {transform_indices = @transform_14, window_bounds = array<i64: 256, 3>}, {pipeline_mode = #tpu.pipeline_mode<synchronous>, transform_indices = @transform_15, window_bounds = array<i64: 1, 128>}]} {
    %get3A = arith.constant 0 : index
    %get3A_0 = arith.constant 0 : index
    %get3A_1 = vector.load %arg1[%get3A, %get3A_0] : memref<256x1024xf32, #tpu.memory_space<vmem>>, vector<256x1024xf32>
    %get3A_2 = arith.constant 0 : index
    %get3A_3 = arith.constant 0 : index
    %get3A_4 = vector.load %arg2[%get3A_2, %get3A_3] : memref<1024x1024xf32, #tpu.memory_space<vmem>>, vector<1024x1024xf32>
    %dot_general3A = arith.constant dense<0.000000e+00> : vector<256x1024xf32>
    %dot_general3A_5 = tpu.matmul %get3A_1, %get3A_4, %dot_general3A {dimension_numbers = #tpu.dot_dimension_numbers<[1], [0], [0], [1], [0, 0, 1, 1], [], []>, transpose_lhs_hint = false} : vector<256x1024xf32>, vector<1024x1024xf32>, vector<256x1024xf32> -> vector<256x1024xf32>
    %mul3A = arith.constant 1.250000e-01 : f32
    %mul3A_6 = vector.broadcast %mul3A : f32 to vector<256x1024xf32>
    %mul3A_7 = arith.mulf %dot_general3A_5, %mul3A_6 : vector<256x1024xf32>
    %get3A_8 = arith.constant 0 : index
    %get3A_9 = arith.constant 0 : index
    %get3A_10 = vector.load %arg3[%get3A_8, %get3A_9] : memref<1024x1024xf32, #tpu.memory_space<vmem>>, vector<1024x1024xf32>
    %dot_general3A_11 = arith.constant dense<0.000000e+00> : vector<256x1024xf32>
    %dot_general3A_12 = tpu.matmul %get3A_1, %get3A_10, %dot_general3A_11 {dimension_numbers = #tpu.dot_dimension_numbers<[1], [0], [0], [1], [0, 0, 1, 1], [], []>, transpose_lhs_hint = false} : vector<256x1024xf32>, vector<1024x1024xf32>, vector<256x1024xf32> -> vector<256x1024xf32>
    %get3A_13 = arith.constant 0 : index
    %get3A_14 = arith.constant 0 : index
    %get3A_15 = vector.load %arg4[%get3A_13, %get3A_14] : memref<1024x1024xf32, #tpu.memory_space<vmem>>, vector<1024x1024xf32>
    %dot_general3A_16 = arith.constant dense<0.000000e+00> : vector<256x1024xf32>
    %dot_general3A_17 = tpu.matmul %get3A_1, %get3A_15, %dot_general3A_16 {dimension_numbers = #tpu.dot_dimension_numbers<[1], [0], [0], [1], [0, 0, 1, 1], [], []>, transpose_lhs_hint = false} : vector<256x1024xf32>, vector<1024x1024xf32>, vector<256x1024xf32> -> vector<256x1024xf32>
    %swap3A = arith.constant 0 : index
    %swap3A_18 = arith.constant 0 : index
    %swap3A_19 = vector.load %arg10[%swap3A, %swap3A_18] : memref<256x1024xf32, #tpu.memory_space<vmem>>, vector<256x1024xf32>
    tpu.vector_store %arg10[%swap3A, %swap3A_18], %mul3A_7 {strides = array<i32>} : memref<256x1024xf32, #tpu.memory_space<vmem>>, vector<256x1024xf32>,
    %transpose3A = tpu.transpose %dot_general3A_12, [1, 0] : vector<256x1024xf32> -> vector<1024x256xf32>
    %swap3A_20 = arith.constant 0 : index
    %swap3A_21 = arith.constant 0 : index
    %swap3A_22 = vector.load %arg11[%swap3A_20, %swap3A_21] : memref<1024x256xf32, #tpu.memory_space<vmem>>, vector<1024x256xf32>
    tpu.vector_store %arg11[%swap3A_20, %swap3A_21], %transpose3A {strides = array<i32>} : memref<1024x256xf32, #tpu.memory_space<vmem>>, vector<1024x256xf32>,
    %swap3A_23 = arith.constant 0 : index
    %swap3A_24 = arith.constant 0 : index
    %swap3A_25 = vector.load %arg12[%swap3A_23, %swap3A_24] : memref<256x1024xf32, #tpu.memory_space<vmem>>, vector<256x1024xf32>
    tpu.vector_store %arg12[%swap3A_23, %swap3A_24], %dot_general3A_17 {strides = array<i32>} : memref<256x1024xf32, #tpu.memory_space<vmem>>, vector<256x1024xf32>,
    %iota3A = tpu.iota {dimensions = array<i32: 0>} : vector<16x256xi32>
    %iota3A_26 = tpu.iota {dimensions = array<i32: 1>} : vector<16x256xi32>
    %shift_right_arithmetic3A = arith.constant 4 : i32
    %shift_right_arithmetic3A_27 = vector.broadcast %shift_right_arithmetic3A : i32 to vector<16x256xi32>
    %shift_right_arithmetic3A_28 = arith.shrsi %iota3A_26, %shift_right_arithmetic3A_27 : vector<16x256xi32>
    %eq3A = arith.cmpi eq, %shift_right_arithmetic3A_28, %iota3A : vector<16x256xi32>
    %get3A_29 = arith.constant 0 : index
    %get3A_30 = arith.constant 0 : index
    %get3A_31 = vector.load %arg7[%get3A_29, %get3A_30] : memref<16x1xf32, #tpu.memory_space<vmem>>, vector<16x1xf32>
    %transpose3A_32 = tpu.transpose %get3A_31, [1, 0] : vector<16x1xf32> -> vector<1x16xf32>
    %get3A_33 = arith.constant 0 : index
    %get3A_34 = arith.constant 0 : index
    %get3A_35 = vector.load %arg8[%get3A_33, %get3A_34] : memref<16x1xf32, #tpu.memory_space<vmem>>, vector<16x1xf32>
    %transpose3A_36 = tpu.transpose %get3A_35, [1, 0] : vector<16x1xf32> -> vector<1x16xf32>
    %concatenate3A = tpu.concatenate %transpose3A_32, %transpose3A_32, %transpose3A_32, %transpose3A_32, %transpose3A_32, %transpose3A_32, %transpose3A_32, %transpose3A_32, %transpose3A_32, %transpose3A_32, %transpose3A_32, %transpose3A_32, %transpose3A_32, %transpose3A_32, %transpose3A_32, %transpose3A_32 in 1 : vector<1x16xf32>, vector<1x16xf32>, vector<1x16xf32>, vector<1x16xf32>, vector<1x16xf32>, vector<1x16xf32>, vector<1x16xf32>, vector<1x16xf32>, vector<1x16xf32>, vector<1x16xf32>, vector<1x16xf32>, vector<1x16xf32>, vector<1x16xf32>, vector<1x16xf32>, vector<1x16xf32>, vector<1x16xf32> -> vector<1x256xf32>
    %concatenate3A_37 = tpu.concatenate %transpose3A_36, %transpose3A_36, %transpose3A_36, %transpose3A_36, %transpose3A_36, %transpose3A_36, %transpose3A_36, %transpose3A_36, %transpose3A_36, %transpose3A_36, %transpose3A_36, %transpose3A_36, %transpose3A_36, %transpose3A_36, %transpose3A_36, %transpose3A_36 in 1 : vector<1x16xf32>, vector<1x16xf32>, vector<1x16xf32>, vector<1x16xf32>, vector<1x16xf32>, vector<1x16xf32>, vector<1x16xf32>, vector<1x16xf32>, vector<1x16xf32>, vector<1x16xf32>, vector<1x16xf32>, vector<1x16xf32>, vector<1x16xf32>, vector<1x16xf32>, vector<1x16xf32>, vector<1x16xf32> -> vector<1x256xf32>
    %jit3A = arith.constant 0.000000e+00 : f32
    %broadcast_in_dim3A = vector.shape_cast %concatenate3A : vector<1x256xf32> to vector<1x256xf32>
    %broadcast_in_dim3A_38 = vector.broadcast %broadcast_in_dim3A : vector<1x256xf32> to vector<16x256xf32>
    %broadcast_in_dim3A_39 = vector.broadcast %jit3A : f32 to vector<16x256xf32>
    %select_n3A = arith.select %eq3A, %broadcast_in_dim3A_38, %broadcast_in_dim3A_39 : vector<16x256xi1>, vector<16x256xf32>
    %jit3A_40 = arith.constant 0.000000e+00 : f32
    %broadcast_in_dim3A_41 = vector.shape_cast %concatenate3A_37 : vector<1x256xf32> to vector<1x256xf32>
    %broadcast_in_dim3A_42 = vector.broadcast %broadcast_in_dim3A_41 : vector<1x256xf32> to vector<16x256xf32>
    %broadcast_in_dim3A_43 = vector.broadcast %jit3A_40 : f32 to vector<16x256xf32>
    %select_n3A_44 = arith.select %eq3A, %broadcast_in_dim3A_42, %broadcast_in_dim3A_43 : vector<16x256xi1>, vector<16x256xf32>
    %get3A_45 = arith.constant 0 : index
    %get3A_46 = arith.constant 0 : index
    %get3A_47 = vector.load %arg9[%get3A_45, %get3A_46] : memref<16x1024xf32, #tpu.memory_space<vmem>>, vector<16x1024xf32>
    %dot_general3A_48 = arith.constant dense<0.000000e+00> : vector<1x1024xf32>
    %dot_general3A_49 = tpu.matmul %transpose3A_32, %get3A_47, %dot_general3A_48 {dimension_numbers = #tpu.dot_dimension_numbers<[1], [0], [0], [1], [0, 0, 1, 1], [], []>, transpose_lhs_hint = false} : vector<1x16xf32>, vector<16x1024xf32>, vector<1x1024xf32> -> vector<1x1024xf32>
    %get3A_50 = arith.constant 0 : index
    %get3A_51 = arith.constant 0 : index
    %get3A_52 = vector.load %arg9[%get3A_50, %get3A_51] : memref<16x1024xf32, #tpu.memory_space<vmem>>, vector<16x1024xf32>
    %dot_general3A_53 = arith.constant dense<0.000000e+00> : vector<1x1024xf32>
    %dot_general3A_54 = tpu.matmul %transpose3A_36, %get3A_52, %dot_general3A_53 {dimension_numbers = #tpu.dot_dimension_numbers<[1], [0], [0], [1], [0, 0, 1, 1], [], []>, transpose_lhs_hint = false} : vector<1x16xf32>, vector<16x1024xf32>, vector<1x1024xf32> -> vector<1x1024xf32>
    %dot_general3A_55 = arith.constant dense<0.000000e+00> : vector<16x1024xf32>
    %dot_general3A_56 = tpu.matmul %select_n3A, %dot_general3A_12, %dot_general3A_55 {dimension_numbers = #tpu.dot_dimension_numbers<[1], [0], [0], [1], [0, 0, 1, 1], [], []>, transpose_lhs_hint = false} : vector<16x256xf32>, vector<256x1024xf32>, vector<16x1024xf32> -> vector<16x1024xf32>
    %add3A = vector.broadcast %dot_general3A_49 : vector<1x1024xf32> to vector<16x1024xf32>
    %add3A_57 = arith.addf %dot_general3A_56, %add3A : vector<16x1024xf32>
    %dot_general3A_58 = arith.constant dense<0.000000e+00> : vector<16x1024xf32>
    %dot_general3A_59 = tpu.matmul %select_n3A_44, %dot_general3A_17, %dot_general3A_58 {dimension_numbers = #tpu.dot_dimension_numbers<[1], [0], [0], [1], [0, 0, 1, 1], [], []>, transpose_lhs_hint = false} : vector<16x256xf32>, vector<256x1024xf32>, vector<16x1024xf32> -> vector<16x1024xf32>
    %add3A_60 = vector.broadcast %dot_general3A_54 : vector<1x1024xf32> to vector<16x1024xf32>
    %add3A_61 = arith.addf %dot_general3A_59, %add3A_60 : vector<16x1024xf32>
    %swap3A_62 = arith.constant 0 : index
    %swap3A_63 = arith.constant 0 : index
    %swap3A_64 = vector.load %arg14[%swap3A_62, %swap3A_63] : memref<16x1024xf32, #tpu.memory_space<vmem>>, vector<16x1024xf32>
    tpu.vector_store %arg14[%swap3A_62, %swap3A_63], %add3A_61 {strides = array<i32>} : memref<16x1024xf32, #tpu.memory_space<vmem>>, vector<16x1024xf32>,
    %get3A_65 = arith.constant 0 : index
    %get3A_66 = arith.constant 0 : index
    %get3A_67 = vector.load %arg5[%get3A_65, %get3A_66] : memref<1024x3xf32, #tpu.memory_space<vmem>>, vector<1024x3xf32>
    %dot_general3A_68 = arith.constant dense<0.000000e+00> : vector<256x3xf32>
    %dot_general3A_69 = tpu.matmul %get3A_1, %get3A_67, %dot_general3A_68 {dimension_numbers = #tpu.dot_dimension_numbers<[1], [0], [0], [1], [0, 0, 1, 1], [], []>, transpose_lhs_hint = false} : vector<256x1024xf32>, vector<1024x3xf32>, vector<256x3xf32> -> vector<256x3xf32>
    %get3A_70 = arith.constant 0 : index
    %get3A_71 = arith.constant 0 : index
    %get3A_72 = vector.load %arg6[%get3A_70, %get3A_71] : memref<1x3xf32, #tpu.memory_space<vmem>>, vector<1x3xf32>
    %add3A_73 = vector.broadcast %get3A_72 : vector<1x3xf32> to vector<256x3xf32>
    %add3A_74 = arith.addf %dot_general3A_69, %add3A_73 : vector<256x3xf32>
    %logistic3A = arith.negf %add3A_74 : vector<256x3xf32>
    %logistic3A_75 = math.exp %logistic3A : vector<256x3xf32>
    %logistic3A_76 = arith.constant 1.000000e+00 : f32
    %logistic3A_77 = vector.broadcast %logistic3A_76 : f32 to vector<256x3xf32>
    %logistic3A_78 = arith.addf %logistic3A_77, %logistic3A_75 : vector<256x3xf32>
    %logistic3A_79 = arith.divf %logistic3A_77, %logistic3A_78 : vector<256x3xf32>
    %swap3A_80 = arith.constant 0 : index
    %swap3A_81 = arith.constant 0 : index
    %swap3A_82 = vector.load %arg15[%swap3A_80, %swap3A_81] : memref<256x3xf32, #tpu.memory_space<vmem>>, vector<256x3xf32>
    tpu.vector_store %arg15[%swap3A_80, %swap3A_81], %logistic3A_79 {strides = array<i32>} : memref<256x3xf32, #tpu.memory_space<vmem>>, vector<256x3xf32>,
    %mul3A_83 = arith.constant 16 : i32
    %mul3A_84 = arith.muli %arg0, %mul3A_83 : i32
    %swap3A_85 = arith.index_cast %mul3A_84 : i32 to index
    %swap3A_86 = arith.constant 0 : index
    %swap3A_87 = vector.load %arg17[%swap3A_85, %swap3A_86] : memref<128x1024xf32, #tpu.memory_space<vmem>>, vector<16x1024xf32>
    tpu.vector_store %arg17[%swap3A_85, %swap3A_86], %add3A_57 {strides = array<i32>} : memref<128x1024xf32, #tpu.memory_space<vmem>>, vector<16x1024xf32>,
    %reduce_sum3A = arith.constant dense<0.000000e+00> : vector<1024xf32>
    %reduce_sum3A_88 = vector.multi_reduction <add>, %mul3A_7, %reduce_sum3A [0] : vector<256x1024xf32> to vector<1024xf32>
    %broadcast_in_dim3A_89 = vector.shape_cast %reduce_sum3A_88 : vector<1024xf32> to vector<1x1024xf32>
    %eq3A_90 = arith.constant 0 : i32
    %eq3A_91 = arith.cmpi eq, %arg0, %eq3A_90 : i32
    %convert_element_type3A = arith.extui %eq3A_91 : i1 to i32
    %cond3A = arith.constant 0 : i32
    %cond3A_92 = arith.cmpi ne, %convert_element_type3A, %cond3A : i32
    scf.if %cond3A_92 {
      %swap3A_102 = arith.constant 0 : index
      %swap3A_103 = arith.constant 0 : index
      %swap3A_104 = vector.load %arg18[%swap3A_102, %swap3A_103] : memref<1x1024xf32, #tpu.memory_space<vmem>>, vector<1x1024xf32>
      tpu.vector_store %arg18[%swap3A_102, %swap3A_103], %broadcast_in_dim3A_89 {strides = array<i32>} : memref<1x1024xf32, #tpu.memory_space<vmem>>, vector<1x1024xf32>,
      %broadcast_in_dim3A_105 = arith.constant 0.000000e+00 : f32
      %broadcast_in_dim3A_106 = vector.broadcast %broadcast_in_dim3A_105 : f32 to vector<1x128xf32>
      %swap3A_107 = arith.constant 0 : index
      %swap3A_108 = arith.constant 0 : index
      %swap3A_109 = vector.load %arg16[%swap3A_107, %swap3A_108] : memref<1x128xf32, #tpu.memory_space<vmem>>, vector<1x128xf32>
      tpu.vector_store %arg16[%swap3A_107, %swap3A_108], %broadcast_in_dim3A_106 {strides = array<i32>} : memref<1x128xf32, #tpu.memory_space<vmem>>, vector<1x128xf32>,
    } else {
    }
    %gt3A = arith.constant 0 : i32
    %gt3A_93 = arith.cmpi sgt, %arg0, %gt3A : i32
    %convert_element_type3A_94 = arith.extui %gt3A_93 : i1 to i32
    %cond3A_95 = arith.constant 0 : i32
    %cond3A_96 = arith.cmpi ne, %convert_element_type3A_94, %cond3A_95 : i32
    scf.if %cond3A_96 {
      %get3A_102 = arith.constant 0 : index
      %get3A_103 = arith.constant 0 : index
      %get3A_104 = vector.load %arg18[%get3A_102, %get3A_103] : memref<1x1024xf32, #tpu.memory_space<vmem>>, vector<1x1024xf32>
      %add3A_105 = arith.addf %get3A_104, %broadcast_in_dim3A_89 : vector<1x1024xf32>
      %swap3A_106 = arith.constant 0 : index
      %swap3A_107 = arith.constant 0 : index
      %swap3A_108 = vector.load %arg18[%swap3A_106, %swap3A_107] : memref<1x1024xf32, #tpu.memory_space<vmem>>, vector<1x1024xf32>
      tpu.vector_store %arg18[%swap3A_106, %swap3A_107], %add3A_105 {strides = array<i32>} : memref<1x1024xf32, #tpu.memory_space<vmem>>, vector<1x1024xf32>,
    } else {
    }
    %eq3A_97 = arith.constant 7 : i32
    %eq3A_98 = arith.cmpi eq, %arg0, %eq3A_97 : i32
    %convert_element_type3A_99 = arith.extui %eq3A_98 : i1 to i32
    %cond3A_100 = arith.constant 0 : i32
    %cond3A_101 = arith.cmpi ne, %convert_element_type3A_99, %cond3A_100 : i32
    scf.if %cond3A_101 {
      %get3A_102 = arith.constant 0 : index
      %get3A_103 = arith.constant 0 : index
      %get3A_104 = vector.load %arg17[%get3A_102, %get3A_103] : memref<128x1024xf32, #tpu.memory_space<vmem>>, vector<128x1024xf32>
      %transpose3A_105 = tpu.transpose %get3A_104, [1, 0] : vector<128x1024xf32> -> vector<1024x128xf32>
      %swap3A_106 = arith.constant 0 : index
      %swap3A_107 = arith.constant 0 : index
      %swap3A_108 = vector.load %arg13[%swap3A_106, %swap3A_107] : memref<1024x128xf32, #tpu.memory_space<vmem>>, vector<1024x128xf32>
      tpu.vector_store %arg13[%swap3A_106, %swap3A_107], %transpose3A_105 {strides = array<i32>} : memref<1024x128xf32, #tpu.memory_space<vmem>>, vector<1024x128xf32>,
      %get3A_109 = arith.constant 0 : index
      %get3A_110 = arith.constant 0 : index
      %get3A_111 = vector.load %arg18[%get3A_109, %get3A_110] : memref<1x1024xf32, #tpu.memory_space<vmem>>, vector<1x1024xf32>
      %get3A_112 = arith.constant 0 : index
      %get3A_113 = arith.constant 0 : index
      %get3A_114 = vector.load %arg17[%get3A_112, %get3A_113] : memref<128x1024xf32, #tpu.memory_space<vmem>>, vector<128x1024xf32>
      %dot_general3A_115 = arith.constant dense<0.000000e+00> : vector<1x128xf32>
      %dot_general3A_116 = tpu.matmul %get3A_111, %get3A_114, %dot_general3A_115 {dimension_numbers = #tpu.dot_dimension_numbers<[1], [1], [0], [0], [0, 0, 1, 0], [], []>, transpose_lhs_hint = false} : vector<1x1024xf32>, vector<128x1024xf32>, vector<1x128xf32> -> vector<1x128xf32>
      %mul3A_117 = arith.constant 3.05175781E-5 : f32
      %mul3A_118 = vector.broadcast %mul3A_117 : f32 to vector<1x128xf32>
      %mul3A_119 = arith.mulf %dot_general3A_116, %mul3A_118 : vector<1x128xf32>
      %swap3A_120 = arith.constant 0 : index
      %swap3A_121 = arith.constant 0 : index
      %swap3A_122 = vector.load %arg16[%swap3A_120, %swap3A_121] : memref<1x128xf32, #tpu.memory_space<vmem>>, vector<1x128xf32>
      tpu.vector_store %arg16[%swap3A_120, %swap3A_121], %mul3A_119 {strides = array<i32>} : memref<1x128xf32, #tpu.memory_space<vmem>>, vector<1x128xf32>,
    } else {
    }
    return
  }
  func.func @transform_0(%arg0: i32) -> (i32, i32) {
    %c0_i32 = arith.constant 0 : i32
    %c0_i32_0 = arith.constant 0 : i32
    return %arg0, %c0_i32 : i32, i32
  }
  func.func @transform_1(%arg0: i32) -> (i32, i32) {
    %c0_i32 = arith.constant 0 : i32
    %c0_i32_0 = arith.constant 0 : i32
    %c0_i32_1 = arith.constant 0 : i32
    return %c0_i32, %c0_i32_0 : i32, i32
  }
  func.func @transform_2(%arg0: i32) -> (i32, i32) {
    %c0_i32 = arith.constant 0 : i32
    %c0_i32_0 = arith.constant 0 : i32
    %c0_i32_1 = arith.constant 0 : i32
    return %c0_i32, %c0_i32_0 : i32, i32
  }
  func.func @transform_3(%arg0: i32) -> (i32, i32) {
    %c0_i32 = arith.constant 0 : i32
    %c0_i32_0 = arith.constant 0 : i32
    %c0_i32_1 = arith.constant 0 : i32
    return %c0_i32, %c0_i32_0 : i32, i32
  }
  func.func @transform_4(%arg0: i32) -> (i32, i32) {
    %c0_i32 = arith.constant 0 : i32
    %c0_i32_0 = arith.constant 0 : i32
    %c0_i32_1 = arith.constant 0 : i32
    return %c0_i32, %c0_i32_0 : i32, i32
  }
  func.func @transform_5(%arg0: i32) -> (i32, i32) {
    %c0_i32 = arith.constant 0 : i32
    %c0_i32_0 = arith.constant 0 : i32
    %c0_i32_1 = arith.constant 0 : i32
    return %c0_i32, %c0_i32_0 : i32, i32
  }
  func.func @transform_6(%arg0: i32) -> (i32, i32) {
    %c0_i32 = arith.constant 0 : i32
    %c0_i32_0 = arith.constant 0 : i32
    %c0_i32_1 = arith.constant 0 : i32
    return %c0_i32, %c0_i32_0 : i32, i32
  }
  func.func @transform_7(%arg0: i32) -> (i32, i32) {
    %c0_i32 = arith.constant 0 : i32
    %c0_i32_0 = arith.constant 0 : i32
    %c0_i32_1 = arith.constant 0 : i32
    return %c0_i32, %c0_i32_0 : i32, i32
  }
  func.func @transform_8(%arg0: i32) -> (i32, i32) {
    %c0_i32 = arith.constant 0 : i32
    %c0_i32_0 = arith.constant 0 : i32
    %c0_i32_1 = arith.constant 0 : i32
    return %c0_i32, %c0_i32_0 : i32, i32
  }
  func.func @transform_9(%arg0: i32) -> (i32, i32) {
    %c0_i32 = arith.constant 0 : i32
    %c0_i32_0 = arith.constant 0 : i32
    return %arg0, %c0_i32 : i32, i32
  }
  func.func @transform_10(%arg0: i32) -> (i32, i32) {
    %c0_i32 = arith.constant 0 : i32
    %c0_i32_0 = arith.constant 0 : i32
    return %c0_i32, %arg0 : i32, i32
  }
  func.func @transform_11(%arg0: i32) -> (i32, i32) {
    %c0_i32 = arith.constant 0 : i32
    %c0_i32_0 = arith.constant 0 : i32
    return %arg0, %c0_i32 : i32, i32
  }
  func.func @transform_12(%arg0: i32) -> (i32, i32) {
    %c0_i32 = arith.constant 0 : i32
    %c0_i32_0 = arith.constant 0 : i32
    %c0_i32_1 = arith.constant 0 : i32
    return %c0_i32, %c0_i32_0 : i32, i32
  }
  func.func @transform_13(%arg0: i32) -> (i32, i32) {
    %c0_i32 = arith.constant 0 : i32
    %c0_i32_0 = arith.constant 0 : i32
    return %arg0, %c0_i32 : i32, i32
  }
  func.func @transform_14(%arg0: i32) -> (i32, i32) {
    %c0_i32 = arith.constant 0 : i32
    %c0_i32_0 = arith.constant 0 : i32
    return %arg0, %c0_i32 : i32, i32
  }
  func.func @transform_15(%arg0: i32) -> (i32, i32) {
    %c0_i32 = arith.constant 0 : i32
    %c0_i32_0 = arith.constant 0 : i32
    %c0_i32_1 = arith.constant 0 : i32
    return %c0_i32, %c0_i32_0 : i32, i32
  }
}

module attributes {stable_mosaic.version = 14 : i64} {
  func.func @_attn_body(%arg0: i32, %arg1: memref<256x1024xf32, #tpu.memory_space<vmem>>, %arg2: memref<1024x256xf32, #tpu.memory_space<vmem>>, %arg3: memref<1024x256xf32, #tpu.memory_space<vmem>>, %arg4: memref<256x1024xf32, #tpu.memory_space<vmem>>, %arg5: memref<256x1024xf32, #tpu.memory_space<vmem>>, %arg6: memref<1024x128xf32, #tpu.memory_space<vmem>>, %arg7: memref<128x1024xf32, #tpu.memory_space<vmem>>, %arg8: memref<16x1024xf32, #tpu.memory_space<vmem>>, %arg9: memref<1024x1024xf32, #tpu.memory_space<vmem>>, %arg10: memref<1024x1024xf32, #tpu.memory_space<vmem>>, %arg11: memref<1x16xi32, #tpu.memory_space<vmem>>, %arg12: memref<256x3xf32, #tpu.memory_space<vmem>>, %arg13: memref<1024x1024xf32, #tpu.memory_space<vmem>>, %arg14: memref<1x1024xf32, #tpu.memory_space<vmem>>, %arg15: memref<256x1024xf32, #tpu.memory_space<vmem>>, %arg16: memref<1024x16xf32, #tpu.memory_space<vmem>>, %arg17: memref<16x1024xf32, #tpu.memory_space<vmem>>) attributes {dimension_semantics = [#tpu.dimension_semantics<arbitrary>], iteration_bounds = array<i64: 8>, scalar_prefetch = 0 : i64, scratch_operands = 2 : i64, tpu.core_type = #tpu.core_type<tc>, window_params = [{transform_indices = @transform_0, window_bounds = array<i64: 256, 1024>}, {transform_indices = @transform_1, window_bounds = array<i64: 1024, 256>}, {transform_indices = @transform_2, window_bounds = array<i64: 1024, 256>}, {transform_indices = @transform_3, window_bounds = array<i64: 256, 1024>}, {transform_indices = @transform_4, window_bounds = array<i64: 256, 1024>}, {pipeline_mode = #tpu.pipeline_mode<synchronous>, transform_indices = @transform_5, window_bounds = array<i64: 1024, 128>}, {pipeline_mode = #tpu.pipeline_mode<synchronous>, transform_indices = @transform_6, window_bounds = array<i64: 128, 1024>}, {pipeline_mode = #tpu.pipeline_mode<synchronous>, transform_indices = @transform_7, window_bounds = array<i64: 16, 1024>}, {pipeline_mode = #tpu.pipeline_mode<synchronous>, transform_indices = @transform_8, window_bounds = array<i64: 1024, 1024>}, {pipeline_mode = #tpu.pipeline_mode<synchronous>, transform_indices = @transform_9, window_bounds = array<i64: 1024, 1024>}, {pipeline_mode = #tpu.pipeline_mode<synchronous>, transform_indices = @transform_10, window_bounds = array<i64: 1, 16>}, {transform_indices = @transform_11, window_bounds = array<i64: 256, 3>}, {pipeline_mode = #tpu.pipeline_mode<synchronous>, transform_indices = @transform_12, window_bounds = array<i64: 1024, 1024>}, {pipeline_mode = #tpu.pipeline_mode<synchronous>, transform_indices = @transform_13, window_bounds = array<i64: 1, 1024>}, {transform_indices = @transform_14, window_bounds = array<i64: 256, 1024>}]} {
    %mul3A = arith.constant 256 : i32
    %mul3A_0 = arith.muli %arg0, %mul3A : i32
    %iota3A = tpu.iota {dimensions = array<i32: 0>} : vector<256x1xi32>
    %add3A = vector.broadcast %mul3A_0 : i32 to vector<256x1xi32>
    %add3A_1 = arith.addi %add3A, %iota3A : vector<256x1xi32>
    %get3A = arith.constant 0 : index
    %get3A_2 = arith.constant 0 : index
    %get3A_3 = vector.load %arg8[%get3A, %get3A_2] : memref<16x1024xf32, #tpu.memory_space<vmem>>, vector<16x1024xf32>
    %get3A_4 = arith.constant 0 : index
    %get3A_5 = arith.constant 0 : index
    %get3A_6 = vector.load %arg9[%get3A_4, %get3A_5] : memref<1024x1024xf32, #tpu.memory_space<vmem>>, vector<1024x1024xf32>
    %dot_general3A = arith.constant dense<0.000000e+00> : vector<16x1024xf32>
    %dot_general3A_7 = tpu.matmul %get3A_3, %get3A_6, %dot_general3A {dimension_numbers = #tpu.dot_dimension_numbers<[1], [0], [0], [1], [0, 0, 1, 1], [], []>, transpose_lhs_hint = false} : vector<16x1024xf32>, vector<1024x1024xf32>, vector<16x1024xf32> -> vector<16x1024xf32>
    %transpose3A = tpu.transpose %dot_general3A_7, [1, 0] : vector<16x1024xf32> -> vector<1024x16xf32>
    %swap3A = arith.constant 0 : index
    %swap3A_8 = arith.constant 0 : index
    %swap3A_9 = vector.load %arg16[%swap3A, %swap3A_8] : memref<1024x16xf32, #tpu.memory_space<vmem>>, vector<1024x16xf32>
    tpu.vector_store %arg16[%swap3A, %swap3A_8], %transpose3A {strides = array<i32>} : memref<1024x16xf32, #tpu.memory_space<vmem>>, vector<1024x16xf32>,
    %get3A_10 = arith.constant 0 : index
    %get3A_11 = arith.constant 0 : index
    %get3A_12 = vector.load %arg10[%get3A_10, %get3A_11] : memref<1024x1024xf32, #tpu.memory_space<vmem>>, vector<1024x1024xf32>
    %dot_general3A_13 = arith.constant dense<0.000000e+00> : vector<16x1024xf32>
    %dot_general3A_14 = tpu.matmul %get3A_3, %get3A_12, %dot_general3A_13 {dimension_numbers = #tpu.dot_dimension_numbers<[1], [0], [0], [1], [0, 0, 1, 1], [], []>, transpose_lhs_hint = false} : vector<16x1024xf32>, vector<1024x1024xf32>, vector<16x1024xf32> -> vector<16x1024xf32>
    %swap3A_15 = arith.constant 0 : index
    %swap3A_16 = arith.constant 0 : index
    %swap3A_17 = vector.load %arg17[%swap3A_15, %swap3A_16] : memref<16x1024xf32, #tpu.memory_space<vmem>>, vector<16x1024xf32>
    tpu.vector_store %arg17[%swap3A_15, %swap3A_16], %dot_general3A_14 {strides = array<i32>} : memref<16x1024xf32, #tpu.memory_space<vmem>>, vector<16x1024xf32>,
    %iota3A_18 = tpu.iota {dimensions = array<i32: 1>} : vector<1x128xi32>
    %add3A_19 = arith.constant 1 : i32
    %add3A_20 = vector.broadcast %add3A_19 : i32 to vector<1x128xi32>
    %add3A_21 = arith.addi %iota3A_18, %add3A_20 : vector<1x128xi32>
    %mul3A_22 = arith.constant 16 : i32
    %mul3A_23 = vector.broadcast %mul3A_22 : i32 to vector<1x128xi32>
    %mul3A_24 = arith.muli %add3A_21, %mul3A_23 : vector<1x128xi32>
    %le3A = vector.broadcast %mul3A_24 : vector<1x128xi32> to vector<256x128xi32>
    %le3A_25 = vector.broadcast %add3A_1 : vector<256x1xi32> to vector<256x128xi32>
    %le3A_26 = arith.cmpi sle, %le3A, %le3A_25 : vector<256x128xi32>
    %get3A_27 = arith.constant 0 : index
    %get3A_28 = arith.constant 0 : index
    %get3A_29 = vector.load %arg11[%get3A_27, %get3A_28] : memref<1x16xi32, #tpu.memory_space<vmem>>, vector<1x16xi32>
    %le3A_30 = vector.broadcast %get3A_29 : vector<1x16xi32> to vector<256x16xi32>
    %le3A_31 = vector.broadcast %add3A_1 : vector<256x1xi32> to vector<256x16xi32>
    %le3A_32 = arith.cmpi sle, %le3A_30, %le3A_31 : vector<256x16xi32>
    %iota3A_33 = tpu.iota {dimensions = array<i32: 1>} : vector<1x256xi32>
    %sub3A = arith.constant 1 : i32
    %sub3A_34 = arith.subi %arg0, %sub3A : i32
    %max3A = arith.constant 0 : i32
    %max3A_35 = arith.maxsi %sub3A_34, %max3A : i32
    %mul3A_36 = arith.constant 256 : i32
    %mul3A_37 = arith.muli %max3A_35, %mul3A_36 : i32
    %add3A_38 = vector.broadcast %mul3A_37 : i32 to vector<1x256xi32>
    %add3A_39 = arith.addi %add3A_38, %iota3A_33 : vector<1x256xi32>
    %mul3A_40 = arith.constant 256 : i32
    %mul3A_41 = arith.muli %arg0, %mul3A_40 : i32
    %add3A_42 = vector.broadcast %mul3A_41 : i32 to vector<1x256xi32>
    %add3A_43 = arith.addi %add3A_42, %iota3A_33 : vector<1x256xi32>
    %le3A_44 = vector.broadcast %add3A_39 : vector<1x256xi32> to vector<256x256xi32>
    %le3A_45 = vector.broadcast %add3A_1 : vector<256x1xi32> to vector<256x256xi32>
    %le3A_46 = arith.cmpi sle, %le3A_44, %le3A_45 : vector<256x256xi32>
    %sub3A_47 = arith.constant 256 : i32
    %sub3A_48 = vector.broadcast %sub3A_47 : i32 to vector<256x1xi32>
    %sub3A_49 = arith.subi %add3A_1, %sub3A_48 : vector<256x1xi32>
    %gt3A = vector.broadcast %add3A_39 : vector<1x256xi32> to vector<256x256xi32>
    %gt3A_50 = vector.broadcast %sub3A_49 : vector<256x1xi32> to vector<256x256xi32>
    %gt3A_51 = arith.cmpi sgt, %gt3A, %gt3A_50 : vector<256x256xi32>
    %and3A = arith.andi %le3A_46, %gt3A_51 : vector<256x256xi1>
    %gt3A_52 = arith.constant 0 : i32
    %gt3A_53 = arith.cmpi sgt, %arg0, %gt3A_52 : i32
    %and3A_54 = vector.broadcast %gt3A_53 : i1 to vector<256x256xi1>
    %and3A_55 = arith.andi %and3A, %and3A_54 : vector<256x256xi1>
    %le3A_56 = vector.broadcast %add3A_43 : vector<1x256xi32> to vector<256x256xi32>
    %le3A_57 = vector.broadcast %add3A_1 : vector<256x1xi32> to vector<256x256xi32>
    %le3A_58 = arith.cmpi sle, %le3A_56, %le3A_57 : vector<256x256xi32>
    %get3A_59 = arith.constant 0 : index
    %get3A_60 = arith.constant 0 : index
    %get3A_61 = vector.load %arg12[%get3A_59, %get3A_60] : memref<256x3xf32, #tpu.memory_space<vmem>>, vector<256x3xf32>
    %slice3A = vector.extract_strided_slice %get3A_61 {offsets = [0, 0], sizes = [256, 1], strides = [1, 1]} : vector<256x3xf32> to vector<256x1xf32>
    %slice3A_62 = vector.extract_strided_slice %get3A_61 {offsets = [0, 1], sizes = [256, 1], strides = [1, 1]} : vector<256x3xf32> to vector<256x1xf32>
    %slice3A_63 = vector.extract_strided_slice %get3A_61 {offsets = [0, 2], sizes = [256, 1], strides = [1, 1]} : vector<256x3xf32> to vector<256x1xf32>
    %get3A_64 = arith.constant 0 : index
    %get3A_65 = arith.constant 0 : index
    %get3A_66 = vector.load %arg1[%get3A_64, %get3A_65] : memref<256x1024xf32, #tpu.memory_space<vmem>>, vector<256x64xf32>
    %get3A_67 = arith.constant 0 : index
    %get3A_68 = arith.constant 0 : index
    %get3A_69 = vector.load %arg6[%get3A_67, %get3A_68] : memref<1024x128xf32, #tpu.memory_space<vmem>>, vector<64x128xf32>
    %dot_general3A_70 = arith.constant dense<0.000000e+00> : vector<256x128xf32>
    %dot_general3A_71 = tpu.matmul %get3A_66, %get3A_69, %dot_general3A_70 {dimension_numbers = #tpu.dot_dimension_numbers<[1], [0], [0], [1], [0, 0, 1, 1], [], []>, transpose_lhs_hint = false} : vector<256x64xf32>, vector<64x128xf32>, vector<256x128xf32> -> vector<256x128xf32>
    %jit3A = arith.constant -1.000000e+09 : f32
    %broadcast_in_dim3A = vector.broadcast %jit3A : f32 to vector<256x128xf32>
    %select_n3A = arith.select %le3A_26, %dot_general3A_71, %broadcast_in_dim3A : vector<256x128xi1>, vector<256x128xf32>
    %reduce_max3A = arith.constant dense<0xFF800000> : vector<256xf32>
    %reduce_max3A_72 = vector.multi_reduction <maximumf>, %select_n3A, %reduce_max3A [1] : vector<256x128xf32> to vector<256xf32>
    %broadcast_in_dim3A_73 = vector.shape_cast %reduce_max3A_72 : vector<256xf32> to vector<256x1xf32>
    %sub3A_74 = vector.broadcast %broadcast_in_dim3A_73 : vector<256x1xf32> to vector<256x128xf32>
    %sub3A_75 = arith.subf %select_n3A, %sub3A_74 : vector<256x128xf32>
    %exp3A = math.exp %sub3A_75 : vector<256x128xf32>
    %reduce_sum3A = arith.constant dense<0.000000e+00> : vector<256xf32>
    %reduce_sum3A_76 = vector.multi_reduction <add>, %exp3A, %reduce_sum3A [1] : vector<256x128xf32> to vector<256xf32>
    %broadcast_in_dim3A_77 = vector.shape_cast %reduce_sum3A_76 : vector<256xf32> to vector<256x1xf32>
    %div3A = arith.divf %slice3A, %broadcast_in_dim3A_77 : vector<256x1xf32>
    %get3A_78 = arith.constant 0 : index
    %get3A_79 = arith.constant 0 : index
    %get3A_80 = vector.load %arg7[%get3A_78, %get3A_79] : memref<128x1024xf32, #tpu.memory_space<vmem>>, vector<128x64xf32>
    %dot_general3A_81 = arith.constant dense<0.000000e+00> : vector<256x64xf32>
    %dot_general3A_82 = tpu.matmul %exp3A, %get3A_80, %dot_general3A_81 {dimension_numbers = #tpu.dot_dimension_numbers<[1], [0], [0], [1], [0, 0, 1, 1], [], []>, transpose_lhs_hint = false} : vector<256x128xf32>, vector<128x64xf32>, vector<256x64xf32> -> vector<256x64xf32>
    %get3A_83 = arith.constant 0 : index
    %get3A_84 = arith.constant 0 : index
    %get3A_85 = vector.load %arg16[%get3A_83, %get3A_84] : memref<1024x16xf32, #tpu.memory_space<vmem>>, vector<64x16xf32>
    %dot_general3A_86 = arith.constant dense<0.000000e+00> : vector<256x16xf32>
    %dot_general3A_87 = tpu.matmul %get3A_66, %get3A_85, %dot_general3A_86 {dimension_numbers = #tpu.dot_dimension_numbers<[1], [0], [0], [1], [0, 0, 1, 1], [], []>, transpose_lhs_hint = false} : vector<256x64xf32>, vector<64x16xf32>, vector<256x16xf32> -> vector<256x16xf32>
    %jit3A_88 = arith.constant -1.000000e+09 : f32
    %broadcast_in_dim3A_89 = vector.broadcast %jit3A_88 : f32 to vector<256x16xf32>
    %select_n3A_90 = arith.select %le3A_32, %dot_general3A_87, %broadcast_in_dim3A_89 : vector<256x16xi1>, vector<256x16xf32>
    %reduce_max3A_91 = arith.constant dense<0xFF800000> : vector<256xf32>
    %reduce_max3A_92 = vector.multi_reduction <maximumf>, %select_n3A_90, %reduce_max3A_91 [1] : vector<256x16xf32> to vector<256xf32>
    %broadcast_in_dim3A_93 = vector.shape_cast %reduce_max3A_92 : vector<256xf32> to vector<256x1xf32>
    %sub3A_94 = vector.broadcast %broadcast_in_dim3A_93 : vector<256x1xf32> to vector<256x16xf32>
    %sub3A_95 = arith.subf %select_n3A_90, %sub3A_94 : vector<256x16xf32>
    %exp3A_96 = math.exp %sub3A_95 : vector<256x16xf32>
    %reduce_sum3A_97 = arith.constant dense<0.000000e+00> : vector<256xf32>
    %reduce_sum3A_98 = vector.multi_reduction <add>, %exp3A_96, %reduce_sum3A_97 [1] : vector<256x16xf32> to vector<256xf32>
    %broadcast_in_dim3A_99 = vector.shape_cast %reduce_sum3A_98 : vector<256xf32> to vector<256x1xf32>
    %div3A_100 = arith.divf %slice3A_62, %broadcast_in_dim3A_99 : vector<256x1xf32>
    %get3A_101 = arith.constant 0 : index
    %get3A_102 = arith.constant 0 : index
    %get3A_103 = vector.load %arg17[%get3A_101, %get3A_102] : memref<16x1024xf32, #tpu.memory_space<vmem>>, vector<16x64xf32>
    %dot_general3A_104 = arith.constant dense<0.000000e+00> : vector<256x64xf32>
    %dot_general3A_105 = tpu.matmul %exp3A_96, %get3A_103, %dot_general3A_104 {dimension_numbers = #tpu.dot_dimension_numbers<[1], [0], [0], [1], [0, 0, 1, 1], [], []>, transpose_lhs_hint = false} : vector<256x16xf32>, vector<16x64xf32>, vector<256x64xf32> -> vector<256x64xf32>
    %get3A_106 = arith.constant 0 : index
    %get3A_107 = arith.constant 0 : index
    %get3A_108 = vector.load %arg2[%get3A_106, %get3A_107] : memref<1024x256xf32, #tpu.memory_space<vmem>>, vector<64x256xf32>
    %dot_general3A_109 = arith.constant dense<0.000000e+00> : vector<256x256xf32>
    %dot_general3A_110 = tpu.matmul %get3A_66, %get3A_108, %dot_general3A_109 {dimension_numbers = #tpu.dot_dimension_numbers<[1], [0], [0], [1], [0, 0, 1, 1], [], []>, transpose_lhs_hint = false} : vector<256x64xf32>, vector<64x256xf32>, vector<256x256xf32> -> vector<256x256xf32>
    %get3A_111 = arith.constant 0 : index
    %get3A_112 = arith.constant 0 : index
    %get3A_113 = vector.load %arg3[%get3A_111, %get3A_112] : memref<1024x256xf32, #tpu.memory_space<vmem>>, vector<64x256xf32>
    %dot_general3A_114 = arith.constant dense<0.000000e+00> : vector<256x256xf32>
    %dot_general3A_115 = tpu.matmul %get3A_66, %get3A_113, %dot_general3A_114 {dimension_numbers = #tpu.dot_dimension_numbers<[1], [0], [0], [1], [0, 0, 1, 1], [], []>, transpose_lhs_hint = false} : vector<256x64xf32>, vector<64x256xf32>, vector<256x256xf32> -> vector<256x256xf32>
    %sub3A_116 = arith.constant 4.000000e+01 : f32
    %sub3A_117 = vector.broadcast %sub3A_116 : f32 to vector<256x256xf32>
    %sub3A_118 = arith.subf %dot_general3A_110, %sub3A_117 : vector<256x256xf32>
    %jit3A_119 = arith.constant -1.000000e+09 : f32
    %broadcast_in_dim3A_120 = vector.broadcast %jit3A_119 : f32 to vector<256x256xf32>
    %select_n3A_121 = arith.select %and3A_55, %sub3A_118, %broadcast_in_dim3A_120 : vector<256x256xi1>, vector<256x256xf32>
    %exp3A_122 = math.exp %select_n3A_121 : vector<256x256xf32>
    %sub3A_123 = arith.constant 4.000000e+01 : f32
    %sub3A_124 = vector.broadcast %sub3A_123 : f32 to vector<256x256xf32>
    %sub3A_125 = arith.subf %dot_general3A_115, %sub3A_124 : vector<256x256xf32>
    %jit3A_126 = arith.constant -1.000000e+09 : f32
    %broadcast_in_dim3A_127 = vector.broadcast %jit3A_126 : f32 to vector<256x256xf32>
    %select_n3A_128 = arith.select %le3A_58, %sub3A_125, %broadcast_in_dim3A_127 : vector<256x256xi1>, vector<256x256xf32>
    %exp3A_129 = math.exp %select_n3A_128 : vector<256x256xf32>
    %reduce_sum3A_130 = arith.constant dense<0.000000e+00> : vector<256xf32>
    %reduce_sum3A_131 = vector.multi_reduction <add>, %exp3A_122, %reduce_sum3A_130 [1] : vector<256x256xf32> to vector<256xf32>
    %broadcast_in_dim3A_132 = vector.shape_cast %reduce_sum3A_131 : vector<256xf32> to vector<256x1xf32>
    %reduce_sum3A_133 = arith.constant dense<0.000000e+00> : vector<256xf32>
    %reduce_sum3A_134 = vector.multi_reduction <add>, %exp3A_129, %reduce_sum3A_133 [1] : vector<256x256xf32> to vector<256xf32>
    %broadcast_in_dim3A_135 = vector.shape_cast %reduce_sum3A_134 : vector<256xf32> to vector<256x1xf32>
    %add3A_136 = arith.addf %broadcast_in_dim3A_132, %broadcast_in_dim3A_135 : vector<256x1xf32>
    %div3A_137 = arith.divf %slice3A_63, %add3A_136 : vector<256x1xf32>
    %get3A_138 = arith.constant 0 : index
    %get3A_139 = arith.constant 0 : index
    %get3A_140 = vector.load %arg4[%get3A_138, %get3A_139] : memref<256x1024xf32, #tpu.memory_space<vmem>>, vector<256x64xf32>
    %dot_general3A_141 = arith.constant dense<0.000000e+00> : vector<256x64xf32>
    %dot_general3A_142 = tpu.matmul %exp3A_122, %get3A_140, %dot_general3A_141 {dimension_numbers = #tpu.dot_dimension_numbers<[1], [0], [0], [1], [0, 0, 1, 1], [], []>, transpose_lhs_hint = false} : vector<256x256xf32>, vector<256x64xf32>, vector<256x64xf32> -> vector<256x64xf32>
    %get3A_143 = arith.constant 0 : index
    %get3A_144 = arith.constant 0 : index
    %get3A_145 = vector.load %arg5[%get3A_143, %get3A_144] : memref<256x1024xf32, #tpu.memory_space<vmem>>, vector<256x64xf32>
    %dot_general3A_146 = arith.constant dense<0.000000e+00> : vector<256x64xf32>
    %dot_general3A_147 = tpu.matmul %exp3A_129, %get3A_145, %dot_general3A_146 {dimension_numbers = #tpu.dot_dimension_numbers<[1], [0], [0], [1], [0, 0, 1, 1], [], []>, transpose_lhs_hint = false} : vector<256x256xf32>, vector<256x64xf32>, vector<256x64xf32> -> vector<256x64xf32>
    %add3A_148 = arith.addf %dot_general3A_142, %dot_general3A_147 : vector<256x64xf32>
    %mul3A_149 = vector.broadcast %div3A : vector<256x1xf32> to vector<256x64xf32>
    %mul3A_150 = arith.mulf %mul3A_149, %dot_general3A_82 : vector<256x64xf32>
    %mul3A_151 = vector.broadcast %div3A_100 : vector<256x1xf32> to vector<256x64xf32>
    %mul3A_152 = arith.mulf %mul3A_151, %dot_general3A_105 : vector<256x64xf32>
    %add3A_153 = arith.addf %mul3A_150, %mul3A_152 : vector<256x64xf32>
    %mul3A_154 = vector.broadcast %div3A_137 : vector<256x1xf32> to vector<256x64xf32>
    %mul3A_155 = arith.mulf %mul3A_154, %add3A_148 : vector<256x64xf32>
    %add3A_156 = arith.addf %add3A_153, %mul3A_155 : vector<256x64xf32>
    %get3A_157 = arith.constant 0 : index
    %get3A_158 = arith.constant 64 : index
    %get3A_159 = vector.load %arg1[%get3A_157, %get3A_158] : memref<256x1024xf32, #tpu.memory_space<vmem>>, vector<256x64xf32>
    %get3A_160 = arith.constant 64 : index
    %get3A_161 = arith.constant 0 : index
    %get3A_162 = vector.load %arg6[%get3A_160, %get3A_161] : memref<1024x128xf32, #tpu.memory_space<vmem>>, vector<64x128xf32>
    %dot_general3A_163 = arith.constant dense<0.000000e+00> : vector<256x128xf32>
    %dot_general3A_164 = tpu.matmul %get3A_159, %get3A_162, %dot_general3A_163 {dimension_numbers = #tpu.dot_dimension_numbers<[1], [0], [0], [1], [0, 0, 1, 1], [], []>, transpose_lhs_hint = false} : vector<256x64xf32>, vector<64x128xf32>, vector<256x128xf32> -> vector<256x128xf32>
    %jit3A_165 = arith.constant -1.000000e+09 : f32
    %broadcast_in_dim3A_166 = vector.broadcast %jit3A_165 : f32 to vector<256x128xf32>
    %select_n3A_167 = arith.select %le3A_26, %dot_general3A_164, %broadcast_in_dim3A_166 : vector<256x128xi1>, vector<256x128xf32>
    %reduce_max3A_168 = arith.constant dense<0xFF800000> : vector<256xf32>
    %reduce_max3A_169 = vector.multi_reduction <maximumf>, %select_n3A_167, %reduce_max3A_168 [1] : vector<256x128xf32> to vector<256xf32>
    %broadcast_in_dim3A_170 = vector.shape_cast %reduce_max3A_169 : vector<256xf32> to vector<256x1xf32>
    %sub3A_171 = vector.broadcast %broadcast_in_dim3A_170 : vector<256x1xf32> to vector<256x128xf32>
    %sub3A_172 = arith.subf %select_n3A_167, %sub3A_171 : vector<256x128xf32>
    %exp3A_173 = math.exp %sub3A_172 : vector<256x128xf32>
    %reduce_sum3A_174 = arith.constant dense<0.000000e+00> : vector<256xf32>
    %reduce_sum3A_175 = vector.multi_reduction <add>, %exp3A_173, %reduce_sum3A_174 [1] : vector<256x128xf32> to vector<256xf32>
    %broadcast_in_dim3A_176 = vector.shape_cast %reduce_sum3A_175 : vector<256xf32> to vector<256x1xf32>
    %div3A_177 = arith.divf %slice3A, %broadcast_in_dim3A_176 : vector<256x1xf32>
    %get3A_178 = arith.constant 0 : index
    %get3A_179 = arith.constant 64 : index
    %get3A_180 = vector.load %arg7[%get3A_178, %get3A_179] : memref<128x1024xf32, #tpu.memory_space<vmem>>, vector<128x64xf32>
    %dot_general3A_181 = arith.constant dense<0.000000e+00> : vector<256x64xf32>
    %dot_general3A_182 = tpu.matmul %exp3A_173, %get3A_180, %dot_general3A_181 {dimension_numbers = #tpu.dot_dimension_numbers<[1], [0], [0], [1], [0, 0, 1, 1], [], []>, transpose_lhs_hint = false} : vector<256x128xf32>, vector<128x64xf32>, vector<256x64xf32> -> vector<256x64xf32>
    %get3A_183 = arith.constant 64 : index
    %get3A_184 = arith.constant 0 : index
    %get3A_185 = vector.load %arg16[%get3A_183, %get3A_184] : memref<1024x16xf32, #tpu.memory_space<vmem>>, vector<64x16xf32>
    %dot_general3A_186 = arith.constant dense<0.000000e+00> : vector<256x16xf32>
    %dot_general3A_187 = tpu.matmul %get3A_159, %get3A_185, %dot_general3A_186 {dimension_numbers = #tpu.dot_dimension_numbers<[1], [0], [0], [1], [0, 0, 1, 1], [], []>, transpose_lhs_hint = false} : vector<256x64xf32>, vector<64x16xf32>, vector<256x16xf32> -> vector<256x16xf32>
    %jit3A_188 = arith.constant -1.000000e+09 : f32
    %broadcast_in_dim3A_189 = vector.broadcast %jit3A_188 : f32 to vector<256x16xf32>
    %select_n3A_190 = arith.select %le3A_32, %dot_general3A_187, %broadcast_in_dim3A_189 : vector<256x16xi1>, vector<256x16xf32>
    %reduce_max3A_191 = arith.constant dense<0xFF800000> : vector<256xf32>
    %reduce_max3A_192 = vector.multi_reduction <maximumf>, %select_n3A_190, %reduce_max3A_191 [1] : vector<256x16xf32> to vector<256xf32>
    %broadcast_in_dim3A_193 = vector.shape_cast %reduce_max3A_192 : vector<256xf32> to vector<256x1xf32>
    %sub3A_194 = vector.broadcast %broadcast_in_dim3A_193 : vector<256x1xf32> to vector<256x16xf32>
    %sub3A_195 = arith.subf %select_n3A_190, %sub3A_194 : vector<256x16xf32>
    %exp3A_196 = math.exp %sub3A_195 : vector<256x16xf32>
    %reduce_sum3A_197 = arith.constant dense<0.000000e+00> : vector<256xf32>
    %reduce_sum3A_198 = vector.multi_reduction <add>, %exp3A_196, %reduce_sum3A_197 [1] : vector<256x16xf32> to vector<256xf32>
    %broadcast_in_dim3A_199 = vector.shape_cast %reduce_sum3A_198 : vector<256xf32> to vector<256x1xf32>
    %div3A_200 = arith.divf %slice3A_62, %broadcast_in_dim3A_199 : vector<256x1xf32>
    %get3A_201 = arith.constant 0 : index
    %get3A_202 = arith.constant 64 : index
    %get3A_203 = vector.load %arg17[%get3A_201, %get3A_202] : memref<16x1024xf32, #tpu.memory_space<vmem>>, vector<16x64xf32>
    %dot_general3A_204 = arith.constant dense<0.000000e+00> : vector<256x64xf32>
    %dot_general3A_205 = tpu.matmul %exp3A_196, %get3A_203, %dot_general3A_204 {dimension_numbers = #tpu.dot_dimension_numbers<[1], [0], [0], [1], [0, 0, 1, 1], [], []>, transpose_lhs_hint = false} : vector<256x16xf32>, vector<16x64xf32>, vector<256x64xf32> -> vector<256x64xf32>
    %get3A_206 = arith.constant 64 : index
    %get3A_207 = arith.constant 0 : index
    %get3A_208 = vector.load %arg2[%get3A_206, %get3A_207] : memref<1024x256xf32, #tpu.memory_space<vmem>>, vector<64x256xf32>
    %dot_general3A_209 = arith.constant dense<0.000000e+00> : vector<256x256xf32>
    %dot_general3A_210 = tpu.matmul %get3A_159, %get3A_208, %dot_general3A_209 {dimension_numbers = #tpu.dot_dimension_numbers<[1], [0], [0], [1], [0, 0, 1, 1], [], []>, transpose_lhs_hint = false} : vector<256x64xf32>, vector<64x256xf32>, vector<256x256xf32> -> vector<256x256xf32>
    %get3A_211 = arith.constant 64 : index
    %get3A_212 = arith.constant 0 : index
    %get3A_213 = vector.load %arg3[%get3A_211, %get3A_212] : memref<1024x256xf32, #tpu.memory_space<vmem>>, vector<64x256xf32>
    %dot_general3A_214 = arith.constant dense<0.000000e+00> : vector<256x256xf32>
    %dot_general3A_215 = tpu.matmul %get3A_159, %get3A_213, %dot_general3A_214 {dimension_numbers = #tpu.dot_dimension_numbers<[1], [0], [0], [1], [0, 0, 1, 1], [], []>, transpose_lhs_hint = false} : vector<256x64xf32>, vector<64x256xf32>, vector<256x256xf32> -> vector<256x256xf32>
    %sub3A_216 = arith.constant 4.000000e+01 : f32
    %sub3A_217 = vector.broadcast %sub3A_216 : f32 to vector<256x256xf32>
    %sub3A_218 = arith.subf %dot_general3A_210, %sub3A_217 : vector<256x256xf32>
    %jit3A_219 = arith.constant -1.000000e+09 : f32
    %broadcast_in_dim3A_220 = vector.broadcast %jit3A_219 : f32 to vector<256x256xf32>
    %select_n3A_221 = arith.select %and3A_55, %sub3A_218, %broadcast_in_dim3A_220 : vector<256x256xi1>, vector<256x256xf32>
    %exp3A_222 = math.exp %select_n3A_221 : vector<256x256xf32>
    %sub3A_223 = arith.constant 4.000000e+01 : f32
    %sub3A_224 = vector.broadcast %sub3A_223 : f32 to vector<256x256xf32>
    %sub3A_225 = arith.subf %dot_general3A_215, %sub3A_224 : vector<256x256xf32>
    %jit3A_226 = arith.constant -1.000000e+09 : f32
    %broadcast_in_dim3A_227 = vector.broadcast %jit3A_226 : f32 to vector<256x256xf32>
    %select_n3A_228 = arith.select %le3A_58, %sub3A_225, %broadcast_in_dim3A_227 : vector<256x256xi1>, vector<256x256xf32>
    %exp3A_229 = math.exp %select_n3A_228 : vector<256x256xf32>
    %reduce_sum3A_230 = arith.constant dense<0.000000e+00> : vector<256xf32>
    %reduce_sum3A_231 = vector.multi_reduction <add>, %exp3A_222, %reduce_sum3A_230 [1] : vector<256x256xf32> to vector<256xf32>
    %broadcast_in_dim3A_232 = vector.shape_cast %reduce_sum3A_231 : vector<256xf32> to vector<256x1xf32>
    %reduce_sum3A_233 = arith.constant dense<0.000000e+00> : vector<256xf32>
    %reduce_sum3A_234 = vector.multi_reduction <add>, %exp3A_229, %reduce_sum3A_233 [1] : vector<256x256xf32> to vector<256xf32>
    %broadcast_in_dim3A_235 = vector.shape_cast %reduce_sum3A_234 : vector<256xf32> to vector<256x1xf32>
    %add3A_236 = arith.addf %broadcast_in_dim3A_232, %broadcast_in_dim3A_235 : vector<256x1xf32>
    %div3A_237 = arith.divf %slice3A_63, %add3A_236 : vector<256x1xf32>
    %get3A_238 = arith.constant 0 : index
    %get3A_239 = arith.constant 64 : index
    %get3A_240 = vector.load %arg4[%get3A_238, %get3A_239] : memref<256x1024xf32, #tpu.memory_space<vmem>>, vector<256x64xf32>
    %dot_general3A_241 = arith.constant dense<0.000000e+00> : vector<256x64xf32>
    %dot_general3A_242 = tpu.matmul %exp3A_222, %get3A_240, %dot_general3A_241 {dimension_numbers = #tpu.dot_dimension_numbers<[1], [0], [0], [1], [0, 0, 1, 1], [], []>, transpose_lhs_hint = false} : vector<256x256xf32>, vector<256x64xf32>, vector<256x64xf32> -> vector<256x64xf32>
    %get3A_243 = arith.constant 0 : index
    %get3A_244 = arith.constant 64 : index
    %get3A_245 = vector.load %arg5[%get3A_243, %get3A_244] : memref<256x1024xf32, #tpu.memory_space<vmem>>, vector<256x64xf32>
    %dot_general3A_246 = arith.constant dense<0.000000e+00> : vector<256x64xf32>
    %dot_general3A_247 = tpu.matmul %exp3A_229, %get3A_245, %dot_general3A_246 {dimension_numbers = #tpu.dot_dimension_numbers<[1], [0], [0], [1], [0, 0, 1, 1], [], []>, transpose_lhs_hint = false} : vector<256x256xf32>, vector<256x64xf32>, vector<256x64xf32> -> vector<256x64xf32>
    %add3A_248 = arith.addf %dot_general3A_242, %dot_general3A_247 : vector<256x64xf32>
    %mul3A_249 = vector.broadcast %div3A_177 : vector<256x1xf32> to vector<256x64xf32>
    %mul3A_250 = arith.mulf %mul3A_249, %dot_general3A_182 : vector<256x64xf32>
    %mul3A_251 = vector.broadcast %div3A_200 : vector<256x1xf32> to vector<256x64xf32>
    %mul3A_252 = arith.mulf %mul3A_251, %dot_general3A_205 : vector<256x64xf32>
    %add3A_253 = arith.addf %mul3A_250, %mul3A_252 : vector<256x64xf32>
    %mul3A_254 = vector.broadcast %div3A_237 : vector<256x1xf32> to vector<256x64xf32>
    %mul3A_255 = arith.mulf %mul3A_254, %add3A_248 : vector<256x64xf32>
    %add3A_256 = arith.addf %add3A_253, %mul3A_255 : vector<256x64xf32>
    %get3A_257 = arith.constant 0 : index
    %get3A_258 = arith.constant 128 : index
    %get3A_259 = vector.load %arg1[%get3A_257, %get3A_258] : memref<256x1024xf32, #tpu.memory_space<vmem>>, vector<256x64xf32>
    %get3A_260 = arith.constant 128 : index
    %get3A_261 = arith.constant 0 : index
    %get3A_262 = vector.load %arg6[%get3A_260, %get3A_261] : memref<1024x128xf32, #tpu.memory_space<vmem>>, vector<64x128xf32>
    %dot_general3A_263 = arith.constant dense<0.000000e+00> : vector<256x128xf32>
    %dot_general3A_264 = tpu.matmul %get3A_259, %get3A_262, %dot_general3A_263 {dimension_numbers = #tpu.dot_dimension_numbers<[1], [0], [0], [1], [0, 0, 1, 1], [], []>, transpose_lhs_hint = false} : vector<256x64xf32>, vector<64x128xf32>, vector<256x128xf32> -> vector<256x128xf32>
    %jit3A_265 = arith.constant -1.000000e+09 : f32
    %broadcast_in_dim3A_266 = vector.broadcast %jit3A_265 : f32 to vector<256x128xf32>
    %select_n3A_267 = arith.select %le3A_26, %dot_general3A_264, %broadcast_in_dim3A_266 : vector<256x128xi1>, vector<256x128xf32>
    %reduce_max3A_268 = arith.constant dense<0xFF800000> : vector<256xf32>
    %reduce_max3A_269 = vector.multi_reduction <maximumf>, %select_n3A_267, %reduce_max3A_268 [1] : vector<256x128xf32> to vector<256xf32>
    %broadcast_in_dim3A_270 = vector.shape_cast %reduce_max3A_269 : vector<256xf32> to vector<256x1xf32>
    %sub3A_271 = vector.broadcast %broadcast_in_dim3A_270 : vector<256x1xf32> to vector<256x128xf32>
    %sub3A_272 = arith.subf %select_n3A_267, %sub3A_271 : vector<256x128xf32>
    %exp3A_273 = math.exp %sub3A_272 : vector<256x128xf32>
    %reduce_sum3A_274 = arith.constant dense<0.000000e+00> : vector<256xf32>
    %reduce_sum3A_275 = vector.multi_reduction <add>, %exp3A_273, %reduce_sum3A_274 [1] : vector<256x128xf32> to vector<256xf32>
    %broadcast_in_dim3A_276 = vector.shape_cast %reduce_sum3A_275 : vector<256xf32> to vector<256x1xf32>
    %div3A_277 = arith.divf %slice3A, %broadcast_in_dim3A_276 : vector<256x1xf32>
    %get3A_278 = arith.constant 0 : index
    %get3A_279 = arith.constant 128 : index
    %get3A_280 = vector.load %arg7[%get3A_278, %get3A_279] : memref<128x1024xf32, #tpu.memory_space<vmem>>, vector<128x64xf32>
    %dot_general3A_281 = arith.constant dense<0.000000e+00> : vector<256x64xf32>
    %dot_general3A_282 = tpu.matmul %exp3A_273, %get3A_280, %dot_general3A_281 {dimension_numbers = #tpu.dot_dimension_numbers<[1], [0], [0], [1], [0, 0, 1, 1], [], []>, transpose_lhs_hint = false} : vector<256x128xf32>, vector<128x64xf32>, vector<256x64xf32> -> vector<256x64xf32>
    %get3A_283 = arith.constant 128 : index
    %get3A_284 = arith.constant 0 : index
    %get3A_285 = vector.load %arg16[%get3A_283, %get3A_284] : memref<1024x16xf32, #tpu.memory_space<vmem>>, vector<64x16xf32>
    %dot_general3A_286 = arith.constant dense<0.000000e+00> : vector<256x16xf32>
    %dot_general3A_287 = tpu.matmul %get3A_259, %get3A_285, %dot_general3A_286 {dimension_numbers = #tpu.dot_dimension_numbers<[1], [0], [0], [1], [0, 0, 1, 1], [], []>, transpose_lhs_hint = false} : vector<256x64xf32>, vector<64x16xf32>, vector<256x16xf32> -> vector<256x16xf32>
    %jit3A_288 = arith.constant -1.000000e+09 : f32
    %broadcast_in_dim3A_289 = vector.broadcast %jit3A_288 : f32 to vector<256x16xf32>
    %select_n3A_290 = arith.select %le3A_32, %dot_general3A_287, %broadcast_in_dim3A_289 : vector<256x16xi1>, vector<256x16xf32>
    %reduce_max3A_291 = arith.constant dense<0xFF800000> : vector<256xf32>
    %reduce_max3A_292 = vector.multi_reduction <maximumf>, %select_n3A_290, %reduce_max3A_291 [1] : vector<256x16xf32> to vector<256xf32>
    %broadcast_in_dim3A_293 = vector.shape_cast %reduce_max3A_292 : vector<256xf32> to vector<256x1xf32>
    %sub3A_294 = vector.broadcast %broadcast_in_dim3A_293 : vector<256x1xf32> to vector<256x16xf32>
    %sub3A_295 = arith.subf %select_n3A_290, %sub3A_294 : vector<256x16xf32>
    %exp3A_296 = math.exp %sub3A_295 : vector<256x16xf32>
    %reduce_sum3A_297 = arith.constant dense<0.000000e+00> : vector<256xf32>
    %reduce_sum3A_298 = vector.multi_reduction <add>, %exp3A_296, %reduce_sum3A_297 [1] : vector<256x16xf32> to vector<256xf32>
    %broadcast_in_dim3A_299 = vector.shape_cast %reduce_sum3A_298 : vector<256xf32> to vector<256x1xf32>
    %div3A_300 = arith.divf %slice3A_62, %broadcast_in_dim3A_299 : vector<256x1xf32>
    %get3A_301 = arith.constant 0 : index
    %get3A_302 = arith.constant 128 : index
    %get3A_303 = vector.load %arg17[%get3A_301, %get3A_302] : memref<16x1024xf32, #tpu.memory_space<vmem>>, vector<16x64xf32>
    %dot_general3A_304 = arith.constant dense<0.000000e+00> : vector<256x64xf32>
    %dot_general3A_305 = tpu.matmul %exp3A_296, %get3A_303, %dot_general3A_304 {dimension_numbers = #tpu.dot_dimension_numbers<[1], [0], [0], [1], [0, 0, 1, 1], [], []>, transpose_lhs_hint = false} : vector<256x16xf32>, vector<16x64xf32>, vector<256x64xf32> -> vector<256x64xf32>
    %get3A_306 = arith.constant 128 : index
    %get3A_307 = arith.constant 0 : index
    %get3A_308 = vector.load %arg2[%get3A_306, %get3A_307] : memref<1024x256xf32, #tpu.memory_space<vmem>>, vector<64x256xf32>
    %dot_general3A_309 = arith.constant dense<0.000000e+00> : vector<256x256xf32>
    %dot_general3A_310 = tpu.matmul %get3A_259, %get3A_308, %dot_general3A_309 {dimension_numbers = #tpu.dot_dimension_numbers<[1], [0], [0], [1], [0, 0, 1, 1], [], []>, transpose_lhs_hint = false} : vector<256x64xf32>, vector<64x256xf32>, vector<256x256xf32> -> vector<256x256xf32>
    %get3A_311 = arith.constant 128 : index
    %get3A_312 = arith.constant 0 : index
    %get3A_313 = vector.load %arg3[%get3A_311, %get3A_312] : memref<1024x256xf32, #tpu.memory_space<vmem>>, vector<64x256xf32>
    %dot_general3A_314 = arith.constant dense<0.000000e+00> : vector<256x256xf32>
    %dot_general3A_315 = tpu.matmul %get3A_259, %get3A_313, %dot_general3A_314 {dimension_numbers = #tpu.dot_dimension_numbers<[1], [0], [0], [1], [0, 0, 1, 1], [], []>, transpose_lhs_hint = false} : vector<256x64xf32>, vector<64x256xf32>, vector<256x256xf32> -> vector<256x256xf32>
    %sub3A_316 = arith.constant 4.000000e+01 : f32
    %sub3A_317 = vector.broadcast %sub3A_316 : f32 to vector<256x256xf32>
    %sub3A_318 = arith.subf %dot_general3A_310, %sub3A_317 : vector<256x256xf32>
    %jit3A_319 = arith.constant -1.000000e+09 : f32
    %broadcast_in_dim3A_320 = vector.broadcast %jit3A_319 : f32 to vector<256x256xf32>
    %select_n3A_321 = arith.select %and3A_55, %sub3A_318, %broadcast_in_dim3A_320 : vector<256x256xi1>, vector<256x256xf32>
    %exp3A_322 = math.exp %select_n3A_321 : vector<256x256xf32>
    %sub3A_323 = arith.constant 4.000000e+01 : f32
    %sub3A_324 = vector.broadcast %sub3A_323 : f32 to vector<256x256xf32>
    %sub3A_325 = arith.subf %dot_general3A_315, %sub3A_324 : vector<256x256xf32>
    %jit3A_326 = arith.constant -1.000000e+09 : f32
    %broadcast_in_dim3A_327 = vector.broadcast %jit3A_326 : f32 to vector<256x256xf32>
    %select_n3A_328 = arith.select %le3A_58, %sub3A_325, %broadcast_in_dim3A_327 : vector<256x256xi1>, vector<256x256xf32>
    %exp3A_329 = math.exp %select_n3A_328 : vector<256x256xf32>
    %reduce_sum3A_330 = arith.constant dense<0.000000e+00> : vector<256xf32>
    %reduce_sum3A_331 = vector.multi_reduction <add>, %exp3A_322, %reduce_sum3A_330 [1] : vector<256x256xf32> to vector<256xf32>
    %broadcast_in_dim3A_332 = vector.shape_cast %reduce_sum3A_331 : vector<256xf32> to vector<256x1xf32>
    %reduce_sum3A_333 = arith.constant dense<0.000000e+00> : vector<256xf32>
    %reduce_sum3A_334 = vector.multi_reduction <add>, %exp3A_329, %reduce_sum3A_333 [1] : vector<256x256xf32> to vector<256xf32>
    %broadcast_in_dim3A_335 = vector.shape_cast %reduce_sum3A_334 : vector<256xf32> to vector<256x1xf32>
    %add3A_336 = arith.addf %broadcast_in_dim3A_332, %broadcast_in_dim3A_335 : vector<256x1xf32>
    %div3A_337 = arith.divf %slice3A_63, %add3A_336 : vector<256x1xf32>
    %get3A_338 = arith.constant 0 : index
    %get3A_339 = arith.constant 128 : index
    %get3A_340 = vector.load %arg4[%get3A_338, %get3A_339] : memref<256x1024xf32, #tpu.memory_space<vmem>>, vector<256x64xf32>
    %dot_general3A_341 = arith.constant dense<0.000000e+00> : vector<256x64xf32>
    %dot_general3A_342 = tpu.matmul %exp3A_322, %get3A_340, %dot_general3A_341 {dimension_numbers = #tpu.dot_dimension_numbers<[1], [0], [0], [1], [0, 0, 1, 1], [], []>, transpose_lhs_hint = false} : vector<256x256xf32>, vector<256x64xf32>, vector<256x64xf32> -> vector<256x64xf32>
    %get3A_343 = arith.constant 0 : index
    %get3A_344 = arith.constant 128 : index
    %get3A_345 = vector.load %arg5[%get3A_343, %get3A_344] : memref<256x1024xf32, #tpu.memory_space<vmem>>, vector<256x64xf32>
    %dot_general3A_346 = arith.constant dense<0.000000e+00> : vector<256x64xf32>
    %dot_general3A_347 = tpu.matmul %exp3A_329, %get3A_345, %dot_general3A_346 {dimension_numbers = #tpu.dot_dimension_numbers<[1], [0], [0], [1], [0, 0, 1, 1], [], []>, transpose_lhs_hint = false} : vector<256x256xf32>, vector<256x64xf32>, vector<256x64xf32> -> vector<256x64xf32>
    %add3A_348 = arith.addf %dot_general3A_342, %dot_general3A_347 : vector<256x64xf32>
    %mul3A_349 = vector.broadcast %div3A_277 : vector<256x1xf32> to vector<256x64xf32>
    %mul3A_350 = arith.mulf %mul3A_349, %dot_general3A_282 : vector<256x64xf32>
    %mul3A_351 = vector.broadcast %div3A_300 : vector<256x1xf32> to vector<256x64xf32>
    %mul3A_352 = arith.mulf %mul3A_351, %dot_general3A_305 : vector<256x64xf32>
    %add3A_353 = arith.addf %mul3A_350, %mul3A_352 : vector<256x64xf32>
    %mul3A_354 = vector.broadcast %div3A_337 : vector<256x1xf32> to vector<256x64xf32>
    %mul3A_355 = arith.mulf %mul3A_354, %add3A_348 : vector<256x64xf32>
    %add3A_356 = arith.addf %add3A_353, %mul3A_355 : vector<256x64xf32>
    %get3A_357 = arith.constant 0 : index
    %get3A_358 = arith.constant 192 : index
    %get3A_359 = vector.load %arg1[%get3A_357, %get3A_358] : memref<256x1024xf32, #tpu.memory_space<vmem>>, vector<256x64xf32>
    %get3A_360 = arith.constant 192 : index
    %get3A_361 = arith.constant 0 : index
    %get3A_362 = vector.load %arg6[%get3A_360, %get3A_361] : memref<1024x128xf32, #tpu.memory_space<vmem>>, vector<64x128xf32>
    %dot_general3A_363 = arith.constant dense<0.000000e+00> : vector<256x128xf32>
    %dot_general3A_364 = tpu.matmul %get3A_359, %get3A_362, %dot_general3A_363 {dimension_numbers = #tpu.dot_dimension_numbers<[1], [0], [0], [1], [0, 0, 1, 1], [], []>, transpose_lhs_hint = false} : vector<256x64xf32>, vector<64x128xf32>, vector<256x128xf32> -> vector<256x128xf32>
    %jit3A_365 = arith.constant -1.000000e+09 : f32
    %broadcast_in_dim3A_366 = vector.broadcast %jit3A_365 : f32 to vector<256x128xf32>
    %select_n3A_367 = arith.select %le3A_26, %dot_general3A_364, %broadcast_in_dim3A_366 : vector<256x128xi1>, vector<256x128xf32>
    %reduce_max3A_368 = arith.constant dense<0xFF800000> : vector<256xf32>
    %reduce_max3A_369 = vector.multi_reduction <maximumf>, %select_n3A_367, %reduce_max3A_368 [1] : vector<256x128xf32> to vector<256xf32>
    %broadcast_in_dim3A_370 = vector.shape_cast %reduce_max3A_369 : vector<256xf32> to vector<256x1xf32>
    %sub3A_371 = vector.broadcast %broadcast_in_dim3A_370 : vector<256x1xf32> to vector<256x128xf32>
    %sub3A_372 = arith.subf %select_n3A_367, %sub3A_371 : vector<256x128xf32>
    %exp3A_373 = math.exp %sub3A_372 : vector<256x128xf32>
    %reduce_sum3A_374 = arith.constant dense<0.000000e+00> : vector<256xf32>
    %reduce_sum3A_375 = vector.multi_reduction <add>, %exp3A_373, %reduce_sum3A_374 [1] : vector<256x128xf32> to vector<256xf32>
    %broadcast_in_dim3A_376 = vector.shape_cast %reduce_sum3A_375 : vector<256xf32> to vector<256x1xf32>
    %div3A_377 = arith.divf %slice3A, %broadcast_in_dim3A_376 : vector<256x1xf32>
    %get3A_378 = arith.constant 0 : index
    %get3A_379 = arith.constant 192 : index
    %get3A_380 = vector.load %arg7[%get3A_378, %get3A_379] : memref<128x1024xf32, #tpu.memory_space<vmem>>, vector<128x64xf32>
    %dot_general3A_381 = arith.constant dense<0.000000e+00> : vector<256x64xf32>
    %dot_general3A_382 = tpu.matmul %exp3A_373, %get3A_380, %dot_general3A_381 {dimension_numbers = #tpu.dot_dimension_numbers<[1], [0], [0], [1], [0, 0, 1, 1], [], []>, transpose_lhs_hint = false} : vector<256x128xf32>, vector<128x64xf32>, vector<256x64xf32> -> vector<256x64xf32>
    %get3A_383 = arith.constant 192 : index
    %get3A_384 = arith.constant 0 : index
    %get3A_385 = vector.load %arg16[%get3A_383, %get3A_384] : memref<1024x16xf32, #tpu.memory_space<vmem>>, vector<64x16xf32>
    %dot_general3A_386 = arith.constant dense<0.000000e+00> : vector<256x16xf32>
    %dot_general3A_387 = tpu.matmul %get3A_359, %get3A_385, %dot_general3A_386 {dimension_numbers = #tpu.dot_dimension_numbers<[1], [0], [0], [1], [0, 0, 1, 1], [], []>, transpose_lhs_hint = false} : vector<256x64xf32>, vector<64x16xf32>, vector<256x16xf32> -> vector<256x16xf32>
    %jit3A_388 = arith.constant -1.000000e+09 : f32
    %broadcast_in_dim3A_389 = vector.broadcast %jit3A_388 : f32 to vector<256x16xf32>
    %select_n3A_390 = arith.select %le3A_32, %dot_general3A_387, %broadcast_in_dim3A_389 : vector<256x16xi1>, vector<256x16xf32>
    %reduce_max3A_391 = arith.constant dense<0xFF800000> : vector<256xf32>
    %reduce_max3A_392 = vector.multi_reduction <maximumf>, %select_n3A_390, %reduce_max3A_391 [1] : vector<256x16xf32> to vector<256xf32>
    %broadcast_in_dim3A_393 = vector.shape_cast %reduce_max3A_392 : vector<256xf32> to vector<256x1xf32>
    %sub3A_394 = vector.broadcast %broadcast_in_dim3A_393 : vector<256x1xf32> to vector<256x16xf32>
    %sub3A_395 = arith.subf %select_n3A_390, %sub3A_394 : vector<256x16xf32>
    %exp3A_396 = math.exp %sub3A_395 : vector<256x16xf32>
    %reduce_sum3A_397 = arith.constant dense<0.000000e+00> : vector<256xf32>
    %reduce_sum3A_398 = vector.multi_reduction <add>, %exp3A_396, %reduce_sum3A_397 [1] : vector<256x16xf32> to vector<256xf32>
    %broadcast_in_dim3A_399 = vector.shape_cast %reduce_sum3A_398 : vector<256xf32> to vector<256x1xf32>
    %div3A_400 = arith.divf %slice3A_62, %broadcast_in_dim3A_399 : vector<256x1xf32>
    %get3A_401 = arith.constant 0 : index
    %get3A_402 = arith.constant 192 : index
    %get3A_403 = vector.load %arg17[%get3A_401, %get3A_402] : memref<16x1024xf32, #tpu.memory_space<vmem>>, vector<16x64xf32>
    %dot_general3A_404 = arith.constant dense<0.000000e+00> : vector<256x64xf32>
    %dot_general3A_405 = tpu.matmul %exp3A_396, %get3A_403, %dot_general3A_404 {dimension_numbers = #tpu.dot_dimension_numbers<[1], [0], [0], [1], [0, 0, 1, 1], [], []>, transpose_lhs_hint = false} : vector<256x16xf32>, vector<16x64xf32>, vector<256x64xf32> -> vector<256x64xf32>
    %get3A_406 = arith.constant 192 : index
    %get3A_407 = arith.constant 0 : index
    %get3A_408 = vector.load %arg2[%get3A_406, %get3A_407] : memref<1024x256xf32, #tpu.memory_space<vmem>>, vector<64x256xf32>
    %dot_general3A_409 = arith.constant dense<0.000000e+00> : vector<256x256xf32>
    %dot_general3A_410 = tpu.matmul %get3A_359, %get3A_408, %dot_general3A_409 {dimension_numbers = #tpu.dot_dimension_numbers<[1], [0], [0], [1], [0, 0, 1, 1], [], []>, transpose_lhs_hint = false} : vector<256x64xf32>, vector<64x256xf32>, vector<256x256xf32> -> vector<256x256xf32>
    %get3A_411 = arith.constant 192 : index
    %get3A_412 = arith.constant 0 : index
    %get3A_413 = vector.load %arg3[%get3A_411, %get3A_412] : memref<1024x256xf32, #tpu.memory_space<vmem>>, vector<64x256xf32>
    %dot_general3A_414 = arith.constant dense<0.000000e+00> : vector<256x256xf32>
    %dot_general3A_415 = tpu.matmul %get3A_359, %get3A_413, %dot_general3A_414 {dimension_numbers = #tpu.dot_dimension_numbers<[1], [0], [0], [1], [0, 0, 1, 1], [], []>, transpose_lhs_hint = false} : vector<256x64xf32>, vector<64x256xf32>, vector<256x256xf32> -> vector<256x256xf32>
    %sub3A_416 = arith.constant 4.000000e+01 : f32
    %sub3A_417 = vector.broadcast %sub3A_416 : f32 to vector<256x256xf32>
    %sub3A_418 = arith.subf %dot_general3A_410, %sub3A_417 : vector<256x256xf32>
    %jit3A_419 = arith.constant -1.000000e+09 : f32
    %broadcast_in_dim3A_420 = vector.broadcast %jit3A_419 : f32 to vector<256x256xf32>
    %select_n3A_421 = arith.select %and3A_55, %sub3A_418, %broadcast_in_dim3A_420 : vector<256x256xi1>, vector<256x256xf32>
    %exp3A_422 = math.exp %select_n3A_421 : vector<256x256xf32>
    %sub3A_423 = arith.constant 4.000000e+01 : f32
    %sub3A_424 = vector.broadcast %sub3A_423 : f32 to vector<256x256xf32>
    %sub3A_425 = arith.subf %dot_general3A_415, %sub3A_424 : vector<256x256xf32>
    %jit3A_426 = arith.constant -1.000000e+09 : f32
    %broadcast_in_dim3A_427 = vector.broadcast %jit3A_426 : f32 to vector<256x256xf32>
    %select_n3A_428 = arith.select %le3A_58, %sub3A_425, %broadcast_in_dim3A_427 : vector<256x256xi1>, vector<256x256xf32>
    %exp3A_429 = math.exp %select_n3A_428 : vector<256x256xf32>
    %reduce_sum3A_430 = arith.constant dense<0.000000e+00> : vector<256xf32>
    %reduce_sum3A_431 = vector.multi_reduction <add>, %exp3A_422, %reduce_sum3A_430 [1] : vector<256x256xf32> to vector<256xf32>
    %broadcast_in_dim3A_432 = vector.shape_cast %reduce_sum3A_431 : vector<256xf32> to vector<256x1xf32>
    %reduce_sum3A_433 = arith.constant dense<0.000000e+00> : vector<256xf32>
    %reduce_sum3A_434 = vector.multi_reduction <add>, %exp3A_429, %reduce_sum3A_433 [1] : vector<256x256xf32> to vector<256xf32>
    %broadcast_in_dim3A_435 = vector.shape_cast %reduce_sum3A_434 : vector<256xf32> to vector<256x1xf32>
    %add3A_436 = arith.addf %broadcast_in_dim3A_432, %broadcast_in_dim3A_435 : vector<256x1xf32>
    %div3A_437 = arith.divf %slice3A_63, %add3A_436 : vector<256x1xf32>
    %get3A_438 = arith.constant 0 : index
    %get3A_439 = arith.constant 192 : index
    %get3A_440 = vector.load %arg4[%get3A_438, %get3A_439] : memref<256x1024xf32, #tpu.memory_space<vmem>>, vector<256x64xf32>
    %dot_general3A_441 = arith.constant dense<0.000000e+00> : vector<256x64xf32>
    %dot_general3A_442 = tpu.matmul %exp3A_422, %get3A_440, %dot_general3A_441 {dimension_numbers = #tpu.dot_dimension_numbers<[1], [0], [0], [1], [0, 0, 1, 1], [], []>, transpose_lhs_hint = false} : vector<256x256xf32>, vector<256x64xf32>, vector<256x64xf32> -> vector<256x64xf32>
    %get3A_443 = arith.constant 0 : index
    %get3A_444 = arith.constant 192 : index
    %get3A_445 = vector.load %arg5[%get3A_443, %get3A_444] : memref<256x1024xf32, #tpu.memory_space<vmem>>, vector<256x64xf32>
    %dot_general3A_446 = arith.constant dense<0.000000e+00> : vector<256x64xf32>
    %dot_general3A_447 = tpu.matmul %exp3A_429, %get3A_445, %dot_general3A_446 {dimension_numbers = #tpu.dot_dimension_numbers<[1], [0], [0], [1], [0, 0, 1, 1], [], []>, transpose_lhs_hint = false} : vector<256x256xf32>, vector<256x64xf32>, vector<256x64xf32> -> vector<256x64xf32>
    %add3A_448 = arith.addf %dot_general3A_442, %dot_general3A_447 : vector<256x64xf32>
    %mul3A_449 = vector.broadcast %div3A_377 : vector<256x1xf32> to vector<256x64xf32>
    %mul3A_450 = arith.mulf %mul3A_449, %dot_general3A_382 : vector<256x64xf32>
    %mul3A_451 = vector.broadcast %div3A_400 : vector<256x1xf32> to vector<256x64xf32>
    %mul3A_452 = arith.mulf %mul3A_451, %dot_general3A_405 : vector<256x64xf32>
    %add3A_453 = arith.addf %mul3A_450, %mul3A_452 : vector<256x64xf32>
    %mul3A_454 = vector.broadcast %div3A_437 : vector<256x1xf32> to vector<256x64xf32>
    %mul3A_455 = arith.mulf %mul3A_454, %add3A_448 : vector<256x64xf32>
    %add3A_456 = arith.addf %add3A_453, %mul3A_455 : vector<256x64xf32>
    %get3A_457 = arith.constant 0 : index
    %get3A_458 = arith.constant 256 : index
    %get3A_459 = vector.load %arg1[%get3A_457, %get3A_458] : memref<256x1024xf32, #tpu.memory_space<vmem>>, vector<256x64xf32>
    %get3A_460 = arith.constant 256 : index
    %get3A_461 = arith.constant 0 : index
    %get3A_462 = vector.load %arg6[%get3A_460, %get3A_461] : memref<1024x128xf32, #tpu.memory_space<vmem>>, vector<64x128xf32>
    %dot_general3A_463 = arith.constant dense<0.000000e+00> : vector<256x128xf32>
    %dot_general3A_464 = tpu.matmul %get3A_459, %get3A_462, %dot_general3A_463 {dimension_numbers = #tpu.dot_dimension_numbers<[1], [0], [0], [1], [0, 0, 1, 1], [], []>, transpose_lhs_hint = false} : vector<256x64xf32>, vector<64x128xf32>, vector<256x128xf32> -> vector<256x128xf32>
    %jit3A_465 = arith.constant -1.000000e+09 : f32
    %broadcast_in_dim3A_466 = vector.broadcast %jit3A_465 : f32 to vector<256x128xf32>
    %select_n3A_467 = arith.select %le3A_26, %dot_general3A_464, %broadcast_in_dim3A_466 : vector<256x128xi1>, vector<256x128xf32>
    %reduce_max3A_468 = arith.constant dense<0xFF800000> : vector<256xf32>
    %reduce_max3A_469 = vector.multi_reduction <maximumf>, %select_n3A_467, %reduce_max3A_468 [1] : vector<256x128xf32> to vector<256xf32>
    %broadcast_in_dim3A_470 = vector.shape_cast %reduce_max3A_469 : vector<256xf32> to vector<256x1xf32>
    %sub3A_471 = vector.broadcast %broadcast_in_dim3A_470 : vector<256x1xf32> to vector<256x128xf32>
    %sub3A_472 = arith.subf %select_n3A_467, %sub3A_471 : vector<256x128xf32>
    %exp3A_473 = math.exp %sub3A_472 : vector<256x128xf32>
    %reduce_sum3A_474 = arith.constant dense<0.000000e+00> : vector<256xf32>
    %reduce_sum3A_475 = vector.multi_reduction <add>, %exp3A_473, %reduce_sum3A_474 [1] : vector<256x128xf32> to vector<256xf32>
    %broadcast_in_dim3A_476 = vector.shape_cast %reduce_sum3A_475 : vector<256xf32> to vector<256x1xf32>
    %div3A_477 = arith.divf %slice3A, %broadcast_in_dim3A_476 : vector<256x1xf32>
    %get3A_478 = arith.constant 0 : index
    %get3A_479 = arith.constant 256 : index
    %get3A_480 = vector.load %arg7[%get3A_478, %get3A_479] : memref<128x1024xf32, #tpu.memory_space<vmem>>, vector<128x64xf32>
    %dot_general3A_481 = arith.constant dense<0.000000e+00> : vector<256x64xf32>
    %dot_general3A_482 = tpu.matmul %exp3A_473, %get3A_480, %dot_general3A_481 {dimension_numbers = #tpu.dot_dimension_numbers<[1], [0], [0], [1], [0, 0, 1, 1], [], []>, transpose_lhs_hint = false} : vector<256x128xf32>, vector<128x64xf32>, vector<256x64xf32> -> vector<256x64xf32>
    %get3A_483 = arith.constant 256 : index
    %get3A_484 = arith.constant 0 : index
    %get3A_485 = vector.load %arg16[%get3A_483, %get3A_484] : memref<1024x16xf32, #tpu.memory_space<vmem>>, vector<64x16xf32>
    %dot_general3A_486 = arith.constant dense<0.000000e+00> : vector<256x16xf32>
    %dot_general3A_487 = tpu.matmul %get3A_459, %get3A_485, %dot_general3A_486 {dimension_numbers = #tpu.dot_dimension_numbers<[1], [0], [0], [1], [0, 0, 1, 1], [], []>, transpose_lhs_hint = false} : vector<256x64xf32>, vector<64x16xf32>, vector<256x16xf32> -> vector<256x16xf32>
    %jit3A_488 = arith.constant -1.000000e+09 : f32
    %broadcast_in_dim3A_489 = vector.broadcast %jit3A_488 : f32 to vector<256x16xf32>
    %select_n3A_490 = arith.select %le3A_32, %dot_general3A_487, %broadcast_in_dim3A_489 : vector<256x16xi1>, vector<256x16xf32>
    %reduce_max3A_491 = arith.constant dense<0xFF800000> : vector<256xf32>
    %reduce_max3A_492 = vector.multi_reduction <maximumf>, %select_n3A_490, %reduce_max3A_491 [1] : vector<256x16xf32> to vector<256xf32>
    %broadcast_in_dim3A_493 = vector.shape_cast %reduce_max3A_492 : vector<256xf32> to vector<256x1xf32>
    %sub3A_494 = vector.broadcast %broadcast_in_dim3A_493 : vector<256x1xf32> to vector<256x16xf32>
    %sub3A_495 = arith.subf %select_n3A_490, %sub3A_494 : vector<256x16xf32>
    %exp3A_496 = math.exp %sub3A_495 : vector<256x16xf32>
    %reduce_sum3A_497 = arith.constant dense<0.000000e+00> : vector<256xf32>
    %reduce_sum3A_498 = vector.multi_reduction <add>, %exp3A_496, %reduce_sum3A_497 [1] : vector<256x16xf32> to vector<256xf32>
    %broadcast_in_dim3A_499 = vector.shape_cast %reduce_sum3A_498 : vector<256xf32> to vector<256x1xf32>
    %div3A_500 = arith.divf %slice3A_62, %broadcast_in_dim3A_499 : vector<256x1xf32>
    %get3A_501 = arith.constant 0 : index
    %get3A_502 = arith.constant 256 : index
    %get3A_503 = vector.load %arg17[%get3A_501, %get3A_502] : memref<16x1024xf32, #tpu.memory_space<vmem>>, vector<16x64xf32>
    %dot_general3A_504 = arith.constant dense<0.000000e+00> : vector<256x64xf32>
    %dot_general3A_505 = tpu.matmul %exp3A_496, %get3A_503, %dot_general3A_504 {dimension_numbers = #tpu.dot_dimension_numbers<[1], [0], [0], [1], [0, 0, 1, 1], [], []>, transpose_lhs_hint = false} : vector<256x16xf32>, vector<16x64xf32>, vector<256x64xf32> -> vector<256x64xf32>
    %get3A_506 = arith.constant 256 : index
    %get3A_507 = arith.constant 0 : index
    %get3A_508 = vector.load %arg2[%get3A_506, %get3A_507] : memref<1024x256xf32, #tpu.memory_space<vmem>>, vector<64x256xf32>
    %dot_general3A_509 = arith.constant dense<0.000000e+00> : vector<256x256xf32>
    %dot_general3A_510 = tpu.matmul %get3A_459, %get3A_508, %dot_general3A_509 {dimension_numbers = #tpu.dot_dimension_numbers<[1], [0], [0], [1], [0, 0, 1, 1], [], []>, transpose_lhs_hint = false} : vector<256x64xf32>, vector<64x256xf32>, vector<256x256xf32> -> vector<256x256xf32>
    %get3A_511 = arith.constant 256 : index
    %get3A_512 = arith.constant 0 : index
    %get3A_513 = vector.load %arg3[%get3A_511, %get3A_512] : memref<1024x256xf32, #tpu.memory_space<vmem>>, vector<64x256xf32>
    %dot_general3A_514 = arith.constant dense<0.000000e+00> : vector<256x256xf32>
    %dot_general3A_515 = tpu.matmul %get3A_459, %get3A_513, %dot_general3A_514 {dimension_numbers = #tpu.dot_dimension_numbers<[1], [0], [0], [1], [0, 0, 1, 1], [], []>, transpose_lhs_hint = false} : vector<256x64xf32>, vector<64x256xf32>, vector<256x256xf32> -> vector<256x256xf32>
    %sub3A_516 = arith.constant 4.000000e+01 : f32
    %sub3A_517 = vector.broadcast %sub3A_516 : f32 to vector<256x256xf32>
    %sub3A_518 = arith.subf %dot_general3A_510, %sub3A_517 : vector<256x256xf32>
    %jit3A_519 = arith.constant -1.000000e+09 : f32
    %broadcast_in_dim3A_520 = vector.broadcast %jit3A_519 : f32 to vector<256x256xf32>
    %select_n3A_521 = arith.select %and3A_55, %sub3A_518, %broadcast_in_dim3A_520 : vector<256x256xi1>, vector<256x256xf32>
    %exp3A_522 = math.exp %select_n3A_521 : vector<256x256xf32>
    %sub3A_523 = arith.constant 4.000000e+01 : f32
    %sub3A_524 = vector.broadcast %sub3A_523 : f32 to vector<256x256xf32>
    %sub3A_525 = arith.subf %dot_general3A_515, %sub3A_524 : vector<256x256xf32>
    %jit3A_526 = arith.constant -1.000000e+09 : f32
    %broadcast_in_dim3A_527 = vector.broadcast %jit3A_526 : f32 to vector<256x256xf32>
    %select_n3A_528 = arith.select %le3A_58, %sub3A_525, %broadcast_in_dim3A_527 : vector<256x256xi1>, vector<256x256xf32>
    %exp3A_529 = math.exp %select_n3A_528 : vector<256x256xf32>
    %reduce_sum3A_530 = arith.constant dense<0.000000e+00> : vector<256xf32>
    %reduce_sum3A_531 = vector.multi_reduction <add>, %exp3A_522, %reduce_sum3A_530 [1] : vector<256x256xf32> to vector<256xf32>
    %broadcast_in_dim3A_532 = vector.shape_cast %reduce_sum3A_531 : vector<256xf32> to vector<256x1xf32>
    %reduce_sum3A_533 = arith.constant dense<0.000000e+00> : vector<256xf32>
    %reduce_sum3A_534 = vector.multi_reduction <add>, %exp3A_529, %reduce_sum3A_533 [1] : vector<256x256xf32> to vector<256xf32>
    %broadcast_in_dim3A_535 = vector.shape_cast %reduce_sum3A_534 : vector<256xf32> to vector<256x1xf32>
    %add3A_536 = arith.addf %broadcast_in_dim3A_532, %broadcast_in_dim3A_535 : vector<256x1xf32>
    %div3A_537 = arith.divf %slice3A_63, %add3A_536 : vector<256x1xf32>
    %get3A_538 = arith.constant 0 : index
    %get3A_539 = arith.constant 256 : index
    %get3A_540 = vector.load %arg4[%get3A_538, %get3A_539] : memref<256x1024xf32, #tpu.memory_space<vmem>>, vector<256x64xf32>
    %dot_general3A_541 = arith.constant dense<0.000000e+00> : vector<256x64xf32>
    %dot_general3A_542 = tpu.matmul %exp3A_522, %get3A_540, %dot_general3A_541 {dimension_numbers = #tpu.dot_dimension_numbers<[1], [0], [0], [1], [0, 0, 1, 1], [], []>, transpose_lhs_hint = false} : vector<256x256xf32>, vector<256x64xf32>, vector<256x64xf32> -> vector<256x64xf32>
    %get3A_543 = arith.constant 0 : index
    %get3A_544 = arith.constant 256 : index
    %get3A_545 = vector.load %arg5[%get3A_543, %get3A_544] : memref<256x1024xf32, #tpu.memory_space<vmem>>, vector<256x64xf32>
    %dot_general3A_546 = arith.constant dense<0.000000e+00> : vector<256x64xf32>
    %dot_general3A_547 = tpu.matmul %exp3A_529, %get3A_545, %dot_general3A_546 {dimension_numbers = #tpu.dot_dimension_numbers<[1], [0], [0], [1], [0, 0, 1, 1], [], []>, transpose_lhs_hint = false} : vector<256x256xf32>, vector<256x64xf32>, vector<256x64xf32> -> vector<256x64xf32>
    %add3A_548 = arith.addf %dot_general3A_542, %dot_general3A_547 : vector<256x64xf32>
    %mul3A_549 = vector.broadcast %div3A_477 : vector<256x1xf32> to vector<256x64xf32>
    %mul3A_550 = arith.mulf %mul3A_549, %dot_general3A_482 : vector<256x64xf32>
    %mul3A_551 = vector.broadcast %div3A_500 : vector<256x1xf32> to vector<256x64xf32>
    %mul3A_552 = arith.mulf %mul3A_551, %dot_general3A_505 : vector<256x64xf32>
    %add3A_553 = arith.addf %mul3A_550, %mul3A_552 : vector<256x64xf32>
    %mul3A_554 = vector.broadcast %div3A_537 : vector<256x1xf32> to vector<256x64xf32>
    %mul3A_555 = arith.mulf %mul3A_554, %add3A_548 : vector<256x64xf32>
    %add3A_556 = arith.addf %add3A_553, %mul3A_555 : vector<256x64xf32>
    %get3A_557 = arith.constant 0 : index
    %get3A_558 = arith.constant 320 : index
    %get3A_559 = vector.load %arg1[%get3A_557, %get3A_558] : memref<256x1024xf32, #tpu.memory_space<vmem>>, vector<256x64xf32>
    %get3A_560 = arith.constant 320 : index
    %get3A_561 = arith.constant 0 : index
    %get3A_562 = vector.load %arg6[%get3A_560, %get3A_561] : memref<1024x128xf32, #tpu.memory_space<vmem>>, vector<64x128xf32>
    %dot_general3A_563 = arith.constant dense<0.000000e+00> : vector<256x128xf32>
    %dot_general3A_564 = tpu.matmul %get3A_559, %get3A_562, %dot_general3A_563 {dimension_numbers = #tpu.dot_dimension_numbers<[1], [0], [0], [1], [0, 0, 1, 1], [], []>, transpose_lhs_hint = false} : vector<256x64xf32>, vector<64x128xf32>, vector<256x128xf32> -> vector<256x128xf32>
    %jit3A_565 = arith.constant -1.000000e+09 : f32
    %broadcast_in_dim3A_566 = vector.broadcast %jit3A_565 : f32 to vector<256x128xf32>
    %select_n3A_567 = arith.select %le3A_26, %dot_general3A_564, %broadcast_in_dim3A_566 : vector<256x128xi1>, vector<256x128xf32>
    %reduce_max3A_568 = arith.constant dense<0xFF800000> : vector<256xf32>
    %reduce_max3A_569 = vector.multi_reduction <maximumf>, %select_n3A_567, %reduce_max3A_568 [1] : vector<256x128xf32> to vector<256xf32>
    %broadcast_in_dim3A_570 = vector.shape_cast %reduce_max3A_569 : vector<256xf32> to vector<256x1xf32>
    %sub3A_571 = vector.broadcast %broadcast_in_dim3A_570 : vector<256x1xf32> to vector<256x128xf32>
    %sub3A_572 = arith.subf %select_n3A_567, %sub3A_571 : vector<256x128xf32>
    %exp3A_573 = math.exp %sub3A_572 : vector<256x128xf32>
    %reduce_sum3A_574 = arith.constant dense<0.000000e+00> : vector<256xf32>
    %reduce_sum3A_575 = vector.multi_reduction <add>, %exp3A_573, %reduce_sum3A_574 [1] : vector<256x128xf32> to vector<256xf32>
    %broadcast_in_dim3A_576 = vector.shape_cast %reduce_sum3A_575 : vector<256xf32> to vector<256x1xf32>
    %div3A_577 = arith.divf %slice3A, %broadcast_in_dim3A_576 : vector<256x1xf32>
    %get3A_578 = arith.constant 0 : index
    %get3A_579 = arith.constant 320 : index
    %get3A_580 = vector.load %arg7[%get3A_578, %get3A_579] : memref<128x1024xf32, #tpu.memory_space<vmem>>, vector<128x64xf32>
    %dot_general3A_581 = arith.constant dense<0.000000e+00> : vector<256x64xf32>
    %dot_general3A_582 = tpu.matmul %exp3A_573, %get3A_580, %dot_general3A_581 {dimension_numbers = #tpu.dot_dimension_numbers<[1], [0], [0], [1], [0, 0, 1, 1], [], []>, transpose_lhs_hint = false} : vector<256x128xf32>, vector<128x64xf32>, vector<256x64xf32> -> vector<256x64xf32>
    %get3A_583 = arith.constant 320 : index
    %get3A_584 = arith.constant 0 : index
    %get3A_585 = vector.load %arg16[%get3A_583, %get3A_584] : memref<1024x16xf32, #tpu.memory_space<vmem>>, vector<64x16xf32>
    %dot_general3A_586 = arith.constant dense<0.000000e+00> : vector<256x16xf32>
    %dot_general3A_587 = tpu.matmul %get3A_559, %get3A_585, %dot_general3A_586 {dimension_numbers = #tpu.dot_dimension_numbers<[1], [0], [0], [1], [0, 0, 1, 1], [], []>, transpose_lhs_hint = false} : vector<256x64xf32>, vector<64x16xf32>, vector<256x16xf32> -> vector<256x16xf32>
    %jit3A_588 = arith.constant -1.000000e+09 : f32
    %broadcast_in_dim3A_589 = vector.broadcast %jit3A_588 : f32 to vector<256x16xf32>
    %select_n3A_590 = arith.select %le3A_32, %dot_general3A_587, %broadcast_in_dim3A_589 : vector<256x16xi1>, vector<256x16xf32>
    %reduce_max3A_591 = arith.constant dense<0xFF800000> : vector<256xf32>
    %reduce_max3A_592 = vector.multi_reduction <maximumf>, %select_n3A_590, %reduce_max3A_591 [1] : vector<256x16xf32> to vector<256xf32>
    %broadcast_in_dim3A_593 = vector.shape_cast %reduce_max3A_592 : vector<256xf32> to vector<256x1xf32>
    %sub3A_594 = vector.broadcast %broadcast_in_dim3A_593 : vector<256x1xf32> to vector<256x16xf32>
    %sub3A_595 = arith.subf %select_n3A_590, %sub3A_594 : vector<256x16xf32>
    %exp3A_596 = math.exp %sub3A_595 : vector<256x16xf32>
    %reduce_sum3A_597 = arith.constant dense<0.000000e+00> : vector<256xf32>
    %reduce_sum3A_598 = vector.multi_reduction <add>, %exp3A_596, %reduce_sum3A_597 [1] : vector<256x16xf32> to vector<256xf32>
    %broadcast_in_dim3A_599 = vector.shape_cast %reduce_sum3A_598 : vector<256xf32> to vector<256x1xf32>
    %div3A_600 = arith.divf %slice3A_62, %broadcast_in_dim3A_599 : vector<256x1xf32>
    %get3A_601 = arith.constant 0 : index
    %get3A_602 = arith.constant 320 : index
    %get3A_603 = vector.load %arg17[%get3A_601, %get3A_602] : memref<16x1024xf32, #tpu.memory_space<vmem>>, vector<16x64xf32>
    %dot_general3A_604 = arith.constant dense<0.000000e+00> : vector<256x64xf32>
    %dot_general3A_605 = tpu.matmul %exp3A_596, %get3A_603, %dot_general3A_604 {dimension_numbers = #tpu.dot_dimension_numbers<[1], [0], [0], [1], [0, 0, 1, 1], [], []>, transpose_lhs_hint = false} : vector<256x16xf32>, vector<16x64xf32>, vector<256x64xf32> -> vector<256x64xf32>
    %get3A_606 = arith.constant 320 : index
    %get3A_607 = arith.constant 0 : index
    %get3A_608 = vector.load %arg2[%get3A_606, %get3A_607] : memref<1024x256xf32, #tpu.memory_space<vmem>>, vector<64x256xf32>
    %dot_general3A_609 = arith.constant dense<0.000000e+00> : vector<256x256xf32>
    %dot_general3A_610 = tpu.matmul %get3A_559, %get3A_608, %dot_general3A_609 {dimension_numbers = #tpu.dot_dimension_numbers<[1], [0], [0], [1], [0, 0, 1, 1], [], []>, transpose_lhs_hint = false} : vector<256x64xf32>, vector<64x256xf32>, vector<256x256xf32> -> vector<256x256xf32>
    %get3A_611 = arith.constant 320 : index
    %get3A_612 = arith.constant 0 : index
    %get3A_613 = vector.load %arg3[%get3A_611, %get3A_612] : memref<1024x256xf32, #tpu.memory_space<vmem>>, vector<64x256xf32>
    %dot_general3A_614 = arith.constant dense<0.000000e+00> : vector<256x256xf32>
    %dot_general3A_615 = tpu.matmul %get3A_559, %get3A_613, %dot_general3A_614 {dimension_numbers = #tpu.dot_dimension_numbers<[1], [0], [0], [1], [0, 0, 1, 1], [], []>, transpose_lhs_hint = false} : vector<256x64xf32>, vector<64x256xf32>, vector<256x256xf32> -> vector<256x256xf32>
    %sub3A_616 = arith.constant 4.000000e+01 : f32
    %sub3A_617 = vector.broadcast %sub3A_616 : f32 to vector<256x256xf32>
    %sub3A_618 = arith.subf %dot_general3A_610, %sub3A_617 : vector<256x256xf32>
    %jit3A_619 = arith.constant -1.000000e+09 : f32
    %broadcast_in_dim3A_620 = vector.broadcast %jit3A_619 : f32 to vector<256x256xf32>
    %select_n3A_621 = arith.select %and3A_55, %sub3A_618, %broadcast_in_dim3A_620 : vector<256x256xi1>, vector<256x256xf32>
    %exp3A_622 = math.exp %select_n3A_621 : vector<256x256xf32>
    %sub3A_623 = arith.constant 4.000000e+01 : f32
    %sub3A_624 = vector.broadcast %sub3A_623 : f32 to vector<256x256xf32>
    %sub3A_625 = arith.subf %dot_general3A_615, %sub3A_624 : vector<256x256xf32>
    %jit3A_626 = arith.constant -1.000000e+09 : f32
    %broadcast_in_dim3A_627 = vector.broadcast %jit3A_626 : f32 to vector<256x256xf32>
    %select_n3A_628 = arith.select %le3A_58, %sub3A_625, %broadcast_in_dim3A_627 : vector<256x256xi1>, vector<256x256xf32>
    %exp3A_629 = math.exp %select_n3A_628 : vector<256x256xf32>
    %reduce_sum3A_630 = arith.constant dense<0.000000e+00> : vector<256xf32>
    %reduce_sum3A_631 = vector.multi_reduction <add>, %exp3A_622, %reduce_sum3A_630 [1] : vector<256x256xf32> to vector<256xf32>
    %broadcast_in_dim3A_632 = vector.shape_cast %reduce_sum3A_631 : vector<256xf32> to vector<256x1xf32>
    %reduce_sum3A_633 = arith.constant dense<0.000000e+00> : vector<256xf32>
    %reduce_sum3A_634 = vector.multi_reduction <add>, %exp3A_629, %reduce_sum3A_633 [1] : vector<256x256xf32> to vector<256xf32>
    %broadcast_in_dim3A_635 = vector.shape_cast %reduce_sum3A_634 : vector<256xf32> to vector<256x1xf32>
    %add3A_636 = arith.addf %broadcast_in_dim3A_632, %broadcast_in_dim3A_635 : vector<256x1xf32>
    %div3A_637 = arith.divf %slice3A_63, %add3A_636 : vector<256x1xf32>
    %get3A_638 = arith.constant 0 : index
    %get3A_639 = arith.constant 320 : index
    %get3A_640 = vector.load %arg4[%get3A_638, %get3A_639] : memref<256x1024xf32, #tpu.memory_space<vmem>>, vector<256x64xf32>
    %dot_general3A_641 = arith.constant dense<0.000000e+00> : vector<256x64xf32>
    %dot_general3A_642 = tpu.matmul %exp3A_622, %get3A_640, %dot_general3A_641 {dimension_numbers = #tpu.dot_dimension_numbers<[1], [0], [0], [1], [0, 0, 1, 1], [], []>, transpose_lhs_hint = false} : vector<256x256xf32>, vector<256x64xf32>, vector<256x64xf32> -> vector<256x64xf32>
    %get3A_643 = arith.constant 0 : index
    %get3A_644 = arith.constant 320 : index
    %get3A_645 = vector.load %arg5[%get3A_643, %get3A_644] : memref<256x1024xf32, #tpu.memory_space<vmem>>, vector<256x64xf32>
    %dot_general3A_646 = arith.constant dense<0.000000e+00> : vector<256x64xf32>
    %dot_general3A_647 = tpu.matmul %exp3A_629, %get3A_645, %dot_general3A_646 {dimension_numbers = #tpu.dot_dimension_numbers<[1], [0], [0], [1], [0, 0, 1, 1], [], []>, transpose_lhs_hint = false} : vector<256x256xf32>, vector<256x64xf32>, vector<256x64xf32> -> vector<256x64xf32>
    %add3A_648 = arith.addf %dot_general3A_642, %dot_general3A_647 : vector<256x64xf32>
    %mul3A_649 = vector.broadcast %div3A_577 : vector<256x1xf32> to vector<256x64xf32>
    %mul3A_650 = arith.mulf %mul3A_649, %dot_general3A_582 : vector<256x64xf32>
    %mul3A_651 = vector.broadcast %div3A_600 : vector<256x1xf32> to vector<256x64xf32>
    %mul3A_652 = arith.mulf %mul3A_651, %dot_general3A_605 : vector<256x64xf32>
    %add3A_653 = arith.addf %mul3A_650, %mul3A_652 : vector<256x64xf32>
    %mul3A_654 = vector.broadcast %div3A_637 : vector<256x1xf32> to vector<256x64xf32>
    %mul3A_655 = arith.mulf %mul3A_654, %add3A_648 : vector<256x64xf32>
    %add3A_656 = arith.addf %add3A_653, %mul3A_655 : vector<256x64xf32>
    %get3A_657 = arith.constant 0 : index
    %get3A_658 = arith.constant 384 : index
    %get3A_659 = vector.load %arg1[%get3A_657, %get3A_658] : memref<256x1024xf32, #tpu.memory_space<vmem>>, vector<256x64xf32>
    %get3A_660 = arith.constant 384 : index
    %get3A_661 = arith.constant 0 : index
    %get3A_662 = vector.load %arg6[%get3A_660, %get3A_661] : memref<1024x128xf32, #tpu.memory_space<vmem>>, vector<64x128xf32>
    %dot_general3A_663 = arith.constant dense<0.000000e+00> : vector<256x128xf32>
    %dot_general3A_664 = tpu.matmul %get3A_659, %get3A_662, %dot_general3A_663 {dimension_numbers = #tpu.dot_dimension_numbers<[1], [0], [0], [1], [0, 0, 1, 1], [], []>, transpose_lhs_hint = false} : vector<256x64xf32>, vector<64x128xf32>, vector<256x128xf32> -> vector<256x128xf32>
    %jit3A_665 = arith.constant -1.000000e+09 : f32
    %broadcast_in_dim3A_666 = vector.broadcast %jit3A_665 : f32 to vector<256x128xf32>
    %select_n3A_667 = arith.select %le3A_26, %dot_general3A_664, %broadcast_in_dim3A_666 : vector<256x128xi1>, vector<256x128xf32>
    %reduce_max3A_668 = arith.constant dense<0xFF800000> : vector<256xf32>
    %reduce_max3A_669 = vector.multi_reduction <maximumf>, %select_n3A_667, %reduce_max3A_668 [1] : vector<256x128xf32> to vector<256xf32>
    %broadcast_in_dim3A_670 = vector.shape_cast %reduce_max3A_669 : vector<256xf32> to vector<256x1xf32>
    %sub3A_671 = vector.broadcast %broadcast_in_dim3A_670 : vector<256x1xf32> to vector<256x128xf32>
    %sub3A_672 = arith.subf %select_n3A_667, %sub3A_671 : vector<256x128xf32>
    %exp3A_673 = math.exp %sub3A_672 : vector<256x128xf32>
    %reduce_sum3A_674 = arith.constant dense<0.000000e+00> : vector<256xf32>
    %reduce_sum3A_675 = vector.multi_reduction <add>, %exp3A_673, %reduce_sum3A_674 [1] : vector<256x128xf32> to vector<256xf32>
    %broadcast_in_dim3A_676 = vector.shape_cast %reduce_sum3A_675 : vector<256xf32> to vector<256x1xf32>
    %div3A_677 = arith.divf %slice3A, %broadcast_in_dim3A_676 : vector<256x1xf32>
    %get3A_678 = arith.constant 0 : index
    %get3A_679 = arith.constant 384 : index
    %get3A_680 = vector.load %arg7[%get3A_678, %get3A_679] : memref<128x1024xf32, #tpu.memory_space<vmem>>, vector<128x64xf32>
    %dot_general3A_681 = arith.constant dense<0.000000e+00> : vector<256x64xf32>
    %dot_general3A_682 = tpu.matmul %exp3A_673, %get3A_680, %dot_general3A_681 {dimension_numbers = #tpu.dot_dimension_numbers<[1], [0], [0], [1], [0, 0, 1, 1], [], []>, transpose_lhs_hint = false} : vector<256x128xf32>, vector<128x64xf32>, vector<256x64xf32> -> vector<256x64xf32>
    %get3A_683 = arith.constant 384 : index
    %get3A_684 = arith.constant 0 : index
    %get3A_685 = vector.load %arg16[%get3A_683, %get3A_684] : memref<1024x16xf32, #tpu.memory_space<vmem>>, vector<64x16xf32>
    %dot_general3A_686 = arith.constant dense<0.000000e+00> : vector<256x16xf32>
    %dot_general3A_687 = tpu.matmul %get3A_659, %get3A_685, %dot_general3A_686 {dimension_numbers = #tpu.dot_dimension_numbers<[1], [0], [0], [1], [0, 0, 1, 1], [], []>, transpose_lhs_hint = false} : vector<256x64xf32>, vector<64x16xf32>, vector<256x16xf32> -> vector<256x16xf32>
    %jit3A_688 = arith.constant -1.000000e+09 : f32
    %broadcast_in_dim3A_689 = vector.broadcast %jit3A_688 : f32 to vector<256x16xf32>
    %select_n3A_690 = arith.select %le3A_32, %dot_general3A_687, %broadcast_in_dim3A_689 : vector<256x16xi1>, vector<256x16xf32>
    %reduce_max3A_691 = arith.constant dense<0xFF800000> : vector<256xf32>
    %reduce_max3A_692 = vector.multi_reduction <maximumf>, %select_n3A_690, %reduce_max3A_691 [1] : vector<256x16xf32> to vector<256xf32>
    %broadcast_in_dim3A_693 = vector.shape_cast %reduce_max3A_692 : vector<256xf32> to vector<256x1xf32>
    %sub3A_694 = vector.broadcast %broadcast_in_dim3A_693 : vector<256x1xf32> to vector<256x16xf32>
    %sub3A_695 = arith.subf %select_n3A_690, %sub3A_694 : vector<256x16xf32>
    %exp3A_696 = math.exp %sub3A_695 : vector<256x16xf32>
    %reduce_sum3A_697 = arith.constant dense<0.000000e+00> : vector<256xf32>
    %reduce_sum3A_698 = vector.multi_reduction <add>, %exp3A_696, %reduce_sum3A_697 [1] : vector<256x16xf32> to vector<256xf32>
    %broadcast_in_dim3A_699 = vector.shape_cast %reduce_sum3A_698 : vector<256xf32> to vector<256x1xf32>
    %div3A_700 = arith.divf %slice3A_62, %broadcast_in_dim3A_699 : vector<256x1xf32>
    %get3A_701 = arith.constant 0 : index
    %get3A_702 = arith.constant 384 : index
    %get3A_703 = vector.load %arg17[%get3A_701, %get3A_702] : memref<16x1024xf32, #tpu.memory_space<vmem>>, vector<16x64xf32>
    %dot_general3A_704 = arith.constant dense<0.000000e+00> : vector<256x64xf32>
    %dot_general3A_705 = tpu.matmul %exp3A_696, %get3A_703, %dot_general3A_704 {dimension_numbers = #tpu.dot_dimension_numbers<[1], [0], [0], [1], [0, 0, 1, 1], [], []>, transpose_lhs_hint = false} : vector<256x16xf32>, vector<16x64xf32>, vector<256x64xf32> -> vector<256x64xf32>
    %get3A_706 = arith.constant 384 : index
    %get3A_707 = arith.constant 0 : index
    %get3A_708 = vector.load %arg2[%get3A_706, %get3A_707] : memref<1024x256xf32, #tpu.memory_space<vmem>>, vector<64x256xf32>
    %dot_general3A_709 = arith.constant dense<0.000000e+00> : vector<256x256xf32>
    %dot_general3A_710 = tpu.matmul %get3A_659, %get3A_708, %dot_general3A_709 {dimension_numbers = #tpu.dot_dimension_numbers<[1], [0], [0], [1], [0, 0, 1, 1], [], []>, transpose_lhs_hint = false} : vector<256x64xf32>, vector<64x256xf32>, vector<256x256xf32> -> vector<256x256xf32>
    %get3A_711 = arith.constant 384 : index
    %get3A_712 = arith.constant 0 : index
    %get3A_713 = vector.load %arg3[%get3A_711, %get3A_712] : memref<1024x256xf32, #tpu.memory_space<vmem>>, vector<64x256xf32>
    %dot_general3A_714 = arith.constant dense<0.000000e+00> : vector<256x256xf32>
    %dot_general3A_715 = tpu.matmul %get3A_659, %get3A_713, %dot_general3A_714 {dimension_numbers = #tpu.dot_dimension_numbers<[1], [0], [0], [1], [0, 0, 1, 1], [], []>, transpose_lhs_hint = false} : vector<256x64xf32>, vector<64x256xf32>, vector<256x256xf32> -> vector<256x256xf32>
    %sub3A_716 = arith.constant 4.000000e+01 : f32
    %sub3A_717 = vector.broadcast %sub3A_716 : f32 to vector<256x256xf32>
    %sub3A_718 = arith.subf %dot_general3A_710, %sub3A_717 : vector<256x256xf32>
    %jit3A_719 = arith.constant -1.000000e+09 : f32
    %broadcast_in_dim3A_720 = vector.broadcast %jit3A_719 : f32 to vector<256x256xf32>
    %select_n3A_721 = arith.select %and3A_55, %sub3A_718, %broadcast_in_dim3A_720 : vector<256x256xi1>, vector<256x256xf32>
    %exp3A_722 = math.exp %select_n3A_721 : vector<256x256xf32>
    %sub3A_723 = arith.constant 4.000000e+01 : f32
    %sub3A_724 = vector.broadcast %sub3A_723 : f32 to vector<256x256xf32>
    %sub3A_725 = arith.subf %dot_general3A_715, %sub3A_724 : vector<256x256xf32>
    %jit3A_726 = arith.constant -1.000000e+09 : f32
    %broadcast_in_dim3A_727 = vector.broadcast %jit3A_726 : f32 to vector<256x256xf32>
    %select_n3A_728 = arith.select %le3A_58, %sub3A_725, %broadcast_in_dim3A_727 : vector<256x256xi1>, vector<256x256xf32>
    %exp3A_729 = math.exp %select_n3A_728 : vector<256x256xf32>
    %reduce_sum3A_730 = arith.constant dense<0.000000e+00> : vector<256xf32>
    %reduce_sum3A_731 = vector.multi_reduction <add>, %exp3A_722, %reduce_sum3A_730 [1] : vector<256x256xf32> to vector<256xf32>
    %broadcast_in_dim3A_732 = vector.shape_cast %reduce_sum3A_731 : vector<256xf32> to vector<256x1xf32>
    %reduce_sum3A_733 = arith.constant dense<0.000000e+00> : vector<256xf32>
    %reduce_sum3A_734 = vector.multi_reduction <add>, %exp3A_729, %reduce_sum3A_733 [1] : vector<256x256xf32> to vector<256xf32>
    %broadcast_in_dim3A_735 = vector.shape_cast %reduce_sum3A_734 : vector<256xf32> to vector<256x1xf32>
    %add3A_736 = arith.addf %broadcast_in_dim3A_732, %broadcast_in_dim3A_735 : vector<256x1xf32>
    %div3A_737 = arith.divf %slice3A_63, %add3A_736 : vector<256x1xf32>
    %get3A_738 = arith.constant 0 : index
    %get3A_739 = arith.constant 384 : index
    %get3A_740 = vector.load %arg4[%get3A_738, %get3A_739] : memref<256x1024xf32, #tpu.memory_space<vmem>>, vector<256x64xf32>
    %dot_general3A_741 = arith.constant dense<0.000000e+00> : vector<256x64xf32>
    %dot_general3A_742 = tpu.matmul %exp3A_722, %get3A_740, %dot_general3A_741 {dimension_numbers = #tpu.dot_dimension_numbers<[1], [0], [0], [1], [0, 0, 1, 1], [], []>, transpose_lhs_hint = false} : vector<256x256xf32>, vector<256x64xf32>, vector<256x64xf32> -> vector<256x64xf32>
    %get3A_743 = arith.constant 0 : index
    %get3A_744 = arith.constant 384 : index
    %get3A_745 = vector.load %arg5[%get3A_743, %get3A_744] : memref<256x1024xf32, #tpu.memory_space<vmem>>, vector<256x64xf32>
    %dot_general3A_746 = arith.constant dense<0.000000e+00> : vector<256x64xf32>
    %dot_general3A_747 = tpu.matmul %exp3A_729, %get3A_745, %dot_general3A_746 {dimension_numbers = #tpu.dot_dimension_numbers<[1], [0], [0], [1], [0, 0, 1, 1], [], []>, transpose_lhs_hint = false} : vector<256x256xf32>, vector<256x64xf32>, vector<256x64xf32> -> vector<256x64xf32>
    %add3A_748 = arith.addf %dot_general3A_742, %dot_general3A_747 : vector<256x64xf32>
    %mul3A_749 = vector.broadcast %div3A_677 : vector<256x1xf32> to vector<256x64xf32>
    %mul3A_750 = arith.mulf %mul3A_749, %dot_general3A_682 : vector<256x64xf32>
    %mul3A_751 = vector.broadcast %div3A_700 : vector<256x1xf32> to vector<256x64xf32>
    %mul3A_752 = arith.mulf %mul3A_751, %dot_general3A_705 : vector<256x64xf32>
    %add3A_753 = arith.addf %mul3A_750, %mul3A_752 : vector<256x64xf32>
    %mul3A_754 = vector.broadcast %div3A_737 : vector<256x1xf32> to vector<256x64xf32>
    %mul3A_755 = arith.mulf %mul3A_754, %add3A_748 : vector<256x64xf32>
    %add3A_756 = arith.addf %add3A_753, %mul3A_755 : vector<256x64xf32>
    %get3A_757 = arith.constant 0 : index
    %get3A_758 = arith.constant 448 : index
    %get3A_759 = vector.load %arg1[%get3A_757, %get3A_758] : memref<256x1024xf32, #tpu.memory_space<vmem>>, vector<256x64xf32>
    %get3A_760 = arith.constant 448 : index
    %get3A_761 = arith.constant 0 : index
    %get3A_762 = vector.load %arg6[%get3A_760, %get3A_761] : memref<1024x128xf32, #tpu.memory_space<vmem>>, vector<64x128xf32>
    %dot_general3A_763 = arith.constant dense<0.000000e+00> : vector<256x128xf32>
    %dot_general3A_764 = tpu.matmul %get3A_759, %get3A_762, %dot_general3A_763 {dimension_numbers = #tpu.dot_dimension_numbers<[1], [0], [0], [1], [0, 0, 1, 1], [], []>, transpose_lhs_hint = false} : vector<256x64xf32>, vector<64x128xf32>, vector<256x128xf32> -> vector<256x128xf32>
    %jit3A_765 = arith.constant -1.000000e+09 : f32
    %broadcast_in_dim3A_766 = vector.broadcast %jit3A_765 : f32 to vector<256x128xf32>
    %select_n3A_767 = arith.select %le3A_26, %dot_general3A_764, %broadcast_in_dim3A_766 : vector<256x128xi1>, vector<256x128xf32>
    %reduce_max3A_768 = arith.constant dense<0xFF800000> : vector<256xf32>
    %reduce_max3A_769 = vector.multi_reduction <maximumf>, %select_n3A_767, %reduce_max3A_768 [1] : vector<256x128xf32> to vector<256xf32>
    %broadcast_in_dim3A_770 = vector.shape_cast %reduce_max3A_769 : vector<256xf32> to vector<256x1xf32>
    %sub3A_771 = vector.broadcast %broadcast_in_dim3A_770 : vector<256x1xf32> to vector<256x128xf32>
    %sub3A_772 = arith.subf %select_n3A_767, %sub3A_771 : vector<256x128xf32>
    %exp3A_773 = math.exp %sub3A_772 : vector<256x128xf32>
    %reduce_sum3A_774 = arith.constant dense<0.000000e+00> : vector<256xf32>
    %reduce_sum3A_775 = vector.multi_reduction <add>, %exp3A_773, %reduce_sum3A_774 [1] : vector<256x128xf32> to vector<256xf32>
    %broadcast_in_dim3A_776 = vector.shape_cast %reduce_sum3A_775 : vector<256xf32> to vector<256x1xf32>
    %div3A_777 = arith.divf %slice3A, %broadcast_in_dim3A_776 : vector<256x1xf32>
    %get3A_778 = arith.constant 0 : index
    %get3A_779 = arith.constant 448 : index
    %get3A_780 = vector.load %arg7[%get3A_778, %get3A_779] : memref<128x1024xf32, #tpu.memory_space<vmem>>, vector<128x64xf32>
    %dot_general3A_781 = arith.constant dense<0.000000e+00> : vector<256x64xf32>
    %dot_general3A_782 = tpu.matmul %exp3A_773, %get3A_780, %dot_general3A_781 {dimension_numbers = #tpu.dot_dimension_numbers<[1], [0], [0], [1], [0, 0, 1, 1], [], []>, transpose_lhs_hint = false} : vector<256x128xf32>, vector<128x64xf32>, vector<256x64xf32> -> vector<256x64xf32>
    %get3A_783 = arith.constant 448 : index
    %get3A_784 = arith.constant 0 : index
    %get3A_785 = vector.load %arg16[%get3A_783, %get3A_784] : memref<1024x16xf32, #tpu.memory_space<vmem>>, vector<64x16xf32>
    %dot_general3A_786 = arith.constant dense<0.000000e+00> : vector<256x16xf32>
    %dot_general3A_787 = tpu.matmul %get3A_759, %get3A_785, %dot_general3A_786 {dimension_numbers = #tpu.dot_dimension_numbers<[1], [0], [0], [1], [0, 0, 1, 1], [], []>, transpose_lhs_hint = false} : vector<256x64xf32>, vector<64x16xf32>, vector<256x16xf32> -> vector<256x16xf32>
    %jit3A_788 = arith.constant -1.000000e+09 : f32
    %broadcast_in_dim3A_789 = vector.broadcast %jit3A_788 : f32 to vector<256x16xf32>
    %select_n3A_790 = arith.select %le3A_32, %dot_general3A_787, %broadcast_in_dim3A_789 : vector<256x16xi1>, vector<256x16xf32>
    %reduce_max3A_791 = arith.constant dense<0xFF800000> : vector<256xf32>
    %reduce_max3A_792 = vector.multi_reduction <maximumf>, %select_n3A_790, %reduce_max3A_791 [1] : vector<256x16xf32> to vector<256xf32>
    %broadcast_in_dim3A_793 = vector.shape_cast %reduce_max3A_792 : vector<256xf32> to vector<256x1xf32>
    %sub3A_794 = vector.broadcast %broadcast_in_dim3A_793 : vector<256x1xf32> to vector<256x16xf32>
    %sub3A_795 = arith.subf %select_n3A_790, %sub3A_794 : vector<256x16xf32>
    %exp3A_796 = math.exp %sub3A_795 : vector<256x16xf32>
    %reduce_sum3A_797 = arith.constant dense<0.000000e+00> : vector<256xf32>
    %reduce_sum3A_798 = vector.multi_reduction <add>, %exp3A_796, %reduce_sum3A_797 [1] : vector<256x16xf32> to vector<256xf32>
    %broadcast_in_dim3A_799 = vector.shape_cast %reduce_sum3A_798 : vector<256xf32> to vector<256x1xf32>
    %div3A_800 = arith.divf %slice3A_62, %broadcast_in_dim3A_799 : vector<256x1xf32>
    %get3A_801 = arith.constant 0 : index
    %get3A_802 = arith.constant 448 : index
    %get3A_803 = vector.load %arg17[%get3A_801, %get3A_802] : memref<16x1024xf32, #tpu.memory_space<vmem>>, vector<16x64xf32>
    %dot_general3A_804 = arith.constant dense<0.000000e+00> : vector<256x64xf32>
    %dot_general3A_805 = tpu.matmul %exp3A_796, %get3A_803, %dot_general3A_804 {dimension_numbers = #tpu.dot_dimension_numbers<[1], [0], [0], [1], [0, 0, 1, 1], [], []>, transpose_lhs_hint = false} : vector<256x16xf32>, vector<16x64xf32>, vector<256x64xf32> -> vector<256x64xf32>
    %get3A_806 = arith.constant 448 : index
    %get3A_807 = arith.constant 0 : index
    %get3A_808 = vector.load %arg2[%get3A_806, %get3A_807] : memref<1024x256xf32, #tpu.memory_space<vmem>>, vector<64x256xf32>
    %dot_general3A_809 = arith.constant dense<0.000000e+00> : vector<256x256xf32>
    %dot_general3A_810 = tpu.matmul %get3A_759, %get3A_808, %dot_general3A_809 {dimension_numbers = #tpu.dot_dimension_numbers<[1], [0], [0], [1], [0, 0, 1, 1], [], []>, transpose_lhs_hint = false} : vector<256x64xf32>, vector<64x256xf32>, vector<256x256xf32> -> vector<256x256xf32>
    %get3A_811 = arith.constant 448 : index
    %get3A_812 = arith.constant 0 : index
    %get3A_813 = vector.load %arg3[%get3A_811, %get3A_812] : memref<1024x256xf32, #tpu.memory_space<vmem>>, vector<64x256xf32>
    %dot_general3A_814 = arith.constant dense<0.000000e+00> : vector<256x256xf32>
    %dot_general3A_815 = tpu.matmul %get3A_759, %get3A_813, %dot_general3A_814 {dimension_numbers = #tpu.dot_dimension_numbers<[1], [0], [0], [1], [0, 0, 1, 1], [], []>, transpose_lhs_hint = false} : vector<256x64xf32>, vector<64x256xf32>, vector<256x256xf32> -> vector<256x256xf32>
    %sub3A_816 = arith.constant 4.000000e+01 : f32
    %sub3A_817 = vector.broadcast %sub3A_816 : f32 to vector<256x256xf32>
    %sub3A_818 = arith.subf %dot_general3A_810, %sub3A_817 : vector<256x256xf32>
    %jit3A_819 = arith.constant -1.000000e+09 : f32
    %broadcast_in_dim3A_820 = vector.broadcast %jit3A_819 : f32 to vector<256x256xf32>
    %select_n3A_821 = arith.select %and3A_55, %sub3A_818, %broadcast_in_dim3A_820 : vector<256x256xi1>, vector<256x256xf32>
    %exp3A_822 = math.exp %select_n3A_821 : vector<256x256xf32>
    %sub3A_823 = arith.constant 4.000000e+01 : f32
    %sub3A_824 = vector.broadcast %sub3A_823 : f32 to vector<256x256xf32>
    %sub3A_825 = arith.subf %dot_general3A_815, %sub3A_824 : vector<256x256xf32>
    %jit3A_826 = arith.constant -1.000000e+09 : f32
    %broadcast_in_dim3A_827 = vector.broadcast %jit3A_826 : f32 to vector<256x256xf32>
    %select_n3A_828 = arith.select %le3A_58, %sub3A_825, %broadcast_in_dim3A_827 : vector<256x256xi1>, vector<256x256xf32>
    %exp3A_829 = math.exp %select_n3A_828 : vector<256x256xf32>
    %reduce_sum3A_830 = arith.constant dense<0.000000e+00> : vector<256xf32>
    %reduce_sum3A_831 = vector.multi_reduction <add>, %exp3A_822, %reduce_sum3A_830 [1] : vector<256x256xf32> to vector<256xf32>
    %broadcast_in_dim3A_832 = vector.shape_cast %reduce_sum3A_831 : vector<256xf32> to vector<256x1xf32>
    %reduce_sum3A_833 = arith.constant dense<0.000000e+00> : vector<256xf32>
    %reduce_sum3A_834 = vector.multi_reduction <add>, %exp3A_829, %reduce_sum3A_833 [1] : vector<256x256xf32> to vector<256xf32>
    %broadcast_in_dim3A_835 = vector.shape_cast %reduce_sum3A_834 : vector<256xf32> to vector<256x1xf32>
    %add3A_836 = arith.addf %broadcast_in_dim3A_832, %broadcast_in_dim3A_835 : vector<256x1xf32>
    %div3A_837 = arith.divf %slice3A_63, %add3A_836 : vector<256x1xf32>
    %get3A_838 = arith.constant 0 : index
    %get3A_839 = arith.constant 448 : index
    %get3A_840 = vector.load %arg4[%get3A_838, %get3A_839] : memref<256x1024xf32, #tpu.memory_space<vmem>>, vector<256x64xf32>
    %dot_general3A_841 = arith.constant dense<0.000000e+00> : vector<256x64xf32>
    %dot_general3A_842 = tpu.matmul %exp3A_822, %get3A_840, %dot_general3A_841 {dimension_numbers = #tpu.dot_dimension_numbers<[1], [0], [0], [1], [0, 0, 1, 1], [], []>, transpose_lhs_hint = false} : vector<256x256xf32>, vector<256x64xf32>, vector<256x64xf32> -> vector<256x64xf32>
    %get3A_843 = arith.constant 0 : index
    %get3A_844 = arith.constant 448 : index
    %get3A_845 = vector.load %arg5[%get3A_843, %get3A_844] : memref<256x1024xf32, #tpu.memory_space<vmem>>, vector<256x64xf32>
    %dot_general3A_846 = arith.constant dense<0.000000e+00> : vector<256x64xf32>
    %dot_general3A_847 = tpu.matmul %exp3A_829, %get3A_845, %dot_general3A_846 {dimension_numbers = #tpu.dot_dimension_numbers<[1], [0], [0], [1], [0, 0, 1, 1], [], []>, transpose_lhs_hint = false} : vector<256x256xf32>, vector<256x64xf32>, vector<256x64xf32> -> vector<256x64xf32>
    %add3A_848 = arith.addf %dot_general3A_842, %dot_general3A_847 : vector<256x64xf32>
    %mul3A_849 = vector.broadcast %div3A_777 : vector<256x1xf32> to vector<256x64xf32>
    %mul3A_850 = arith.mulf %mul3A_849, %dot_general3A_782 : vector<256x64xf32>
    %mul3A_851 = vector.broadcast %div3A_800 : vector<256x1xf32> to vector<256x64xf32>
    %mul3A_852 = arith.mulf %mul3A_851, %dot_general3A_805 : vector<256x64xf32>
    %add3A_853 = arith.addf %mul3A_850, %mul3A_852 : vector<256x64xf32>
    %mul3A_854 = vector.broadcast %div3A_837 : vector<256x1xf32> to vector<256x64xf32>
    %mul3A_855 = arith.mulf %mul3A_854, %add3A_848 : vector<256x64xf32>
    %add3A_856 = arith.addf %add3A_853, %mul3A_855 : vector<256x64xf32>
    %get3A_857 = arith.constant 0 : index
    %get3A_858 = arith.constant 512 : index
    %get3A_859 = vector.load %arg1[%get3A_857, %get3A_858] : memref<256x1024xf32, #tpu.memory_space<vmem>>, vector<256x64xf32>
    %get3A_860 = arith.constant 512 : index
    %get3A_861 = arith.constant 0 : index
    %get3A_862 = vector.load %arg6[%get3A_860, %get3A_861] : memref<1024x128xf32, #tpu.memory_space<vmem>>, vector<64x128xf32>
    %dot_general3A_863 = arith.constant dense<0.000000e+00> : vector<256x128xf32>
    %dot_general3A_864 = tpu.matmul %get3A_859, %get3A_862, %dot_general3A_863 {dimension_numbers = #tpu.dot_dimension_numbers<[1], [0], [0], [1], [0, 0, 1, 1], [], []>, transpose_lhs_hint = false} : vector<256x64xf32>, vector<64x128xf32>, vector<256x128xf32> -> vector<256x128xf32>
    %jit3A_865 = arith.constant -1.000000e+09 : f32
    %broadcast_in_dim3A_866 = vector.broadcast %jit3A_865 : f32 to vector<256x128xf32>
    %select_n3A_867 = arith.select %le3A_26, %dot_general3A_864, %broadcast_in_dim3A_866 : vector<256x128xi1>, vector<256x128xf32>
    %reduce_max3A_868 = arith.constant dense<0xFF800000> : vector<256xf32>
    %reduce_max3A_869 = vector.multi_reduction <maximumf>, %select_n3A_867, %reduce_max3A_868 [1] : vector<256x128xf32> to vector<256xf32>
    %broadcast_in_dim3A_870 = vector.shape_cast %reduce_max3A_869 : vector<256xf32> to vector<256x1xf32>
    %sub3A_871 = vector.broadcast %broadcast_in_dim3A_870 : vector<256x1xf32> to vector<256x128xf32>
    %sub3A_872 = arith.subf %select_n3A_867, %sub3A_871 : vector<256x128xf32>
    %exp3A_873 = math.exp %sub3A_872 : vector<256x128xf32>
    %reduce_sum3A_874 = arith.constant dense<0.000000e+00> : vector<256xf32>
    %reduce_sum3A_875 = vector.multi_reduction <add>, %exp3A_873, %reduce_sum3A_874 [1] : vector<256x128xf32> to vector<256xf32>
    %broadcast_in_dim3A_876 = vector.shape_cast %reduce_sum3A_875 : vector<256xf32> to vector<256x1xf32>
    %div3A_877 = arith.divf %slice3A, %broadcast_in_dim3A_876 : vector<256x1xf32>
    %get3A_878 = arith.constant 0 : index
    %get3A_879 = arith.constant 512 : index
    %get3A_880 = vector.load %arg7[%get3A_878, %get3A_879] : memref<128x1024xf32, #tpu.memory_space<vmem>>, vector<128x64xf32>
    %dot_general3A_881 = arith.constant dense<0.000000e+00> : vector<256x64xf32>
    %dot_general3A_882 = tpu.matmul %exp3A_873, %get3A_880, %dot_general3A_881 {dimension_numbers = #tpu.dot_dimension_numbers<[1], [0], [0], [1], [0, 0, 1, 1], [], []>, transpose_lhs_hint = false} : vector<256x128xf32>, vector<128x64xf32>, vector<256x64xf32> -> vector<256x64xf32>
    %get3A_883 = arith.constant 512 : index
    %get3A_884 = arith.constant 0 : index
    %get3A_885 = vector.load %arg16[%get3A_883, %get3A_884] : memref<1024x16xf32, #tpu.memory_space<vmem>>, vector<64x16xf32>
    %dot_general3A_886 = arith.constant dense<0.000000e+00> : vector<256x16xf32>
    %dot_general3A_887 = tpu.matmul %get3A_859, %get3A_885, %dot_general3A_886 {dimension_numbers = #tpu.dot_dimension_numbers<[1], [0], [0], [1], [0, 0, 1, 1], [], []>, transpose_lhs_hint = false} : vector<256x64xf32>, vector<64x16xf32>, vector<256x16xf32> -> vector<256x16xf32>
    %jit3A_888 = arith.constant -1.000000e+09 : f32
    %broadcast_in_dim3A_889 = vector.broadcast %jit3A_888 : f32 to vector<256x16xf32>
    %select_n3A_890 = arith.select %le3A_32, %dot_general3A_887, %broadcast_in_dim3A_889 : vector<256x16xi1>, vector<256x16xf32>
    %reduce_max3A_891 = arith.constant dense<0xFF800000> : vector<256xf32>
    %reduce_max3A_892 = vector.multi_reduction <maximumf>, %select_n3A_890, %reduce_max3A_891 [1] : vector<256x16xf32> to vector<256xf32>
    %broadcast_in_dim3A_893 = vector.shape_cast %reduce_max3A_892 : vector<256xf32> to vector<256x1xf32>
    %sub3A_894 = vector.broadcast %broadcast_in_dim3A_893 : vector<256x1xf32> to vector<256x16xf32>
    %sub3A_895 = arith.subf %select_n3A_890, %sub3A_894 : vector<256x16xf32>
    %exp3A_896 = math.exp %sub3A_895 : vector<256x16xf32>
    %reduce_sum3A_897 = arith.constant dense<0.000000e+00> : vector<256xf32>
    %reduce_sum3A_898 = vector.multi_reduction <add>, %exp3A_896, %reduce_sum3A_897 [1] : vector<256x16xf32> to vector<256xf32>
    %broadcast_in_dim3A_899 = vector.shape_cast %reduce_sum3A_898 : vector<256xf32> to vector<256x1xf32>
    %div3A_900 = arith.divf %slice3A_62, %broadcast_in_dim3A_899 : vector<256x1xf32>
    %get3A_901 = arith.constant 0 : index
    %get3A_902 = arith.constant 512 : index
    %get3A_903 = vector.load %arg17[%get3A_901, %get3A_902] : memref<16x1024xf32, #tpu.memory_space<vmem>>, vector<16x64xf32>
    %dot_general3A_904 = arith.constant dense<0.000000e+00> : vector<256x64xf32>
    %dot_general3A_905 = tpu.matmul %exp3A_896, %get3A_903, %dot_general3A_904 {dimension_numbers = #tpu.dot_dimension_numbers<[1], [0], [0], [1], [0, 0, 1, 1], [], []>, transpose_lhs_hint = false} : vector<256x16xf32>, vector<16x64xf32>, vector<256x64xf32> -> vector<256x64xf32>
    %get3A_906 = arith.constant 512 : index
    %get3A_907 = arith.constant 0 : index
    %get3A_908 = vector.load %arg2[%get3A_906, %get3A_907] : memref<1024x256xf32, #tpu.memory_space<vmem>>, vector<64x256xf32>
    %dot_general3A_909 = arith.constant dense<0.000000e+00> : vector<256x256xf32>
    %dot_general3A_910 = tpu.matmul %get3A_859, %get3A_908, %dot_general3A_909 {dimension_numbers = #tpu.dot_dimension_numbers<[1], [0], [0], [1], [0, 0, 1, 1], [], []>, transpose_lhs_hint = false} : vector<256x64xf32>, vector<64x256xf32>, vector<256x256xf32> -> vector<256x256xf32>
    %get3A_911 = arith.constant 512 : index
    %get3A_912 = arith.constant 0 : index
    %get3A_913 = vector.load %arg3[%get3A_911, %get3A_912] : memref<1024x256xf32, #tpu.memory_space<vmem>>, vector<64x256xf32>
    %dot_general3A_914 = arith.constant dense<0.000000e+00> : vector<256x256xf32>
    %dot_general3A_915 = tpu.matmul %get3A_859, %get3A_913, %dot_general3A_914 {dimension_numbers = #tpu.dot_dimension_numbers<[1], [0], [0], [1], [0, 0, 1, 1], [], []>, transpose_lhs_hint = false} : vector<256x64xf32>, vector<64x256xf32>, vector<256x256xf32> -> vector<256x256xf32>
    %sub3A_916 = arith.constant 4.000000e+01 : f32
    %sub3A_917 = vector.broadcast %sub3A_916 : f32 to vector<256x256xf32>
    %sub3A_918 = arith.subf %dot_general3A_910, %sub3A_917 : vector<256x256xf32>
    %jit3A_919 = arith.constant -1.000000e+09 : f32
    %broadcast_in_dim3A_920 = vector.broadcast %jit3A_919 : f32 to vector<256x256xf32>
    %select_n3A_921 = arith.select %and3A_55, %sub3A_918, %broadcast_in_dim3A_920 : vector<256x256xi1>, vector<256x256xf32>
    %exp3A_922 = math.exp %select_n3A_921 : vector<256x256xf32>
    %sub3A_923 = arith.constant 4.000000e+01 : f32
    %sub3A_924 = vector.broadcast %sub3A_923 : f32 to vector<256x256xf32>
    %sub3A_925 = arith.subf %dot_general3A_915, %sub3A_924 : vector<256x256xf32>
    %jit3A_926 = arith.constant -1.000000e+09 : f32
    %broadcast_in_dim3A_927 = vector.broadcast %jit3A_926 : f32 to vector<256x256xf32>
    %select_n3A_928 = arith.select %le3A_58, %sub3A_925, %broadcast_in_dim3A_927 : vector<256x256xi1>, vector<256x256xf32>
    %exp3A_929 = math.exp %select_n3A_928 : vector<256x256xf32>
    %reduce_sum3A_930 = arith.constant dense<0.000000e+00> : vector<256xf32>
    %reduce_sum3A_931 = vector.multi_reduction <add>, %exp3A_922, %reduce_sum3A_930 [1] : vector<256x256xf32> to vector<256xf32>
    %broadcast_in_dim3A_932 = vector.shape_cast %reduce_sum3A_931 : vector<256xf32> to vector<256x1xf32>
    %reduce_sum3A_933 = arith.constant dense<0.000000e+00> : vector<256xf32>
    %reduce_sum3A_934 = vector.multi_reduction <add>, %exp3A_929, %reduce_sum3A_933 [1] : vector<256x256xf32> to vector<256xf32>
    %broadcast_in_dim3A_935 = vector.shape_cast %reduce_sum3A_934 : vector<256xf32> to vector<256x1xf32>
    %add3A_936 = arith.addf %broadcast_in_dim3A_932, %broadcast_in_dim3A_935 : vector<256x1xf32>
    %div3A_937 = arith.divf %slice3A_63, %add3A_936 : vector<256x1xf32>
    %get3A_938 = arith.constant 0 : index
    %get3A_939 = arith.constant 512 : index
    %get3A_940 = vector.load %arg4[%get3A_938, %get3A_939] : memref<256x1024xf32, #tpu.memory_space<vmem>>, vector<256x64xf32>
    %dot_general3A_941 = arith.constant dense<0.000000e+00> : vector<256x64xf32>
    %dot_general3A_942 = tpu.matmul %exp3A_922, %get3A_940, %dot_general3A_941 {dimension_numbers = #tpu.dot_dimension_numbers<[1], [0], [0], [1], [0, 0, 1, 1], [], []>, transpose_lhs_hint = false} : vector<256x256xf32>, vector<256x64xf32>, vector<256x64xf32> -> vector<256x64xf32>
    %get3A_943 = arith.constant 0 : index
    %get3A_944 = arith.constant 512 : index
    %get3A_945 = vector.load %arg5[%get3A_943, %get3A_944] : memref<256x1024xf32, #tpu.memory_space<vmem>>, vector<256x64xf32>
    %dot_general3A_946 = arith.constant dense<0.000000e+00> : vector<256x64xf32>
    %dot_general3A_947 = tpu.matmul %exp3A_929, %get3A_945, %dot_general3A_946 {dimension_numbers = #tpu.dot_dimension_numbers<[1], [0], [0], [1], [0, 0, 1, 1], [], []>, transpose_lhs_hint = false} : vector<256x256xf32>, vector<256x64xf32>, vector<256x64xf32> -> vector<256x64xf32>
    %add3A_948 = arith.addf %dot_general3A_942, %dot_general3A_947 : vector<256x64xf32>
    %mul3A_949 = vector.broadcast %div3A_877 : vector<256x1xf32> to vector<256x64xf32>
    %mul3A_950 = arith.mulf %mul3A_949, %dot_general3A_882 : vector<256x64xf32>
    %mul3A_951 = vector.broadcast %div3A_900 : vector<256x1xf32> to vector<256x64xf32>
    %mul3A_952 = arith.mulf %mul3A_951, %dot_general3A_905 : vector<256x64xf32>
    %add3A_953 = arith.addf %mul3A_950, %mul3A_952 : vector<256x64xf32>
    %mul3A_954 = vector.broadcast %div3A_937 : vector<256x1xf32> to vector<256x64xf32>
    %mul3A_955 = arith.mulf %mul3A_954, %add3A_948 : vector<256x64xf32>
    %add3A_956 = arith.addf %add3A_953, %mul3A_955 : vector<256x64xf32>
    %get3A_957 = arith.constant 0 : index
    %get3A_958 = arith.constant 576 : index
    %get3A_959 = vector.load %arg1[%get3A_957, %get3A_958] : memref<256x1024xf32, #tpu.memory_space<vmem>>, vector<256x64xf32>
    %get3A_960 = arith.constant 576 : index
    %get3A_961 = arith.constant 0 : index
    %get3A_962 = vector.load %arg6[%get3A_960, %get3A_961] : memref<1024x128xf32, #tpu.memory_space<vmem>>, vector<64x128xf32>
    %dot_general3A_963 = arith.constant dense<0.000000e+00> : vector<256x128xf32>
    %dot_general3A_964 = tpu.matmul %get3A_959, %get3A_962, %dot_general3A_963 {dimension_numbers = #tpu.dot_dimension_numbers<[1], [0], [0], [1], [0, 0, 1, 1], [], []>, transpose_lhs_hint = false} : vector<256x64xf32>, vector<64x128xf32>, vector<256x128xf32> -> vector<256x128xf32>
    %jit3A_965 = arith.constant -1.000000e+09 : f32
    %broadcast_in_dim3A_966 = vector.broadcast %jit3A_965 : f32 to vector<256x128xf32>
    %select_n3A_967 = arith.select %le3A_26, %dot_general3A_964, %broadcast_in_dim3A_966 : vector<256x128xi1>, vector<256x128xf32>
    %reduce_max3A_968 = arith.constant dense<0xFF800000> : vector<256xf32>
    %reduce_max3A_969 = vector.multi_reduction <maximumf>, %select_n3A_967, %reduce_max3A_968 [1] : vector<256x128xf32> to vector<256xf32>
    %broadcast_in_dim3A_970 = vector.shape_cast %reduce_max3A_969 : vector<256xf32> to vector<256x1xf32>
    %sub3A_971 = vector.broadcast %broadcast_in_dim3A_970 : vector<256x1xf32> to vector<256x128xf32>
    %sub3A_972 = arith.subf %select_n3A_967, %sub3A_971 : vector<256x128xf32>
    %exp3A_973 = math.exp %sub3A_972 : vector<256x128xf32>
    %reduce_sum3A_974 = arith.constant dense<0.000000e+00> : vector<256xf32>
    %reduce_sum3A_975 = vector.multi_reduction <add>, %exp3A_973, %reduce_sum3A_974 [1] : vector<256x128xf32> to vector<256xf32>
    %broadcast_in_dim3A_976 = vector.shape_cast %reduce_sum3A_975 : vector<256xf32> to vector<256x1xf32>
    %div3A_977 = arith.divf %slice3A, %broadcast_in_dim3A_976 : vector<256x1xf32>
    %get3A_978 = arith.constant 0 : index
    %get3A_979 = arith.constant 576 : index
    %get3A_980 = vector.load %arg7[%get3A_978, %get3A_979] : memref<128x1024xf32, #tpu.memory_space<vmem>>, vector<128x64xf32>
    %dot_general3A_981 = arith.constant dense<0.000000e+00> : vector<256x64xf32>
    %dot_general3A_982 = tpu.matmul %exp3A_973, %get3A_980, %dot_general3A_981 {dimension_numbers = #tpu.dot_dimension_numbers<[1], [0], [0], [1], [0, 0, 1, 1], [], []>, transpose_lhs_hint = false} : vector<256x128xf32>, vector<128x64xf32>, vector<256x64xf32> -> vector<256x64xf32>
    %get3A_983 = arith.constant 576 : index
    %get3A_984 = arith.constant 0 : index
    %get3A_985 = vector.load %arg16[%get3A_983, %get3A_984] : memref<1024x16xf32, #tpu.memory_space<vmem>>, vector<64x16xf32>
    %dot_general3A_986 = arith.constant dense<0.000000e+00> : vector<256x16xf32>
    %dot_general3A_987 = tpu.matmul %get3A_959, %get3A_985, %dot_general3A_986 {dimension_numbers = #tpu.dot_dimension_numbers<[1], [0], [0], [1], [0, 0, 1, 1], [], []>, transpose_lhs_hint = false} : vector<256x64xf32>, vector<64x16xf32>, vector<256x16xf32> -> vector<256x16xf32>
    %jit3A_988 = arith.constant -1.000000e+09 : f32
    %broadcast_in_dim3A_989 = vector.broadcast %jit3A_988 : f32 to vector<256x16xf32>
    %select_n3A_990 = arith.select %le3A_32, %dot_general3A_987, %broadcast_in_dim3A_989 : vector<256x16xi1>, vector<256x16xf32>
    %reduce_max3A_991 = arith.constant dense<0xFF800000> : vector<256xf32>
    %reduce_max3A_992 = vector.multi_reduction <maximumf>, %select_n3A_990, %reduce_max3A_991 [1] : vector<256x16xf32> to vector<256xf32>
    %broadcast_in_dim3A_993 = vector.shape_cast %reduce_max3A_992 : vector<256xf32> to vector<256x1xf32>
    %sub3A_994 = vector.broadcast %broadcast_in_dim3A_993 : vector<256x1xf32> to vector<256x16xf32>
    %sub3A_995 = arith.subf %select_n3A_990, %sub3A_994 : vector<256x16xf32>
    %exp3A_996 = math.exp %sub3A_995 : vector<256x16xf32>
    %reduce_sum3A_997 = arith.constant dense<0.000000e+00> : vector<256xf32>
    %reduce_sum3A_998 = vector.multi_reduction <add>, %exp3A_996, %reduce_sum3A_997 [1] : vector<256x16xf32> to vector<256xf32>
    %broadcast_in_dim3A_999 = vector.shape_cast %reduce_sum3A_998 : vector<256xf32> to vector<256x1xf32>
    %div3A_1000 = arith.divf %slice3A_62, %broadcast_in_dim3A_999 : vector<256x1xf32>
    %get3A_1001 = arith.constant 0 : index
    %get3A_1002 = arith.constant 576 : index
    %get3A_1003 = vector.load %arg17[%get3A_1001, %get3A_1002] : memref<16x1024xf32, #tpu.memory_space<vmem>>, vector<16x64xf32>
    %dot_general3A_1004 = arith.constant dense<0.000000e+00> : vector<256x64xf32>
    %dot_general3A_1005 = tpu.matmul %exp3A_996, %get3A_1003, %dot_general3A_1004 {dimension_numbers = #tpu.dot_dimension_numbers<[1], [0], [0], [1], [0, 0, 1, 1], [], []>, transpose_lhs_hint = false} : vector<256x16xf32>, vector<16x64xf32>, vector<256x64xf32> -> vector<256x64xf32>
    %get3A_1006 = arith.constant 576 : index
    %get3A_1007 = arith.constant 0 : index
    %get3A_1008 = vector.load %arg2[%get3A_1006, %get3A_1007] : memref<1024x256xf32, #tpu.memory_space<vmem>>, vector<64x256xf32>
    %dot_general3A_1009 = arith.constant dense<0.000000e+00> : vector<256x256xf32>
    %dot_general3A_1010 = tpu.matmul %get3A_959, %get3A_1008, %dot_general3A_1009 {dimension_numbers = #tpu.dot_dimension_numbers<[1], [0], [0], [1], [0, 0, 1, 1], [], []>, transpose_lhs_hint = false} : vector<256x64xf32>, vector<64x256xf32>, vector<256x256xf32> -> vector<256x256xf32>
    %get3A_1011 = arith.constant 576 : index
    %get3A_1012 = arith.constant 0 : index
    %get3A_1013 = vector.load %arg3[%get3A_1011, %get3A_1012] : memref<1024x256xf32, #tpu.memory_space<vmem>>, vector<64x256xf32>
    %dot_general3A_1014 = arith.constant dense<0.000000e+00> : vector<256x256xf32>
    %dot_general3A_1015 = tpu.matmul %get3A_959, %get3A_1013, %dot_general3A_1014 {dimension_numbers = #tpu.dot_dimension_numbers<[1], [0], [0], [1], [0, 0, 1, 1], [], []>, transpose_lhs_hint = false} : vector<256x64xf32>, vector<64x256xf32>, vector<256x256xf32> -> vector<256x256xf32>
    %sub3A_1016 = arith.constant 4.000000e+01 : f32
    %sub3A_1017 = vector.broadcast %sub3A_1016 : f32 to vector<256x256xf32>
    %sub3A_1018 = arith.subf %dot_general3A_1010, %sub3A_1017 : vector<256x256xf32>
    %jit3A_1019 = arith.constant -1.000000e+09 : f32
    %broadcast_in_dim3A_1020 = vector.broadcast %jit3A_1019 : f32 to vector<256x256xf32>
    %select_n3A_1021 = arith.select %and3A_55, %sub3A_1018, %broadcast_in_dim3A_1020 : vector<256x256xi1>, vector<256x256xf32>
    %exp3A_1022 = math.exp %select_n3A_1021 : vector<256x256xf32>
    %sub3A_1023 = arith.constant 4.000000e+01 : f32
    %sub3A_1024 = vector.broadcast %sub3A_1023 : f32 to vector<256x256xf32>
    %sub3A_1025 = arith.subf %dot_general3A_1015, %sub3A_1024 : vector<256x256xf32>
    %jit3A_1026 = arith.constant -1.000000e+09 : f32
    %broadcast_in_dim3A_1027 = vector.broadcast %jit3A_1026 : f32 to vector<256x256xf32>
    %select_n3A_1028 = arith.select %le3A_58, %sub3A_1025, %broadcast_in_dim3A_1027 : vector<256x256xi1>, vector<256x256xf32>
    %exp3A_1029 = math.exp %select_n3A_1028 : vector<256x256xf32>
    %reduce_sum3A_1030 = arith.constant dense<0.000000e+00> : vector<256xf32>
    %reduce_sum3A_1031 = vector.multi_reduction <add>, %exp3A_1022, %reduce_sum3A_1030 [1] : vector<256x256xf32> to vector<256xf32>
    %broadcast_in_dim3A_1032 = vector.shape_cast %reduce_sum3A_1031 : vector<256xf32> to vector<256x1xf32>
    %reduce_sum3A_1033 = arith.constant dense<0.000000e+00> : vector<256xf32>
    %reduce_sum3A_1034 = vector.multi_reduction <add>, %exp3A_1029, %reduce_sum3A_1033 [1] : vector<256x256xf32> to vector<256xf32>
    %broadcast_in_dim3A_1035 = vector.shape_cast %reduce_sum3A_1034 : vector<256xf32> to vector<256x1xf32>
    %add3A_1036 = arith.addf %broadcast_in_dim3A_1032, %broadcast_in_dim3A_1035 : vector<256x1xf32>
    %div3A_1037 = arith.divf %slice3A_63, %add3A_1036 : vector<256x1xf32>
    %get3A_1038 = arith.constant 0 : index
    %get3A_1039 = arith.constant 576 : index
    %get3A_1040 = vector.load %arg4[%get3A_1038, %get3A_1039] : memref<256x1024xf32, #tpu.memory_space<vmem>>, vector<256x64xf32>
    %dot_general3A_1041 = arith.constant dense<0.000000e+00> : vector<256x64xf32>
    %dot_general3A_1042 = tpu.matmul %exp3A_1022, %get3A_1040, %dot_general3A_1041 {dimension_numbers = #tpu.dot_dimension_numbers<[1], [0], [0], [1], [0, 0, 1, 1], [], []>, transpose_lhs_hint = false} : vector<256x256xf32>, vector<256x64xf32>, vector<256x64xf32> -> vector<256x64xf32>
    %get3A_1043 = arith.constant 0 : index
    %get3A_1044 = arith.constant 576 : index
    %get3A_1045 = vector.load %arg5[%get3A_1043, %get3A_1044] : memref<256x1024xf32, #tpu.memory_space<vmem>>, vector<256x64xf32>
    %dot_general3A_1046 = arith.constant dense<0.000000e+00> : vector<256x64xf32>
    %dot_general3A_1047 = tpu.matmul %exp3A_1029, %get3A_1045, %dot_general3A_1046 {dimension_numbers = #tpu.dot_dimension_numbers<[1], [0], [0], [1], [0, 0, 1, 1], [], []>, transpose_lhs_hint = false} : vector<256x256xf32>, vector<256x64xf32>, vector<256x64xf32> -> vector<256x64xf32>
    %add3A_1048 = arith.addf %dot_general3A_1042, %dot_general3A_1047 : vector<256x64xf32>
    %mul3A_1049 = vector.broadcast %div3A_977 : vector<256x1xf32> to vector<256x64xf32>
    %mul3A_1050 = arith.mulf %mul3A_1049, %dot_general3A_982 : vector<256x64xf32>
    %mul3A_1051 = vector.broadcast %div3A_1000 : vector<256x1xf32> to vector<256x64xf32>
    %mul3A_1052 = arith.mulf %mul3A_1051, %dot_general3A_1005 : vector<256x64xf32>
    %add3A_1053 = arith.addf %mul3A_1050, %mul3A_1052 : vector<256x64xf32>
    %mul3A_1054 = vector.broadcast %div3A_1037 : vector<256x1xf32> to vector<256x64xf32>
    %mul3A_1055 = arith.mulf %mul3A_1054, %add3A_1048 : vector<256x64xf32>
    %add3A_1056 = arith.addf %add3A_1053, %mul3A_1055 : vector<256x64xf32>
    %get3A_1057 = arith.constant 0 : index
    %get3A_1058 = arith.constant 640 : index
    %get3A_1059 = vector.load %arg1[%get3A_1057, %get3A_1058] : memref<256x1024xf32, #tpu.memory_space<vmem>>, vector<256x64xf32>
    %get3A_1060 = arith.constant 640 : index
    %get3A_1061 = arith.constant 0 : index
    %get3A_1062 = vector.load %arg6[%get3A_1060, %get3A_1061] : memref<1024x128xf32, #tpu.memory_space<vmem>>, vector<64x128xf32>
    %dot_general3A_1063 = arith.constant dense<0.000000e+00> : vector<256x128xf32>
    %dot_general3A_1064 = tpu.matmul %get3A_1059, %get3A_1062, %dot_general3A_1063 {dimension_numbers = #tpu.dot_dimension_numbers<[1], [0], [0], [1], [0, 0, 1, 1], [], []>, transpose_lhs_hint = false} : vector<256x64xf32>, vector<64x128xf32>, vector<256x128xf32> -> vector<256x128xf32>
    %jit3A_1065 = arith.constant -1.000000e+09 : f32
    %broadcast_in_dim3A_1066 = vector.broadcast %jit3A_1065 : f32 to vector<256x128xf32>
    %select_n3A_1067 = arith.select %le3A_26, %dot_general3A_1064, %broadcast_in_dim3A_1066 : vector<256x128xi1>, vector<256x128xf32>
    %reduce_max3A_1068 = arith.constant dense<0xFF800000> : vector<256xf32>
    %reduce_max3A_1069 = vector.multi_reduction <maximumf>, %select_n3A_1067, %reduce_max3A_1068 [1] : vector<256x128xf32> to vector<256xf32>
    %broadcast_in_dim3A_1070 = vector.shape_cast %reduce_max3A_1069 : vector<256xf32> to vector<256x1xf32>
    %sub3A_1071 = vector.broadcast %broadcast_in_dim3A_1070 : vector<256x1xf32> to vector<256x128xf32>
    %sub3A_1072 = arith.subf %select_n3A_1067, %sub3A_1071 : vector<256x128xf32>
    %exp3A_1073 = math.exp %sub3A_1072 : vector<256x128xf32>
    %reduce_sum3A_1074 = arith.constant dense<0.000000e+00> : vector<256xf32>
    %reduce_sum3A_1075 = vector.multi_reduction <add>, %exp3A_1073, %reduce_sum3A_1074 [1] : vector<256x128xf32> to vector<256xf32>
    %broadcast_in_dim3A_1076 = vector.shape_cast %reduce_sum3A_1075 : vector<256xf32> to vector<256x1xf32>
    %div3A_1077 = arith.divf %slice3A, %broadcast_in_dim3A_1076 : vector<256x1xf32>
    %get3A_1078 = arith.constant 0 : index
    %get3A_1079 = arith.constant 640 : index
    %get3A_1080 = vector.load %arg7[%get3A_1078, %get3A_1079] : memref<128x1024xf32, #tpu.memory_space<vmem>>, vector<128x64xf32>
    %dot_general3A_1081 = arith.constant dense<0.000000e+00> : vector<256x64xf32>
    %dot_general3A_1082 = tpu.matmul %exp3A_1073, %get3A_1080, %dot_general3A_1081 {dimension_numbers = #tpu.dot_dimension_numbers<[1], [0], [0], [1], [0, 0, 1, 1], [], []>, transpose_lhs_hint = false} : vector<256x128xf32>, vector<128x64xf32>, vector<256x64xf32> -> vector<256x64xf32>
    %get3A_1083 = arith.constant 640 : index
    %get3A_1084 = arith.constant 0 : index
    %get3A_1085 = vector.load %arg16[%get3A_1083, %get3A_1084] : memref<1024x16xf32, #tpu.memory_space<vmem>>, vector<64x16xf32>
    %dot_general3A_1086 = arith.constant dense<0.000000e+00> : vector<256x16xf32>
    %dot_general3A_1087 = tpu.matmul %get3A_1059, %get3A_1085, %dot_general3A_1086 {dimension_numbers = #tpu.dot_dimension_numbers<[1], [0], [0], [1], [0, 0, 1, 1], [], []>, transpose_lhs_hint = false} : vector<256x64xf32>, vector<64x16xf32>, vector<256x16xf32> -> vector<256x16xf32>
    %jit3A_1088 = arith.constant -1.000000e+09 : f32
    %broadcast_in_dim3A_1089 = vector.broadcast %jit3A_1088 : f32 to vector<256x16xf32>
    %select_n3A_1090 = arith.select %le3A_32, %dot_general3A_1087, %broadcast_in_dim3A_1089 : vector<256x16xi1>, vector<256x16xf32>
    %reduce_max3A_1091 = arith.constant dense<0xFF800000> : vector<256xf32>
    %reduce_max3A_1092 = vector.multi_reduction <maximumf>, %select_n3A_1090, %reduce_max3A_1091 [1] : vector<256x16xf32> to vector<256xf32>
    %broadcast_in_dim3A_1093 = vector.shape_cast %reduce_max3A_1092 : vector<256xf32> to vector<256x1xf32>
    %sub3A_1094 = vector.broadcast %broadcast_in_dim3A_1093 : vector<256x1xf32> to vector<256x16xf32>
    %sub3A_1095 = arith.subf %select_n3A_1090, %sub3A_1094 : vector<256x16xf32>
    %exp3A_1096 = math.exp %sub3A_1095 : vector<256x16xf32>
    %reduce_sum3A_1097 = arith.constant dense<0.000000e+00> : vector<256xf32>
    %reduce_sum3A_1098 = vector.multi_reduction <add>, %exp3A_1096, %reduce_sum3A_1097 [1] : vector<256x16xf32> to vector<256xf32>
    %broadcast_in_dim3A_1099 = vector.shape_cast %reduce_sum3A_1098 : vector<256xf32> to vector<256x1xf32>
    %div3A_1100 = arith.divf %slice3A_62, %broadcast_in_dim3A_1099 : vector<256x1xf32>
    %get3A_1101 = arith.constant 0 : index
    %get3A_1102 = arith.constant 640 : index
    %get3A_1103 = vector.load %arg17[%get3A_1101, %get3A_1102] : memref<16x1024xf32, #tpu.memory_space<vmem>>, vector<16x64xf32>
    %dot_general3A_1104 = arith.constant dense<0.000000e+00> : vector<256x64xf32>
    %dot_general3A_1105 = tpu.matmul %exp3A_1096, %get3A_1103, %dot_general3A_1104 {dimension_numbers = #tpu.dot_dimension_numbers<[1], [0], [0], [1], [0, 0, 1, 1], [], []>, transpose_lhs_hint = false} : vector<256x16xf32>, vector<16x64xf32>, vector<256x64xf32> -> vector<256x64xf32>
    %get3A_1106 = arith.constant 640 : index
    %get3A_1107 = arith.constant 0 : index
    %get3A_1108 = vector.load %arg2[%get3A_1106, %get3A_1107] : memref<1024x256xf32, #tpu.memory_space<vmem>>, vector<64x256xf32>
    %dot_general3A_1109 = arith.constant dense<0.000000e+00> : vector<256x256xf32>
    %dot_general3A_1110 = tpu.matmul %get3A_1059, %get3A_1108, %dot_general3A_1109 {dimension_numbers = #tpu.dot_dimension_numbers<[1], [0], [0], [1], [0, 0, 1, 1], [], []>, transpose_lhs_hint = false} : vector<256x64xf32>, vector<64x256xf32>, vector<256x256xf32> -> vector<256x256xf32>
    %get3A_1111 = arith.constant 640 : index
    %get3A_1112 = arith.constant 0 : index
    %get3A_1113 = vector.load %arg3[%get3A_1111, %get3A_1112] : memref<1024x256xf32, #tpu.memory_space<vmem>>, vector<64x256xf32>
    %dot_general3A_1114 = arith.constant dense<0.000000e+00> : vector<256x256xf32>
    %dot_general3A_1115 = tpu.matmul %get3A_1059, %get3A_1113, %dot_general3A_1114 {dimension_numbers = #tpu.dot_dimension_numbers<[1], [0], [0], [1], [0, 0, 1, 1], [], []>, transpose_lhs_hint = false} : vector<256x64xf32>, vector<64x256xf32>, vector<256x256xf32> -> vector<256x256xf32>
    %sub3A_1116 = arith.constant 4.000000e+01 : f32
    %sub3A_1117 = vector.broadcast %sub3A_1116 : f32 to vector<256x256xf32>
    %sub3A_1118 = arith.subf %dot_general3A_1110, %sub3A_1117 : vector<256x256xf32>
    %jit3A_1119 = arith.constant -1.000000e+09 : f32
    %broadcast_in_dim3A_1120 = vector.broadcast %jit3A_1119 : f32 to vector<256x256xf32>
    %select_n3A_1121 = arith.select %and3A_55, %sub3A_1118, %broadcast_in_dim3A_1120 : vector<256x256xi1>, vector<256x256xf32>
    %exp3A_1122 = math.exp %select_n3A_1121 : vector<256x256xf32>
    %sub3A_1123 = arith.constant 4.000000e+01 : f32
    %sub3A_1124 = vector.broadcast %sub3A_1123 : f32 to vector<256x256xf32>
    %sub3A_1125 = arith.subf %dot_general3A_1115, %sub3A_1124 : vector<256x256xf32>
    %jit3A_1126 = arith.constant -1.000000e+09 : f32
    %broadcast_in_dim3A_1127 = vector.broadcast %jit3A_1126 : f32 to vector<256x256xf32>
    %select_n3A_1128 = arith.select %le3A_58, %sub3A_1125, %broadcast_in_dim3A_1127 : vector<256x256xi1>, vector<256x256xf32>
    %exp3A_1129 = math.exp %select_n3A_1128 : vector<256x256xf32>
    %reduce_sum3A_1130 = arith.constant dense<0.000000e+00> : vector<256xf32>
    %reduce_sum3A_1131 = vector.multi_reduction <add>, %exp3A_1122, %reduce_sum3A_1130 [1] : vector<256x256xf32> to vector<256xf32>
    %broadcast_in_dim3A_1132 = vector.shape_cast %reduce_sum3A_1131 : vector<256xf32> to vector<256x1xf32>
    %reduce_sum3A_1133 = arith.constant dense<0.000000e+00> : vector<256xf32>
    %reduce_sum3A_1134 = vector.multi_reduction <add>, %exp3A_1129, %reduce_sum3A_1133 [1] : vector<256x256xf32> to vector<256xf32>
    %broadcast_in_dim3A_1135 = vector.shape_cast %reduce_sum3A_1134 : vector<256xf32> to vector<256x1xf32>
    %add3A_1136 = arith.addf %broadcast_in_dim3A_1132, %broadcast_in_dim3A_1135 : vector<256x1xf32>
    %div3A_1137 = arith.divf %slice3A_63, %add3A_1136 : vector<256x1xf32>
    %get3A_1138 = arith.constant 0 : index
    %get3A_1139 = arith.constant 640 : index
    %get3A_1140 = vector.load %arg4[%get3A_1138, %get3A_1139] : memref<256x1024xf32, #tpu.memory_space<vmem>>, vector<256x64xf32>
    %dot_general3A_1141 = arith.constant dense<0.000000e+00> : vector<256x64xf32>
    %dot_general3A_1142 = tpu.matmul %exp3A_1122, %get3A_1140, %dot_general3A_1141 {dimension_numbers = #tpu.dot_dimension_numbers<[1], [0], [0], [1], [0, 0, 1, 1], [], []>, transpose_lhs_hint = false} : vector<256x256xf32>, vector<256x64xf32>, vector<256x64xf32> -> vector<256x64xf32>
    %get3A_1143 = arith.constant 0 : index
    %get3A_1144 = arith.constant 640 : index
    %get3A_1145 = vector.load %arg5[%get3A_1143, %get3A_1144] : memref<256x1024xf32, #tpu.memory_space<vmem>>, vector<256x64xf32>
    %dot_general3A_1146 = arith.constant dense<0.000000e+00> : vector<256x64xf32>
    %dot_general3A_1147 = tpu.matmul %exp3A_1129, %get3A_1145, %dot_general3A_1146 {dimension_numbers = #tpu.dot_dimension_numbers<[1], [0], [0], [1], [0, 0, 1, 1], [], []>, transpose_lhs_hint = false} : vector<256x256xf32>, vector<256x64xf32>, vector<256x64xf32> -> vector<256x64xf32>
    %add3A_1148 = arith.addf %dot_general3A_1142, %dot_general3A_1147 : vector<256x64xf32>
    %mul3A_1149 = vector.broadcast %div3A_1077 : vector<256x1xf32> to vector<256x64xf32>
    %mul3A_1150 = arith.mulf %mul3A_1149, %dot_general3A_1082 : vector<256x64xf32>
    %mul3A_1151 = vector.broadcast %div3A_1100 : vector<256x1xf32> to vector<256x64xf32>
    %mul3A_1152 = arith.mulf %mul3A_1151, %dot_general3A_1105 : vector<256x64xf32>
    %add3A_1153 = arith.addf %mul3A_1150, %mul3A_1152 : vector<256x64xf32>
    %mul3A_1154 = vector.broadcast %div3A_1137 : vector<256x1xf32> to vector<256x64xf32>
    %mul3A_1155 = arith.mulf %mul3A_1154, %add3A_1148 : vector<256x64xf32>
    %add3A_1156 = arith.addf %add3A_1153, %mul3A_1155 : vector<256x64xf32>
    %get3A_1157 = arith.constant 0 : index
    %get3A_1158 = arith.constant 704 : index
    %get3A_1159 = vector.load %arg1[%get3A_1157, %get3A_1158] : memref<256x1024xf32, #tpu.memory_space<vmem>>, vector<256x64xf32>
    %get3A_1160 = arith.constant 704 : index
    %get3A_1161 = arith.constant 0 : index
    %get3A_1162 = vector.load %arg6[%get3A_1160, %get3A_1161] : memref<1024x128xf32, #tpu.memory_space<vmem>>, vector<64x128xf32>
    %dot_general3A_1163 = arith.constant dense<0.000000e+00> : vector<256x128xf32>
    %dot_general3A_1164 = tpu.matmul %get3A_1159, %get3A_1162, %dot_general3A_1163 {dimension_numbers = #tpu.dot_dimension_numbers<[1], [0], [0], [1], [0, 0, 1, 1], [], []>, transpose_lhs_hint = false} : vector<256x64xf32>, vector<64x128xf32>, vector<256x128xf32> -> vector<256x128xf32>
    %jit3A_1165 = arith.constant -1.000000e+09 : f32
    %broadcast_in_dim3A_1166 = vector.broadcast %jit3A_1165 : f32 to vector<256x128xf32>
    %select_n3A_1167 = arith.select %le3A_26, %dot_general3A_1164, %broadcast_in_dim3A_1166 : vector<256x128xi1>, vector<256x128xf32>
    %reduce_max3A_1168 = arith.constant dense<0xFF800000> : vector<256xf32>
    %reduce_max3A_1169 = vector.multi_reduction <maximumf>, %select_n3A_1167, %reduce_max3A_1168 [1] : vector<256x128xf32> to vector<256xf32>
    %broadcast_in_dim3A_1170 = vector.shape_cast %reduce_max3A_1169 : vector<256xf32> to vector<256x1xf32>
    %sub3A_1171 = vector.broadcast %broadcast_in_dim3A_1170 : vector<256x1xf32> to vector<256x128xf32>
    %sub3A_1172 = arith.subf %select_n3A_1167, %sub3A_1171 : vector<256x128xf32>
    %exp3A_1173 = math.exp %sub3A_1172 : vector<256x128xf32>
    %reduce_sum3A_1174 = arith.constant dense<0.000000e+00> : vector<256xf32>
    %reduce_sum3A_1175 = vector.multi_reduction <add>, %exp3A_1173, %reduce_sum3A_1174 [1] : vector<256x128xf32> to vector<256xf32>
    %broadcast_in_dim3A_1176 = vector.shape_cast %reduce_sum3A_1175 : vector<256xf32> to vector<256x1xf32>
    %div3A_1177 = arith.divf %slice3A, %broadcast_in_dim3A_1176 : vector<256x1xf32>
    %get3A_1178 = arith.constant 0 : index
    %get3A_1179 = arith.constant 704 : index
    %get3A_1180 = vector.load %arg7[%get3A_1178, %get3A_1179] : memref<128x1024xf32, #tpu.memory_space<vmem>>, vector<128x64xf32>
    %dot_general3A_1181 = arith.constant dense<0.000000e+00> : vector<256x64xf32>
    %dot_general3A_1182 = tpu.matmul %exp3A_1173, %get3A_1180, %dot_general3A_1181 {dimension_numbers = #tpu.dot_dimension_numbers<[1], [0], [0], [1], [0, 0, 1, 1], [], []>, transpose_lhs_hint = false} : vector<256x128xf32>, vector<128x64xf32>, vector<256x64xf32> -> vector<256x64xf32>
    %get3A_1183 = arith.constant 704 : index
    %get3A_1184 = arith.constant 0 : index
    %get3A_1185 = vector.load %arg16[%get3A_1183, %get3A_1184] : memref<1024x16xf32, #tpu.memory_space<vmem>>, vector<64x16xf32>
    %dot_general3A_1186 = arith.constant dense<0.000000e+00> : vector<256x16xf32>
    %dot_general3A_1187 = tpu.matmul %get3A_1159, %get3A_1185, %dot_general3A_1186 {dimension_numbers = #tpu.dot_dimension_numbers<[1], [0], [0], [1], [0, 0, 1, 1], [], []>, transpose_lhs_hint = false} : vector<256x64xf32>, vector<64x16xf32>, vector<256x16xf32> -> vector<256x16xf32>
    %jit3A_1188 = arith.constant -1.000000e+09 : f32
    %broadcast_in_dim3A_1189 = vector.broadcast %jit3A_1188 : f32 to vector<256x16xf32>
    %select_n3A_1190 = arith.select %le3A_32, %dot_general3A_1187, %broadcast_in_dim3A_1189 : vector<256x16xi1>, vector<256x16xf32>
    %reduce_max3A_1191 = arith.constant dense<0xFF800000> : vector<256xf32>
    %reduce_max3A_1192 = vector.multi_reduction <maximumf>, %select_n3A_1190, %reduce_max3A_1191 [1] : vector<256x16xf32> to vector<256xf32>
    %broadcast_in_dim3A_1193 = vector.shape_cast %reduce_max3A_1192 : vector<256xf32> to vector<256x1xf32>
    %sub3A_1194 = vector.broadcast %broadcast_in_dim3A_1193 : vector<256x1xf32> to vector<256x16xf32>
    %sub3A_1195 = arith.subf %select_n3A_1190, %sub3A_1194 : vector<256x16xf32>
    %exp3A_1196 = math.exp %sub3A_1195 : vector<256x16xf32>
    %reduce_sum3A_1197 = arith.constant dense<0.000000e+00> : vector<256xf32>
    %reduce_sum3A_1198 = vector.multi_reduction <add>, %exp3A_1196, %reduce_sum3A_1197 [1] : vector<256x16xf32> to vector<256xf32>
    %broadcast_in_dim3A_1199 = vector.shape_cast %reduce_sum3A_1198 : vector<256xf32> to vector<256x1xf32>
    %div3A_1200 = arith.divf %slice3A_62, %broadcast_in_dim3A_1199 : vector<256x1xf32>
    %get3A_1201 = arith.constant 0 : index
    %get3A_1202 = arith.constant 704 : index
    %get3A_1203 = vector.load %arg17[%get3A_1201, %get3A_1202] : memref<16x1024xf32, #tpu.memory_space<vmem>>, vector<16x64xf32>
    %dot_general3A_1204 = arith.constant dense<0.000000e+00> : vector<256x64xf32>
    %dot_general3A_1205 = tpu.matmul %exp3A_1196, %get3A_1203, %dot_general3A_1204 {dimension_numbers = #tpu.dot_dimension_numbers<[1], [0], [0], [1], [0, 0, 1, 1], [], []>, transpose_lhs_hint = false} : vector<256x16xf32>, vector<16x64xf32>, vector<256x64xf32> -> vector<256x64xf32>
    %get3A_1206 = arith.constant 704 : index
    %get3A_1207 = arith.constant 0 : index
    %get3A_1208 = vector.load %arg2[%get3A_1206, %get3A_1207] : memref<1024x256xf32, #tpu.memory_space<vmem>>, vector<64x256xf32>
    %dot_general3A_1209 = arith.constant dense<0.000000e+00> : vector<256x256xf32>
    %dot_general3A_1210 = tpu.matmul %get3A_1159, %get3A_1208, %dot_general3A_1209 {dimension_numbers = #tpu.dot_dimension_numbers<[1], [0], [0], [1], [0, 0, 1, 1], [], []>, transpose_lhs_hint = false} : vector<256x64xf32>, vector<64x256xf32>, vector<256x256xf32> -> vector<256x256xf32>
    %get3A_1211 = arith.constant 704 : index
    %get3A_1212 = arith.constant 0 : index
    %get3A_1213 = vector.load %arg3[%get3A_1211, %get3A_1212] : memref<1024x256xf32, #tpu.memory_space<vmem>>, vector<64x256xf32>
    %dot_general3A_1214 = arith.constant dense<0.000000e+00> : vector<256x256xf32>
    %dot_general3A_1215 = tpu.matmul %get3A_1159, %get3A_1213, %dot_general3A_1214 {dimension_numbers = #tpu.dot_dimension_numbers<[1], [0], [0], [1], [0, 0, 1, 1], [], []>, transpose_lhs_hint = false} : vector<256x64xf32>, vector<64x256xf32>, vector<256x256xf32> -> vector<256x256xf32>
    %sub3A_1216 = arith.constant 4.000000e+01 : f32
    %sub3A_1217 = vector.broadcast %sub3A_1216 : f32 to vector<256x256xf32>
    %sub3A_1218 = arith.subf %dot_general3A_1210, %sub3A_1217 : vector<256x256xf32>
    %jit3A_1219 = arith.constant -1.000000e+09 : f32
    %broadcast_in_dim3A_1220 = vector.broadcast %jit3A_1219 : f32 to vector<256x256xf32>
    %select_n3A_1221 = arith.select %and3A_55, %sub3A_1218, %broadcast_in_dim3A_1220 : vector<256x256xi1>, vector<256x256xf32>
    %exp3A_1222 = math.exp %select_n3A_1221 : vector<256x256xf32>
    %sub3A_1223 = arith.constant 4.000000e+01 : f32
    %sub3A_1224 = vector.broadcast %sub3A_1223 : f32 to vector<256x256xf32>
    %sub3A_1225 = arith.subf %dot_general3A_1215, %sub3A_1224 : vector<256x256xf32>
    %jit3A_1226 = arith.constant -1.000000e+09 : f32
    %broadcast_in_dim3A_1227 = vector.broadcast %jit3A_1226 : f32 to vector<256x256xf32>
    %select_n3A_1228 = arith.select %le3A_58, %sub3A_1225, %broadcast_in_dim3A_1227 : vector<256x256xi1>, vector<256x256xf32>
    %exp3A_1229 = math.exp %select_n3A_1228 : vector<256x256xf32>
    %reduce_sum3A_1230 = arith.constant dense<0.000000e+00> : vector<256xf32>
    %reduce_sum3A_1231 = vector.multi_reduction <add>, %exp3A_1222, %reduce_sum3A_1230 [1] : vector<256x256xf32> to vector<256xf32>
    %broadcast_in_dim3A_1232 = vector.shape_cast %reduce_sum3A_1231 : vector<256xf32> to vector<256x1xf32>
    %reduce_sum3A_1233 = arith.constant dense<0.000000e+00> : vector<256xf32>
    %reduce_sum3A_1234 = vector.multi_reduction <add>, %exp3A_1229, %reduce_sum3A_1233 [1] : vector<256x256xf32> to vector<256xf32>
    %broadcast_in_dim3A_1235 = vector.shape_cast %reduce_sum3A_1234 : vector<256xf32> to vector<256x1xf32>
    %add3A_1236 = arith.addf %broadcast_in_dim3A_1232, %broadcast_in_dim3A_1235 : vector<256x1xf32>
    %div3A_1237 = arith.divf %slice3A_63, %add3A_1236 : vector<256x1xf32>
    %get3A_1238 = arith.constant 0 : index
    %get3A_1239 = arith.constant 704 : index
    %get3A_1240 = vector.load %arg4[%get3A_1238, %get3A_1239] : memref<256x1024xf32, #tpu.memory_space<vmem>>, vector<256x64xf32>
    %dot_general3A_1241 = arith.constant dense<0.000000e+00> : vector<256x64xf32>
    %dot_general3A_1242 = tpu.matmul %exp3A_1222, %get3A_1240, %dot_general3A_1241 {dimension_numbers = #tpu.dot_dimension_numbers<[1], [0], [0], [1], [0, 0, 1, 1], [], []>, transpose_lhs_hint = false} : vector<256x256xf32>, vector<256x64xf32>, vector<256x64xf32> -> vector<256x64xf32>
    %get3A_1243 = arith.constant 0 : index
    %get3A_1244 = arith.constant 704 : index
    %get3A_1245 = vector.load %arg5[%get3A_1243, %get3A_1244] : memref<256x1024xf32, #tpu.memory_space<vmem>>, vector<256x64xf32>
    %dot_general3A_1246 = arith.constant dense<0.000000e+00> : vector<256x64xf32>
    %dot_general3A_1247 = tpu.matmul %exp3A_1229, %get3A_1245, %dot_general3A_1246 {dimension_numbers = #tpu.dot_dimension_numbers<[1], [0], [0], [1], [0, 0, 1, 1], [], []>, transpose_lhs_hint = false} : vector<256x256xf32>, vector<256x64xf32>, vector<256x64xf32> -> vector<256x64xf32>
    %add3A_1248 = arith.addf %dot_general3A_1242, %dot_general3A_1247 : vector<256x64xf32>
    %mul3A_1249 = vector.broadcast %div3A_1177 : vector<256x1xf32> to vector<256x64xf32>
    %mul3A_1250 = arith.mulf %mul3A_1249, %dot_general3A_1182 : vector<256x64xf32>
    %mul3A_1251 = vector.broadcast %div3A_1200 : vector<256x1xf32> to vector<256x64xf32>
    %mul3A_1252 = arith.mulf %mul3A_1251, %dot_general3A_1205 : vector<256x64xf32>
    %add3A_1253 = arith.addf %mul3A_1250, %mul3A_1252 : vector<256x64xf32>
    %mul3A_1254 = vector.broadcast %div3A_1237 : vector<256x1xf32> to vector<256x64xf32>
    %mul3A_1255 = arith.mulf %mul3A_1254, %add3A_1248 : vector<256x64xf32>
    %add3A_1256 = arith.addf %add3A_1253, %mul3A_1255 : vector<256x64xf32>
    %get3A_1257 = arith.constant 0 : index
    %get3A_1258 = arith.constant 768 : index
    %get3A_1259 = vector.load %arg1[%get3A_1257, %get3A_1258] : memref<256x1024xf32, #tpu.memory_space<vmem>>, vector<256x64xf32>
    %get3A_1260 = arith.constant 768 : index
    %get3A_1261 = arith.constant 0 : index
    %get3A_1262 = vector.load %arg6[%get3A_1260, %get3A_1261] : memref<1024x128xf32, #tpu.memory_space<vmem>>, vector<64x128xf32>
    %dot_general3A_1263 = arith.constant dense<0.000000e+00> : vector<256x128xf32>
    %dot_general3A_1264 = tpu.matmul %get3A_1259, %get3A_1262, %dot_general3A_1263 {dimension_numbers = #tpu.dot_dimension_numbers<[1], [0], [0], [1], [0, 0, 1, 1], [], []>, transpose_lhs_hint = false} : vector<256x64xf32>, vector<64x128xf32>, vector<256x128xf32> -> vector<256x128xf32>
    %jit3A_1265 = arith.constant -1.000000e+09 : f32
    %broadcast_in_dim3A_1266 = vector.broadcast %jit3A_1265 : f32 to vector<256x128xf32>
    %select_n3A_1267 = arith.select %le3A_26, %dot_general3A_1264, %broadcast_in_dim3A_1266 : vector<256x128xi1>, vector<256x128xf32>
    %reduce_max3A_1268 = arith.constant dense<0xFF800000> : vector<256xf32>
    %reduce_max3A_1269 = vector.multi_reduction <maximumf>, %select_n3A_1267, %reduce_max3A_1268 [1] : vector<256x128xf32> to vector<256xf32>
    %broadcast_in_dim3A_1270 = vector.shape_cast %reduce_max3A_1269 : vector<256xf32> to vector<256x1xf32>
    %sub3A_1271 = vector.broadcast %broadcast_in_dim3A_1270 : vector<256x1xf32> to vector<256x128xf32>
    %sub3A_1272 = arith.subf %select_n3A_1267, %sub3A_1271 : vector<256x128xf32>
    %exp3A_1273 = math.exp %sub3A_1272 : vector<256x128xf32>
    %reduce_sum3A_1274 = arith.constant dense<0.000000e+00> : vector<256xf32>
    %reduce_sum3A_1275 = vector.multi_reduction <add>, %exp3A_1273, %reduce_sum3A_1274 [1] : vector<256x128xf32> to vector<256xf32>
    %broadcast_in_dim3A_1276 = vector.shape_cast %reduce_sum3A_1275 : vector<256xf32> to vector<256x1xf32>
    %div3A_1277 = arith.divf %slice3A, %broadcast_in_dim3A_1276 : vector<256x1xf32>
    %get3A_1278 = arith.constant 0 : index
    %get3A_1279 = arith.constant 768 : index
    %get3A_1280 = vector.load %arg7[%get3A_1278, %get3A_1279] : memref<128x1024xf32, #tpu.memory_space<vmem>>, vector<128x64xf32>
    %dot_general3A_1281 = arith.constant dense<0.000000e+00> : vector<256x64xf32>
    %dot_general3A_1282 = tpu.matmul %exp3A_1273, %get3A_1280, %dot_general3A_1281 {dimension_numbers = #tpu.dot_dimension_numbers<[1], [0], [0], [1], [0, 0, 1, 1], [], []>, transpose_lhs_hint = false} : vector<256x128xf32>, vector<128x64xf32>, vector<256x64xf32> -> vector<256x64xf32>
    %get3A_1283 = arith.constant 768 : index
    %get3A_1284 = arith.constant 0 : index
    %get3A_1285 = vector.load %arg16[%get3A_1283, %get3A_1284] : memref<1024x16xf32, #tpu.memory_space<vmem>>, vector<64x16xf32>
    %dot_general3A_1286 = arith.constant dense<0.000000e+00> : vector<256x16xf32>
    %dot_general3A_1287 = tpu.matmul %get3A_1259, %get3A_1285, %dot_general3A_1286 {dimension_numbers = #tpu.dot_dimension_numbers<[1], [0], [0], [1], [0, 0, 1, 1], [], []>, transpose_lhs_hint = false} : vector<256x64xf32>, vector<64x16xf32>, vector<256x16xf32> -> vector<256x16xf32>
    %jit3A_1288 = arith.constant -1.000000e+09 : f32
    %broadcast_in_dim3A_1289 = vector.broadcast %jit3A_1288 : f32 to vector<256x16xf32>
    %select_n3A_1290 = arith.select %le3A_32, %dot_general3A_1287, %broadcast_in_dim3A_1289 : vector<256x16xi1>, vector<256x16xf32>
    %reduce_max3A_1291 = arith.constant dense<0xFF800000> : vector<256xf32>
    %reduce_max3A_1292 = vector.multi_reduction <maximumf>, %select_n3A_1290, %reduce_max3A_1291 [1] : vector<256x16xf32> to vector<256xf32>
    %broadcast_in_dim3A_1293 = vector.shape_cast %reduce_max3A_1292 : vector<256xf32> to vector<256x1xf32>
    %sub3A_1294 = vector.broadcast %broadcast_in_dim3A_1293 : vector<256x1xf32> to vector<256x16xf32>
    %sub3A_1295 = arith.subf %select_n3A_1290, %sub3A_1294 : vector<256x16xf32>
    %exp3A_1296 = math.exp %sub3A_1295 : vector<256x16xf32>
    %reduce_sum3A_1297 = arith.constant dense<0.000000e+00> : vector<256xf32>
    %reduce_sum3A_1298 = vector.multi_reduction <add>, %exp3A_1296, %reduce_sum3A_1297 [1] : vector<256x16xf32> to vector<256xf32>
    %broadcast_in_dim3A_1299 = vector.shape_cast %reduce_sum3A_1298 : vector<256xf32> to vector<256x1xf32>
    %div3A_1300 = arith.divf %slice3A_62, %broadcast_in_dim3A_1299 : vector<256x1xf32>
    %get3A_1301 = arith.constant 0 : index
    %get3A_1302 = arith.constant 768 : index
    %get3A_1303 = vector.load %arg17[%get3A_1301, %get3A_1302] : memref<16x1024xf32, #tpu.memory_space<vmem>>, vector<16x64xf32>
    %dot_general3A_1304 = arith.constant dense<0.000000e+00> : vector<256x64xf32>
    %dot_general3A_1305 = tpu.matmul %exp3A_1296, %get3A_1303, %dot_general3A_1304 {dimension_numbers = #tpu.dot_dimension_numbers<[1], [0], [0], [1], [0, 0, 1, 1], [], []>, transpose_lhs_hint = false} : vector<256x16xf32>, vector<16x64xf32>, vector<256x64xf32> -> vector<256x64xf32>
    %get3A_1306 = arith.constant 768 : index
    %get3A_1307 = arith.constant 0 : index
    %get3A_1308 = vector.load %arg2[%get3A_1306, %get3A_1307] : memref<1024x256xf32, #tpu.memory_space<vmem>>, vector<64x256xf32>
    %dot_general3A_1309 = arith.constant dense<0.000000e+00> : vector<256x256xf32>
    %dot_general3A_1310 = tpu.matmul %get3A_1259, %get3A_1308, %dot_general3A_1309 {dimension_numbers = #tpu.dot_dimension_numbers<[1], [0], [0], [1], [0, 0, 1, 1], [], []>, transpose_lhs_hint = false} : vector<256x64xf32>, vector<64x256xf32>, vector<256x256xf32> -> vector<256x256xf32>
    %get3A_1311 = arith.constant 768 : index
    %get3A_1312 = arith.constant 0 : index
    %get3A_1313 = vector.load %arg3[%get3A_1311, %get3A_1312] : memref<1024x256xf32, #tpu.memory_space<vmem>>, vector<64x256xf32>
    %dot_general3A_1314 = arith.constant dense<0.000000e+00> : vector<256x256xf32>
    %dot_general3A_1315 = tpu.matmul %get3A_1259, %get3A_1313, %dot_general3A_1314 {dimension_numbers = #tpu.dot_dimension_numbers<[1], [0], [0], [1], [0, 0, 1, 1], [], []>, transpose_lhs_hint = false} : vector<256x64xf32>, vector<64x256xf32>, vector<256x256xf32> -> vector<256x256xf32>
    %sub3A_1316 = arith.constant 4.000000e+01 : f32
    %sub3A_1317 = vector.broadcast %sub3A_1316 : f32 to vector<256x256xf32>
    %sub3A_1318 = arith.subf %dot_general3A_1310, %sub3A_1317 : vector<256x256xf32>
    %jit3A_1319 = arith.constant -1.000000e+09 : f32
    %broadcast_in_dim3A_1320 = vector.broadcast %jit3A_1319 : f32 to vector<256x256xf32>
    %select_n3A_1321 = arith.select %and3A_55, %sub3A_1318, %broadcast_in_dim3A_1320 : vector<256x256xi1>, vector<256x256xf32>
    %exp3A_1322 = math.exp %select_n3A_1321 : vector<256x256xf32>
    %sub3A_1323 = arith.constant 4.000000e+01 : f32
    %sub3A_1324 = vector.broadcast %sub3A_1323 : f32 to vector<256x256xf32>
    %sub3A_1325 = arith.subf %dot_general3A_1315, %sub3A_1324 : vector<256x256xf32>
    %jit3A_1326 = arith.constant -1.000000e+09 : f32
    %broadcast_in_dim3A_1327 = vector.broadcast %jit3A_1326 : f32 to vector<256x256xf32>
    %select_n3A_1328 = arith.select %le3A_58, %sub3A_1325, %broadcast_in_dim3A_1327 : vector<256x256xi1>, vector<256x256xf32>
    %exp3A_1329 = math.exp %select_n3A_1328 : vector<256x256xf32>
    %reduce_sum3A_1330 = arith.constant dense<0.000000e+00> : vector<256xf32>
    %reduce_sum3A_1331 = vector.multi_reduction <add>, %exp3A_1322, %reduce_sum3A_1330 [1] : vector<256x256xf32> to vector<256xf32>
    %broadcast_in_dim3A_1332 = vector.shape_cast %reduce_sum3A_1331 : vector<256xf32> to vector<256x1xf32>
    %reduce_sum3A_1333 = arith.constant dense<0.000000e+00> : vector<256xf32>
    %reduce_sum3A_1334 = vector.multi_reduction <add>, %exp3A_1329, %reduce_sum3A_1333 [1] : vector<256x256xf32> to vector<256xf32>
    %broadcast_in_dim3A_1335 = vector.shape_cast %reduce_sum3A_1334 : vector<256xf32> to vector<256x1xf32>
    %add3A_1336 = arith.addf %broadcast_in_dim3A_1332, %broadcast_in_dim3A_1335 : vector<256x1xf32>
    %div3A_1337 = arith.divf %slice3A_63, %add3A_1336 : vector<256x1xf32>
    %get3A_1338 = arith.constant 0 : index
    %get3A_1339 = arith.constant 768 : index
    %get3A_1340 = vector.load %arg4[%get3A_1338, %get3A_1339] : memref<256x1024xf32, #tpu.memory_space<vmem>>, vector<256x64xf32>
    %dot_general3A_1341 = arith.constant dense<0.000000e+00> : vector<256x64xf32>
    %dot_general3A_1342 = tpu.matmul %exp3A_1322, %get3A_1340, %dot_general3A_1341 {dimension_numbers = #tpu.dot_dimension_numbers<[1], [0], [0], [1], [0, 0, 1, 1], [], []>, transpose_lhs_hint = false} : vector<256x256xf32>, vector<256x64xf32>, vector<256x64xf32> -> vector<256x64xf32>
    %get3A_1343 = arith.constant 0 : index
    %get3A_1344 = arith.constant 768 : index
    %get3A_1345 = vector.load %arg5[%get3A_1343, %get3A_1344] : memref<256x1024xf32, #tpu.memory_space<vmem>>, vector<256x64xf32>
    %dot_general3A_1346 = arith.constant dense<0.000000e+00> : vector<256x64xf32>
    %dot_general3A_1347 = tpu.matmul %exp3A_1329, %get3A_1345, %dot_general3A_1346 {dimension_numbers = #tpu.dot_dimension_numbers<[1], [0], [0], [1], [0, 0, 1, 1], [], []>, transpose_lhs_hint = false} : vector<256x256xf32>, vector<256x64xf32>, vector<256x64xf32> -> vector<256x64xf32>
    %add3A_1348 = arith.addf %dot_general3A_1342, %dot_general3A_1347 : vector<256x64xf32>
    %mul3A_1349 = vector.broadcast %div3A_1277 : vector<256x1xf32> to vector<256x64xf32>
    %mul3A_1350 = arith.mulf %mul3A_1349, %dot_general3A_1282 : vector<256x64xf32>
    %mul3A_1351 = vector.broadcast %div3A_1300 : vector<256x1xf32> to vector<256x64xf32>
    %mul3A_1352 = arith.mulf %mul3A_1351, %dot_general3A_1305 : vector<256x64xf32>
    %add3A_1353 = arith.addf %mul3A_1350, %mul3A_1352 : vector<256x64xf32>
    %mul3A_1354 = vector.broadcast %div3A_1337 : vector<256x1xf32> to vector<256x64xf32>
    %mul3A_1355 = arith.mulf %mul3A_1354, %add3A_1348 : vector<256x64xf32>
    %add3A_1356 = arith.addf %add3A_1353, %mul3A_1355 : vector<256x64xf32>
    %get3A_1357 = arith.constant 0 : index
    %get3A_1358 = arith.constant 832 : index
    %get3A_1359 = vector.load %arg1[%get3A_1357, %get3A_1358] : memref<256x1024xf32, #tpu.memory_space<vmem>>, vector<256x64xf32>
    %get3A_1360 = arith.constant 832 : index
    %get3A_1361 = arith.constant 0 : index
    %get3A_1362 = vector.load %arg6[%get3A_1360, %get3A_1361] : memref<1024x128xf32, #tpu.memory_space<vmem>>, vector<64x128xf32>
    %dot_general3A_1363 = arith.constant dense<0.000000e+00> : vector<256x128xf32>
    %dot_general3A_1364 = tpu.matmul %get3A_1359, %get3A_1362, %dot_general3A_1363 {dimension_numbers = #tpu.dot_dimension_numbers<[1], [0], [0], [1], [0, 0, 1, 1], [], []>, transpose_lhs_hint = false} : vector<256x64xf32>, vector<64x128xf32>, vector<256x128xf32> -> vector<256x128xf32>
    %jit3A_1365 = arith.constant -1.000000e+09 : f32
    %broadcast_in_dim3A_1366 = vector.broadcast %jit3A_1365 : f32 to vector<256x128xf32>
    %select_n3A_1367 = arith.select %le3A_26, %dot_general3A_1364, %broadcast_in_dim3A_1366 : vector<256x128xi1>, vector<256x128xf32>
    %reduce_max3A_1368 = arith.constant dense<0xFF800000> : vector<256xf32>
    %reduce_max3A_1369 = vector.multi_reduction <maximumf>, %select_n3A_1367, %reduce_max3A_1368 [1] : vector<256x128xf32> to vector<256xf32>
    %broadcast_in_dim3A_1370 = vector.shape_cast %reduce_max3A_1369 : vector<256xf32> to vector<256x1xf32>
    %sub3A_1371 = vector.broadcast %broadcast_in_dim3A_1370 : vector<256x1xf32> to vector<256x128xf32>
    %sub3A_1372 = arith.subf %select_n3A_1367, %sub3A_1371 : vector<256x128xf32>
    %exp3A_1373 = math.exp %sub3A_1372 : vector<256x128xf32>
    %reduce_sum3A_1374 = arith.constant dense<0.000000e+00> : vector<256xf32>
    %reduce_sum3A_1375 = vector.multi_reduction <add>, %exp3A_1373, %reduce_sum3A_1374 [1] : vector<256x128xf32> to vector<256xf32>
    %broadcast_in_dim3A_1376 = vector.shape_cast %reduce_sum3A_1375 : vector<256xf32> to vector<256x1xf32>
    %div3A_1377 = arith.divf %slice3A, %broadcast_in_dim3A_1376 : vector<256x1xf32>
    %get3A_1378 = arith.constant 0 : index
    %get3A_1379 = arith.constant 832 : index
    %get3A_1380 = vector.load %arg7[%get3A_1378, %get3A_1379] : memref<128x1024xf32, #tpu.memory_space<vmem>>, vector<128x64xf32>
    %dot_general3A_1381 = arith.constant dense<0.000000e+00> : vector<256x64xf32>
    %dot_general3A_1382 = tpu.matmul %exp3A_1373, %get3A_1380, %dot_general3A_1381 {dimension_numbers = #tpu.dot_dimension_numbers<[1], [0], [0], [1], [0, 0, 1, 1], [], []>, transpose_lhs_hint = false} : vector<256x128xf32>, vector<128x64xf32>, vector<256x64xf32> -> vector<256x64xf32>
    %get3A_1383 = arith.constant 832 : index
    %get3A_1384 = arith.constant 0 : index
    %get3A_1385 = vector.load %arg16[%get3A_1383, %get3A_1384] : memref<1024x16xf32, #tpu.memory_space<vmem>>, vector<64x16xf32>
    %dot_general3A_1386 = arith.constant dense<0.000000e+00> : vector<256x16xf32>
    %dot_general3A_1387 = tpu.matmul %get3A_1359, %get3A_1385, %dot_general3A_1386 {dimension_numbers = #tpu.dot_dimension_numbers<[1], [0], [0], [1], [0, 0, 1, 1], [], []>, transpose_lhs_hint = false} : vector<256x64xf32>, vector<64x16xf32>, vector<256x16xf32> -> vector<256x16xf32>
    %jit3A_1388 = arith.constant -1.000000e+09 : f32
    %broadcast_in_dim3A_1389 = vector.broadcast %jit3A_1388 : f32 to vector<256x16xf32>
    %select_n3A_1390 = arith.select %le3A_32, %dot_general3A_1387, %broadcast_in_dim3A_1389 : vector<256x16xi1>, vector<256x16xf32>
    %reduce_max3A_1391 = arith.constant dense<0xFF800000> : vector<256xf32>
    %reduce_max3A_1392 = vector.multi_reduction <maximumf>, %select_n3A_1390, %reduce_max3A_1391 [1] : vector<256x16xf32> to vector<256xf32>
    %broadcast_in_dim3A_1393 = vector.shape_cast %reduce_max3A_1392 : vector<256xf32> to vector<256x1xf32>
    %sub3A_1394 = vector.broadcast %broadcast_in_dim3A_1393 : vector<256x1xf32> to vector<256x16xf32>
    %sub3A_1395 = arith.subf %select_n3A_1390, %sub3A_1394 : vector<256x16xf32>
    %exp3A_1396 = math.exp %sub3A_1395 : vector<256x16xf32>
    %reduce_sum3A_1397 = arith.constant dense<0.000000e+00> : vector<256xf32>
    %reduce_sum3A_1398 = vector.multi_reduction <add>, %exp3A_1396, %reduce_sum3A_1397 [1] : vector<256x16xf32> to vector<256xf32>
    %broadcast_in_dim3A_1399 = vector.shape_cast %reduce_sum3A_1398 : vector<256xf32> to vector<256x1xf32>
    %div3A_1400 = arith.divf %slice3A_62, %broadcast_in_dim3A_1399 : vector<256x1xf32>
    %get3A_1401 = arith.constant 0 : index
    %get3A_1402 = arith.constant 832 : index
    %get3A_1403 = vector.load %arg17[%get3A_1401, %get3A_1402] : memref<16x1024xf32, #tpu.memory_space<vmem>>, vector<16x64xf32>
    %dot_general3A_1404 = arith.constant dense<0.000000e+00> : vector<256x64xf32>
    %dot_general3A_1405 = tpu.matmul %exp3A_1396, %get3A_1403, %dot_general3A_1404 {dimension_numbers = #tpu.dot_dimension_numbers<[1], [0], [0], [1], [0, 0, 1, 1], [], []>, transpose_lhs_hint = false} : vector<256x16xf32>, vector<16x64xf32>, vector<256x64xf32> -> vector<256x64xf32>
    %get3A_1406 = arith.constant 832 : index
    %get3A_1407 = arith.constant 0 : index
    %get3A_1408 = vector.load %arg2[%get3A_1406, %get3A_1407] : memref<1024x256xf32, #tpu.memory_space<vmem>>, vector<64x256xf32>
    %dot_general3A_1409 = arith.constant dense<0.000000e+00> : vector<256x256xf32>
    %dot_general3A_1410 = tpu.matmul %get3A_1359, %get3A_1408, %dot_general3A_1409 {dimension_numbers = #tpu.dot_dimension_numbers<[1], [0], [0], [1], [0, 0, 1, 1], [], []>, transpose_lhs_hint = false} : vector<256x64xf32>, vector<64x256xf32>, vector<256x256xf32> -> vector<256x256xf32>
    %get3A_1411 = arith.constant 832 : index
    %get3A_1412 = arith.constant 0 : index
    %get3A_1413 = vector.load %arg3[%get3A_1411, %get3A_1412] : memref<1024x256xf32, #tpu.memory_space<vmem>>, vector<64x256xf32>
    %dot_general3A_1414 = arith.constant dense<0.000000e+00> : vector<256x256xf32>
    %dot_general3A_1415 = tpu.matmul %get3A_1359, %get3A_1413, %dot_general3A_1414 {dimension_numbers = #tpu.dot_dimension_numbers<[1], [0], [0], [1], [0, 0, 1, 1], [], []>, transpose_lhs_hint = false} : vector<256x64xf32>, vector<64x256xf32>, vector<256x256xf32> -> vector<256x256xf32>
    %sub3A_1416 = arith.constant 4.000000e+01 : f32
    %sub3A_1417 = vector.broadcast %sub3A_1416 : f32 to vector<256x256xf32>
    %sub3A_1418 = arith.subf %dot_general3A_1410, %sub3A_1417 : vector<256x256xf32>
    %jit3A_1419 = arith.constant -1.000000e+09 : f32
    %broadcast_in_dim3A_1420 = vector.broadcast %jit3A_1419 : f32 to vector<256x256xf32>
    %select_n3A_1421 = arith.select %and3A_55, %sub3A_1418, %broadcast_in_dim3A_1420 : vector<256x256xi1>, vector<256x256xf32>
    %exp3A_1422 = math.exp %select_n3A_1421 : vector<256x256xf32>
    %sub3A_1423 = arith.constant 4.000000e+01 : f32
    %sub3A_1424 = vector.broadcast %sub3A_1423 : f32 to vector<256x256xf32>
    %sub3A_1425 = arith.subf %dot_general3A_1415, %sub3A_1424 : vector<256x256xf32>
    %jit3A_1426 = arith.constant -1.000000e+09 : f32
    %broadcast_in_dim3A_1427 = vector.broadcast %jit3A_1426 : f32 to vector<256x256xf32>
    %select_n3A_1428 = arith.select %le3A_58, %sub3A_1425, %broadcast_in_dim3A_1427 : vector<256x256xi1>, vector<256x256xf32>
    %exp3A_1429 = math.exp %select_n3A_1428 : vector<256x256xf32>
    %reduce_sum3A_1430 = arith.constant dense<0.000000e+00> : vector<256xf32>
    %reduce_sum3A_1431 = vector.multi_reduction <add>, %exp3A_1422, %reduce_sum3A_1430 [1] : vector<256x256xf32> to vector<256xf32>
    %broadcast_in_dim3A_1432 = vector.shape_cast %reduce_sum3A_1431 : vector<256xf32> to vector<256x1xf32>
    %reduce_sum3A_1433 = arith.constant dense<0.000000e+00> : vector<256xf32>
    %reduce_sum3A_1434 = vector.multi_reduction <add>, %exp3A_1429, %reduce_sum3A_1433 [1] : vector<256x256xf32> to vector<256xf32>
    %broadcast_in_dim3A_1435 = vector.shape_cast %reduce_sum3A_1434 : vector<256xf32> to vector<256x1xf32>
    %add3A_1436 = arith.addf %broadcast_in_dim3A_1432, %broadcast_in_dim3A_1435 : vector<256x1xf32>
    %div3A_1437 = arith.divf %slice3A_63, %add3A_1436 : vector<256x1xf32>
    %get3A_1438 = arith.constant 0 : index
    %get3A_1439 = arith.constant 832 : index
    %get3A_1440 = vector.load %arg4[%get3A_1438, %get3A_1439] : memref<256x1024xf32, #tpu.memory_space<vmem>>, vector<256x64xf32>
    %dot_general3A_1441 = arith.constant dense<0.000000e+00> : vector<256x64xf32>
    %dot_general3A_1442 = tpu.matmul %exp3A_1422, %get3A_1440, %dot_general3A_1441 {dimension_numbers = #tpu.dot_dimension_numbers<[1], [0], [0], [1], [0, 0, 1, 1], [], []>, transpose_lhs_hint = false} : vector<256x256xf32>, vector<256x64xf32>, vector<256x64xf32> -> vector<256x64xf32>
    %get3A_1443 = arith.constant 0 : index
    %get3A_1444 = arith.constant 832 : index
    %get3A_1445 = vector.load %arg5[%get3A_1443, %get3A_1444] : memref<256x1024xf32, #tpu.memory_space<vmem>>, vector<256x64xf32>
    %dot_general3A_1446 = arith.constant dense<0.000000e+00> : vector<256x64xf32>
    %dot_general3A_1447 = tpu.matmul %exp3A_1429, %get3A_1445, %dot_general3A_1446 {dimension_numbers = #tpu.dot_dimension_numbers<[1], [0], [0], [1], [0, 0, 1, 1], [], []>, transpose_lhs_hint = false} : vector<256x256xf32>, vector<256x64xf32>, vector<256x64xf32> -> vector<256x64xf32>
    %add3A_1448 = arith.addf %dot_general3A_1442, %dot_general3A_1447 : vector<256x64xf32>
    %mul3A_1449 = vector.broadcast %div3A_1377 : vector<256x1xf32> to vector<256x64xf32>
    %mul3A_1450 = arith.mulf %mul3A_1449, %dot_general3A_1382 : vector<256x64xf32>
    %mul3A_1451 = vector.broadcast %div3A_1400 : vector<256x1xf32> to vector<256x64xf32>
    %mul3A_1452 = arith.mulf %mul3A_1451, %dot_general3A_1405 : vector<256x64xf32>
    %add3A_1453 = arith.addf %mul3A_1450, %mul3A_1452 : vector<256x64xf32>
    %mul3A_1454 = vector.broadcast %div3A_1437 : vector<256x1xf32> to vector<256x64xf32>
    %mul3A_1455 = arith.mulf %mul3A_1454, %add3A_1448 : vector<256x64xf32>
    %add3A_1456 = arith.addf %add3A_1453, %mul3A_1455 : vector<256x64xf32>
    %get3A_1457 = arith.constant 0 : index
    %get3A_1458 = arith.constant 896 : index
    %get3A_1459 = vector.load %arg1[%get3A_1457, %get3A_1458] : memref<256x1024xf32, #tpu.memory_space<vmem>>, vector<256x64xf32>
    %get3A_1460 = arith.constant 896 : index
    %get3A_1461 = arith.constant 0 : index
    %get3A_1462 = vector.load %arg6[%get3A_1460, %get3A_1461] : memref<1024x128xf32, #tpu.memory_space<vmem>>, vector<64x128xf32>
    %dot_general3A_1463 = arith.constant dense<0.000000e+00> : vector<256x128xf32>
    %dot_general3A_1464 = tpu.matmul %get3A_1459, %get3A_1462, %dot_general3A_1463 {dimension_numbers = #tpu.dot_dimension_numbers<[1], [0], [0], [1], [0, 0, 1, 1], [], []>, transpose_lhs_hint = false} : vector<256x64xf32>, vector<64x128xf32>, vector<256x128xf32> -> vector<256x128xf32>
    %jit3A_1465 = arith.constant -1.000000e+09 : f32
    %broadcast_in_dim3A_1466 = vector.broadcast %jit3A_1465 : f32 to vector<256x128xf32>
    %select_n3A_1467 = arith.select %le3A_26, %dot_general3A_1464, %broadcast_in_dim3A_1466 : vector<256x128xi1>, vector<256x128xf32>
    %reduce_max3A_1468 = arith.constant dense<0xFF800000> : vector<256xf32>
    %reduce_max3A_1469 = vector.multi_reduction <maximumf>, %select_n3A_1467, %reduce_max3A_1468 [1] : vector<256x128xf32> to vector<256xf32>
    %broadcast_in_dim3A_1470 = vector.shape_cast %reduce_max3A_1469 : vector<256xf32> to vector<256x1xf32>
    %sub3A_1471 = vector.broadcast %broadcast_in_dim3A_1470 : vector<256x1xf32> to vector<256x128xf32>
    %sub3A_1472 = arith.subf %select_n3A_1467, %sub3A_1471 : vector<256x128xf32>
    %exp3A_1473 = math.exp %sub3A_1472 : vector<256x128xf32>
    %reduce_sum3A_1474 = arith.constant dense<0.000000e+00> : vector<256xf32>
    %reduce_sum3A_1475 = vector.multi_reduction <add>, %exp3A_1473, %reduce_sum3A_1474 [1] : vector<256x128xf32> to vector<256xf32>
    %broadcast_in_dim3A_1476 = vector.shape_cast %reduce_sum3A_1475 : vector<256xf32> to vector<256x1xf32>
    %div3A_1477 = arith.divf %slice3A, %broadcast_in_dim3A_1476 : vector<256x1xf32>
    %get3A_1478 = arith.constant 0 : index
    %get3A_1479 = arith.constant 896 : index
    %get3A_1480 = vector.load %arg7[%get3A_1478, %get3A_1479] : memref<128x1024xf32, #tpu.memory_space<vmem>>, vector<128x64xf32>
    %dot_general3A_1481 = arith.constant dense<0.000000e+00> : vector<256x64xf32>
    %dot_general3A_1482 = tpu.matmul %exp3A_1473, %get3A_1480, %dot_general3A_1481 {dimension_numbers = #tpu.dot_dimension_numbers<[1], [0], [0], [1], [0, 0, 1, 1], [], []>, transpose_lhs_hint = false} : vector<256x128xf32>, vector<128x64xf32>, vector<256x64xf32> -> vector<256x64xf32>
    %get3A_1483 = arith.constant 896 : index
    %get3A_1484 = arith.constant 0 : index
    %get3A_1485 = vector.load %arg16[%get3A_1483, %get3A_1484] : memref<1024x16xf32, #tpu.memory_space<vmem>>, vector<64x16xf32>
    %dot_general3A_1486 = arith.constant dense<0.000000e+00> : vector<256x16xf32>
    %dot_general3A_1487 = tpu.matmul %get3A_1459, %get3A_1485, %dot_general3A_1486 {dimension_numbers = #tpu.dot_dimension_numbers<[1], [0], [0], [1], [0, 0, 1, 1], [], []>, transpose_lhs_hint = false} : vector<256x64xf32>, vector<64x16xf32>, vector<256x16xf32> -> vector<256x16xf32>
    %jit3A_1488 = arith.constant -1.000000e+09 : f32
    %broadcast_in_dim3A_1489 = vector.broadcast %jit3A_1488 : f32 to vector<256x16xf32>
    %select_n3A_1490 = arith.select %le3A_32, %dot_general3A_1487, %broadcast_in_dim3A_1489 : vector<256x16xi1>, vector<256x16xf32>
    %reduce_max3A_1491 = arith.constant dense<0xFF800000> : vector<256xf32>
    %reduce_max3A_1492 = vector.multi_reduction <maximumf>, %select_n3A_1490, %reduce_max3A_1491 [1] : vector<256x16xf32> to vector<256xf32>
    %broadcast_in_dim3A_1493 = vector.shape_cast %reduce_max3A_1492 : vector<256xf32> to vector<256x1xf32>
    %sub3A_1494 = vector.broadcast %broadcast_in_dim3A_1493 : vector<256x1xf32> to vector<256x16xf32>
    %sub3A_1495 = arith.subf %select_n3A_1490, %sub3A_1494 : vector<256x16xf32>
    %exp3A_1496 = math.exp %sub3A_1495 : vector<256x16xf32>
    %reduce_sum3A_1497 = arith.constant dense<0.000000e+00> : vector<256xf32>
    %reduce_sum3A_1498 = vector.multi_reduction <add>, %exp3A_1496, %reduce_sum3A_1497 [1] : vector<256x16xf32> to vector<256xf32>
    %broadcast_in_dim3A_1499 = vector.shape_cast %reduce_sum3A_1498 : vector<256xf32> to vector<256x1xf32>
    %div3A_1500 = arith.divf %slice3A_62, %broadcast_in_dim3A_1499 : vector<256x1xf32>
    %get3A_1501 = arith.constant 0 : index
    %get3A_1502 = arith.constant 896 : index
    %get3A_1503 = vector.load %arg17[%get3A_1501, %get3A_1502] : memref<16x1024xf32, #tpu.memory_space<vmem>>, vector<16x64xf32>
    %dot_general3A_1504 = arith.constant dense<0.000000e+00> : vector<256x64xf32>
    %dot_general3A_1505 = tpu.matmul %exp3A_1496, %get3A_1503, %dot_general3A_1504 {dimension_numbers = #tpu.dot_dimension_numbers<[1], [0], [0], [1], [0, 0, 1, 1], [], []>, transpose_lhs_hint = false} : vector<256x16xf32>, vector<16x64xf32>, vector<256x64xf32> -> vector<256x64xf32>
    %get3A_1506 = arith.constant 896 : index
    %get3A_1507 = arith.constant 0 : index
    %get3A_1508 = vector.load %arg2[%get3A_1506, %get3A_1507] : memref<1024x256xf32, #tpu.memory_space<vmem>>, vector<64x256xf32>
    %dot_general3A_1509 = arith.constant dense<0.000000e+00> : vector<256x256xf32>
    %dot_general3A_1510 = tpu.matmul %get3A_1459, %get3A_1508, %dot_general3A_1509 {dimension_numbers = #tpu.dot_dimension_numbers<[1], [0], [0], [1], [0, 0, 1, 1], [], []>, transpose_lhs_hint = false} : vector<256x64xf32>, vector<64x256xf32>, vector<256x256xf32> -> vector<256x256xf32>
    %get3A_1511 = arith.constant 896 : index
    %get3A_1512 = arith.constant 0 : index
    %get3A_1513 = vector.load %arg3[%get3A_1511, %get3A_1512] : memref<1024x256xf32, #tpu.memory_space<vmem>>, vector<64x256xf32>
    %dot_general3A_1514 = arith.constant dense<0.000000e+00> : vector<256x256xf32>
    %dot_general3A_1515 = tpu.matmul %get3A_1459, %get3A_1513, %dot_general3A_1514 {dimension_numbers = #tpu.dot_dimension_numbers<[1], [0], [0], [1], [0, 0, 1, 1], [], []>, transpose_lhs_hint = false} : vector<256x64xf32>, vector<64x256xf32>, vector<256x256xf32> -> vector<256x256xf32>
    %sub3A_1516 = arith.constant 4.000000e+01 : f32
    %sub3A_1517 = vector.broadcast %sub3A_1516 : f32 to vector<256x256xf32>
    %sub3A_1518 = arith.subf %dot_general3A_1510, %sub3A_1517 : vector<256x256xf32>
    %jit3A_1519 = arith.constant -1.000000e+09 : f32
    %broadcast_in_dim3A_1520 = vector.broadcast %jit3A_1519 : f32 to vector<256x256xf32>
    %select_n3A_1521 = arith.select %and3A_55, %sub3A_1518, %broadcast_in_dim3A_1520 : vector<256x256xi1>, vector<256x256xf32>
    %exp3A_1522 = math.exp %select_n3A_1521 : vector<256x256xf32>
    %sub3A_1523 = arith.constant 4.000000e+01 : f32
    %sub3A_1524 = vector.broadcast %sub3A_1523 : f32 to vector<256x256xf32>
    %sub3A_1525 = arith.subf %dot_general3A_1515, %sub3A_1524 : vector<256x256xf32>
    %jit3A_1526 = arith.constant -1.000000e+09 : f32
    %broadcast_in_dim3A_1527 = vector.broadcast %jit3A_1526 : f32 to vector<256x256xf32>
    %select_n3A_1528 = arith.select %le3A_58, %sub3A_1525, %broadcast_in_dim3A_1527 : vector<256x256xi1>, vector<256x256xf32>
    %exp3A_1529 = math.exp %select_n3A_1528 : vector<256x256xf32>
    %reduce_sum3A_1530 = arith.constant dense<0.000000e+00> : vector<256xf32>
    %reduce_sum3A_1531 = vector.multi_reduction <add>, %exp3A_1522, %reduce_sum3A_1530 [1] : vector<256x256xf32> to vector<256xf32>
    %broadcast_in_dim3A_1532 = vector.shape_cast %reduce_sum3A_1531 : vector<256xf32> to vector<256x1xf32>
    %reduce_sum3A_1533 = arith.constant dense<0.000000e+00> : vector<256xf32>
    %reduce_sum3A_1534 = vector.multi_reduction <add>, %exp3A_1529, %reduce_sum3A_1533 [1] : vector<256x256xf32> to vector<256xf32>
    %broadcast_in_dim3A_1535 = vector.shape_cast %reduce_sum3A_1534 : vector<256xf32> to vector<256x1xf32>
    %add3A_1536 = arith.addf %broadcast_in_dim3A_1532, %broadcast_in_dim3A_1535 : vector<256x1xf32>
    %div3A_1537 = arith.divf %slice3A_63, %add3A_1536 : vector<256x1xf32>
    %get3A_1538 = arith.constant 0 : index
    %get3A_1539 = arith.constant 896 : index
    %get3A_1540 = vector.load %arg4[%get3A_1538, %get3A_1539] : memref<256x1024xf32, #tpu.memory_space<vmem>>, vector<256x64xf32>
    %dot_general3A_1541 = arith.constant dense<0.000000e+00> : vector<256x64xf32>
    %dot_general3A_1542 = tpu.matmul %exp3A_1522, %get3A_1540, %dot_general3A_1541 {dimension_numbers = #tpu.dot_dimension_numbers<[1], [0], [0], [1], [0, 0, 1, 1], [], []>, transpose_lhs_hint = false} : vector<256x256xf32>, vector<256x64xf32>, vector<256x64xf32> -> vector<256x64xf32>
    %get3A_1543 = arith.constant 0 : index
    %get3A_1544 = arith.constant 896 : index
    %get3A_1545 = vector.load %arg5[%get3A_1543, %get3A_1544] : memref<256x1024xf32, #tpu.memory_space<vmem>>, vector<256x64xf32>
    %dot_general3A_1546 = arith.constant dense<0.000000e+00> : vector<256x64xf32>
    %dot_general3A_1547 = tpu.matmul %exp3A_1529, %get3A_1545, %dot_general3A_1546 {dimension_numbers = #tpu.dot_dimension_numbers<[1], [0], [0], [1], [0, 0, 1, 1], [], []>, transpose_lhs_hint = false} : vector<256x256xf32>, vector<256x64xf32>, vector<256x64xf32> -> vector<256x64xf32>
    %add3A_1548 = arith.addf %dot_general3A_1542, %dot_general3A_1547 : vector<256x64xf32>
    %mul3A_1549 = vector.broadcast %div3A_1477 : vector<256x1xf32> to vector<256x64xf32>
    %mul3A_1550 = arith.mulf %mul3A_1549, %dot_general3A_1482 : vector<256x64xf32>
    %mul3A_1551 = vector.broadcast %div3A_1500 : vector<256x1xf32> to vector<256x64xf32>
    %mul3A_1552 = arith.mulf %mul3A_1551, %dot_general3A_1505 : vector<256x64xf32>
    %add3A_1553 = arith.addf %mul3A_1550, %mul3A_1552 : vector<256x64xf32>
    %mul3A_1554 = vector.broadcast %div3A_1537 : vector<256x1xf32> to vector<256x64xf32>
    %mul3A_1555 = arith.mulf %mul3A_1554, %add3A_1548 : vector<256x64xf32>
    %add3A_1556 = arith.addf %add3A_1553, %mul3A_1555 : vector<256x64xf32>
    %get3A_1557 = arith.constant 0 : index
    %get3A_1558 = arith.constant 960 : index
    %get3A_1559 = vector.load %arg1[%get3A_1557, %get3A_1558] : memref<256x1024xf32, #tpu.memory_space<vmem>>, vector<256x64xf32>
    %get3A_1560 = arith.constant 960 : index
    %get3A_1561 = arith.constant 0 : index
    %get3A_1562 = vector.load %arg6[%get3A_1560, %get3A_1561] : memref<1024x128xf32, #tpu.memory_space<vmem>>, vector<64x128xf32>
    %dot_general3A_1563 = arith.constant dense<0.000000e+00> : vector<256x128xf32>
    %dot_general3A_1564 = tpu.matmul %get3A_1559, %get3A_1562, %dot_general3A_1563 {dimension_numbers = #tpu.dot_dimension_numbers<[1], [0], [0], [1], [0, 0, 1, 1], [], []>, transpose_lhs_hint = false} : vector<256x64xf32>, vector<64x128xf32>, vector<256x128xf32> -> vector<256x128xf32>
    %jit3A_1565 = arith.constant -1.000000e+09 : f32
    %broadcast_in_dim3A_1566 = vector.broadcast %jit3A_1565 : f32 to vector<256x128xf32>
    %select_n3A_1567 = arith.select %le3A_26, %dot_general3A_1564, %broadcast_in_dim3A_1566 : vector<256x128xi1>, vector<256x128xf32>
    %reduce_max3A_1568 = arith.constant dense<0xFF800000> : vector<256xf32>
    %reduce_max3A_1569 = vector.multi_reduction <maximumf>, %select_n3A_1567, %reduce_max3A_1568 [1] : vector<256x128xf32> to vector<256xf32>
    %broadcast_in_dim3A_1570 = vector.shape_cast %reduce_max3A_1569 : vector<256xf32> to vector<256x1xf32>
    %sub3A_1571 = vector.broadcast %broadcast_in_dim3A_1570 : vector<256x1xf32> to vector<256x128xf32>
    %sub3A_1572 = arith.subf %select_n3A_1567, %sub3A_1571 : vector<256x128xf32>
    %exp3A_1573 = math.exp %sub3A_1572 : vector<256x128xf32>
    %reduce_sum3A_1574 = arith.constant dense<0.000000e+00> : vector<256xf32>
    %reduce_sum3A_1575 = vector.multi_reduction <add>, %exp3A_1573, %reduce_sum3A_1574 [1] : vector<256x128xf32> to vector<256xf32>
    %broadcast_in_dim3A_1576 = vector.shape_cast %reduce_sum3A_1575 : vector<256xf32> to vector<256x1xf32>
    %div3A_1577 = arith.divf %slice3A, %broadcast_in_dim3A_1576 : vector<256x1xf32>
    %get3A_1578 = arith.constant 0 : index
    %get3A_1579 = arith.constant 960 : index
    %get3A_1580 = vector.load %arg7[%get3A_1578, %get3A_1579] : memref<128x1024xf32, #tpu.memory_space<vmem>>, vector<128x64xf32>
    %dot_general3A_1581 = arith.constant dense<0.000000e+00> : vector<256x64xf32>
    %dot_general3A_1582 = tpu.matmul %exp3A_1573, %get3A_1580, %dot_general3A_1581 {dimension_numbers = #tpu.dot_dimension_numbers<[1], [0], [0], [1], [0, 0, 1, 1], [], []>, transpose_lhs_hint = false} : vector<256x128xf32>, vector<128x64xf32>, vector<256x64xf32> -> vector<256x64xf32>
    %get3A_1583 = arith.constant 960 : index
    %get3A_1584 = arith.constant 0 : index
    %get3A_1585 = vector.load %arg16[%get3A_1583, %get3A_1584] : memref<1024x16xf32, #tpu.memory_space<vmem>>, vector<64x16xf32>
    %dot_general3A_1586 = arith.constant dense<0.000000e+00> : vector<256x16xf32>
    %dot_general3A_1587 = tpu.matmul %get3A_1559, %get3A_1585, %dot_general3A_1586 {dimension_numbers = #tpu.dot_dimension_numbers<[1], [0], [0], [1], [0, 0, 1, 1], [], []>, transpose_lhs_hint = false} : vector<256x64xf32>, vector<64x16xf32>, vector<256x16xf32> -> vector<256x16xf32>
    %jit3A_1588 = arith.constant -1.000000e+09 : f32
    %broadcast_in_dim3A_1589 = vector.broadcast %jit3A_1588 : f32 to vector<256x16xf32>
    %select_n3A_1590 = arith.select %le3A_32, %dot_general3A_1587, %broadcast_in_dim3A_1589 : vector<256x16xi1>, vector<256x16xf32>
    %reduce_max3A_1591 = arith.constant dense<0xFF800000> : vector<256xf32>
    %reduce_max3A_1592 = vector.multi_reduction <maximumf>, %select_n3A_1590, %reduce_max3A_1591 [1] : vector<256x16xf32> to vector<256xf32>
    %broadcast_in_dim3A_1593 = vector.shape_cast %reduce_max3A_1592 : vector<256xf32> to vector<256x1xf32>
    %sub3A_1594 = vector.broadcast %broadcast_in_dim3A_1593 : vector<256x1xf32> to vector<256x16xf32>
    %sub3A_1595 = arith.subf %select_n3A_1590, %sub3A_1594 : vector<256x16xf32>
    %exp3A_1596 = math.exp %sub3A_1595 : vector<256x16xf32>
    %reduce_sum3A_1597 = arith.constant dense<0.000000e+00> : vector<256xf32>
    %reduce_sum3A_1598 = vector.multi_reduction <add>, %exp3A_1596, %reduce_sum3A_1597 [1] : vector<256x16xf32> to vector<256xf32>
    %broadcast_in_dim3A_1599 = vector.shape_cast %reduce_sum3A_1598 : vector<256xf32> to vector<256x1xf32>
    %div3A_1600 = arith.divf %slice3A_62, %broadcast_in_dim3A_1599 : vector<256x1xf32>
    %get3A_1601 = arith.constant 0 : index
    %get3A_1602 = arith.constant 960 : index
    %get3A_1603 = vector.load %arg17[%get3A_1601, %get3A_1602] : memref<16x1024xf32, #tpu.memory_space<vmem>>, vector<16x64xf32>
    %dot_general3A_1604 = arith.constant dense<0.000000e+00> : vector<256x64xf32>
    %dot_general3A_1605 = tpu.matmul %exp3A_1596, %get3A_1603, %dot_general3A_1604 {dimension_numbers = #tpu.dot_dimension_numbers<[1], [0], [0], [1], [0, 0, 1, 1], [], []>, transpose_lhs_hint = false} : vector<256x16xf32>, vector<16x64xf32>, vector<256x64xf32> -> vector<256x64xf32>
    %get3A_1606 = arith.constant 960 : index
    %get3A_1607 = arith.constant 0 : index
    %get3A_1608 = vector.load %arg2[%get3A_1606, %get3A_1607] : memref<1024x256xf32, #tpu.memory_space<vmem>>, vector<64x256xf32>
    %dot_general3A_1609 = arith.constant dense<0.000000e+00> : vector<256x256xf32>
    %dot_general3A_1610 = tpu.matmul %get3A_1559, %get3A_1608, %dot_general3A_1609 {dimension_numbers = #tpu.dot_dimension_numbers<[1], [0], [0], [1], [0, 0, 1, 1], [], []>, transpose_lhs_hint = false} : vector<256x64xf32>, vector<64x256xf32>, vector<256x256xf32> -> vector<256x256xf32>
    %get3A_1611 = arith.constant 960 : index
    %get3A_1612 = arith.constant 0 : index
    %get3A_1613 = vector.load %arg3[%get3A_1611, %get3A_1612] : memref<1024x256xf32, #tpu.memory_space<vmem>>, vector<64x256xf32>
    %dot_general3A_1614 = arith.constant dense<0.000000e+00> : vector<256x256xf32>
    %dot_general3A_1615 = tpu.matmul %get3A_1559, %get3A_1613, %dot_general3A_1614 {dimension_numbers = #tpu.dot_dimension_numbers<[1], [0], [0], [1], [0, 0, 1, 1], [], []>, transpose_lhs_hint = false} : vector<256x64xf32>, vector<64x256xf32>, vector<256x256xf32> -> vector<256x256xf32>
    %sub3A_1616 = arith.constant 4.000000e+01 : f32
    %sub3A_1617 = vector.broadcast %sub3A_1616 : f32 to vector<256x256xf32>
    %sub3A_1618 = arith.subf %dot_general3A_1610, %sub3A_1617 : vector<256x256xf32>
    %jit3A_1619 = arith.constant -1.000000e+09 : f32
    %broadcast_in_dim3A_1620 = vector.broadcast %jit3A_1619 : f32 to vector<256x256xf32>
    %select_n3A_1621 = arith.select %and3A_55, %sub3A_1618, %broadcast_in_dim3A_1620 : vector<256x256xi1>, vector<256x256xf32>
    %exp3A_1622 = math.exp %select_n3A_1621 : vector<256x256xf32>
    %sub3A_1623 = arith.constant 4.000000e+01 : f32
    %sub3A_1624 = vector.broadcast %sub3A_1623 : f32 to vector<256x256xf32>
    %sub3A_1625 = arith.subf %dot_general3A_1615, %sub3A_1624 : vector<256x256xf32>
    %jit3A_1626 = arith.constant -1.000000e+09 : f32
    %broadcast_in_dim3A_1627 = vector.broadcast %jit3A_1626 : f32 to vector<256x256xf32>
    %select_n3A_1628 = arith.select %le3A_58, %sub3A_1625, %broadcast_in_dim3A_1627 : vector<256x256xi1>, vector<256x256xf32>
    %exp3A_1629 = math.exp %select_n3A_1628 : vector<256x256xf32>
    %reduce_sum3A_1630 = arith.constant dense<0.000000e+00> : vector<256xf32>
    %reduce_sum3A_1631 = vector.multi_reduction <add>, %exp3A_1622, %reduce_sum3A_1630 [1] : vector<256x256xf32> to vector<256xf32>
    %broadcast_in_dim3A_1632 = vector.shape_cast %reduce_sum3A_1631 : vector<256xf32> to vector<256x1xf32>
    %reduce_sum3A_1633 = arith.constant dense<0.000000e+00> : vector<256xf32>
    %reduce_sum3A_1634 = vector.multi_reduction <add>, %exp3A_1629, %reduce_sum3A_1633 [1] : vector<256x256xf32> to vector<256xf32>
    %broadcast_in_dim3A_1635 = vector.shape_cast %reduce_sum3A_1634 : vector<256xf32> to vector<256x1xf32>
    %add3A_1636 = arith.addf %broadcast_in_dim3A_1632, %broadcast_in_dim3A_1635 : vector<256x1xf32>
    %div3A_1637 = arith.divf %slice3A_63, %add3A_1636 : vector<256x1xf32>
    %get3A_1638 = arith.constant 0 : index
    %get3A_1639 = arith.constant 960 : index
    %get3A_1640 = vector.load %arg4[%get3A_1638, %get3A_1639] : memref<256x1024xf32, #tpu.memory_space<vmem>>, vector<256x64xf32>
    %dot_general3A_1641 = arith.constant dense<0.000000e+00> : vector<256x64xf32>
    %dot_general3A_1642 = tpu.matmul %exp3A_1622, %get3A_1640, %dot_general3A_1641 {dimension_numbers = #tpu.dot_dimension_numbers<[1], [0], [0], [1], [0, 0, 1, 1], [], []>, transpose_lhs_hint = false} : vector<256x256xf32>, vector<256x64xf32>, vector<256x64xf32> -> vector<256x64xf32>
    %get3A_1643 = arith.constant 0 : index
    %get3A_1644 = arith.constant 960 : index
    %get3A_1645 = vector.load %arg5[%get3A_1643, %get3A_1644] : memref<256x1024xf32, #tpu.memory_space<vmem>>, vector<256x64xf32>
    %dot_general3A_1646 = arith.constant dense<0.000000e+00> : vector<256x64xf32>
    %dot_general3A_1647 = tpu.matmul %exp3A_1629, %get3A_1645, %dot_general3A_1646 {dimension_numbers = #tpu.dot_dimension_numbers<[1], [0], [0], [1], [0, 0, 1, 1], [], []>, transpose_lhs_hint = false} : vector<256x256xf32>, vector<256x64xf32>, vector<256x64xf32> -> vector<256x64xf32>
    %add3A_1648 = arith.addf %dot_general3A_1642, %dot_general3A_1647 : vector<256x64xf32>
    %mul3A_1649 = vector.broadcast %div3A_1577 : vector<256x1xf32> to vector<256x64xf32>
    %mul3A_1650 = arith.mulf %mul3A_1649, %dot_general3A_1582 : vector<256x64xf32>
    %mul3A_1651 = vector.broadcast %div3A_1600 : vector<256x1xf32> to vector<256x64xf32>
    %mul3A_1652 = arith.mulf %mul3A_1651, %dot_general3A_1605 : vector<256x64xf32>
    %add3A_1653 = arith.addf %mul3A_1650, %mul3A_1652 : vector<256x64xf32>
    %mul3A_1654 = vector.broadcast %div3A_1637 : vector<256x1xf32> to vector<256x64xf32>
    %mul3A_1655 = arith.mulf %mul3A_1654, %add3A_1648 : vector<256x64xf32>
    %add3A_1656 = arith.addf %add3A_1653, %mul3A_1655 : vector<256x64xf32>
    %concatenate3A = tpu.concatenate %add3A_156, %add3A_256, %add3A_356, %add3A_456, %add3A_556, %add3A_656, %add3A_756, %add3A_856, %add3A_956, %add3A_1056, %add3A_1156, %add3A_1256, %add3A_1356, %add3A_1456, %add3A_1556, %add3A_1656 in 1 : vector<256x64xf32>, vector<256x64xf32>, vector<256x64xf32>, vector<256x64xf32>, vector<256x64xf32>, vector<256x64xf32>, vector<256x64xf32>, vector<256x64xf32>, vector<256x64xf32>, vector<256x64xf32>, vector<256x64xf32>, vector<256x64xf32>, vector<256x64xf32>, vector<256x64xf32>, vector<256x64xf32>, vector<256x64xf32> -> vector<256x1024xf32>
    %get3A_1657 = arith.constant 0 : index
    %get3A_1658 = arith.constant 0 : index
    %get3A_1659 = vector.load %arg13[%get3A_1657, %get3A_1658] : memref<1024x1024xf32, #tpu.memory_space<vmem>>, vector<1024x1024xf32>
    %dot_general3A_1660 = arith.constant dense<0.000000e+00> : vector<256x1024xf32>
    %dot_general3A_1661 = tpu.matmul %concatenate3A, %get3A_1659, %dot_general3A_1660 {dimension_numbers = #tpu.dot_dimension_numbers<[1], [0], [0], [1], [0, 0, 1, 1], [], []>, transpose_lhs_hint = false} : vector<256x1024xf32>, vector<1024x1024xf32>, vector<256x1024xf32> -> vector<256x1024xf32>
    %get3A_1662 = arith.constant 0 : index
    %get3A_1663 = arith.constant 0 : index
    %get3A_1664 = vector.load %arg14[%get3A_1662, %get3A_1663] : memref<1x1024xf32, #tpu.memory_space<vmem>>, vector<1x1024xf32>
    %add3A_1665 = vector.broadcast %get3A_1664 : vector<1x1024xf32> to vector<256x1024xf32>
    %add3A_1666 = arith.addf %dot_general3A_1661, %add3A_1665 : vector<256x1024xf32>
    %swap3A_1667 = arith.constant 0 : index
    %swap3A_1668 = arith.constant 0 : index
    %swap3A_1669 = vector.load %arg15[%swap3A_1667, %swap3A_1668] : memref<256x1024xf32, #tpu.memory_space<vmem>>, vector<256x1024xf32>
    tpu.vector_store %arg15[%swap3A_1667, %swap3A_1668], %add3A_1666 {strides = array<i32>} : memref<256x1024xf32, #tpu.memory_space<vmem>>, vector<256x1024xf32>,
    return
  }
  func.func @transform_0(%arg0: i32) -> (i32, i32) {
    %c0_i32 = arith.constant 0 : i32
    %c0_i32_0 = arith.constant 0 : i32
    return %arg0, %c0_i32 : i32, i32
  }
  func.func @transform_1(%arg0: i32) -> (i32, i32) {
    %sub3A = arith.constant 1 : i32
    %sub3A_0 = arith.subi %arg0, %sub3A : i32
    %max3A = arith.constant 0 : i32
    %max3A_1 = arith.maxsi %sub3A_0, %max3A : i32
    %c0_i32 = arith.constant 0 : i32
    %c0_i32_2 = arith.constant 0 : i32
    return %c0_i32, %max3A_1 : i32, i32
  }
  func.func @transform_2(%arg0: i32) -> (i32, i32) {
    %c0_i32 = arith.constant 0 : i32
    %c0_i32_0 = arith.constant 0 : i32
    return %c0_i32, %arg0 : i32, i32
  }
  func.func @transform_3(%arg0: i32) -> (i32, i32) {
    %sub3A = arith.constant 1 : i32
    %sub3A_0 = arith.subi %arg0, %sub3A : i32
    %max3A = arith.constant 0 : i32
    %max3A_1 = arith.maxsi %sub3A_0, %max3A : i32
    %c0_i32 = arith.constant 0 : i32
    %c0_i32_2 = arith.constant 0 : i32
    return %max3A_1, %c0_i32 : i32, i32
  }
  func.func @transform_4(%arg0: i32) -> (i32, i32) {
    %c0_i32 = arith.constant 0 : i32
    %c0_i32_0 = arith.constant 0 : i32
    return %arg0, %c0_i32 : i32, i32
  }
  func.func @transform_5(%arg0: i32) -> (i32, i32) {
    %c0_i32 = arith.constant 0 : i32
    %c0_i32_0 = arith.constant 0 : i32
    %c0_i32_1 = arith.constant 0 : i32
    return %c0_i32, %c0_i32_0 : i32, i32
  }
  func.func @transform_6(%arg0: i32) -> (i32, i32) {
    %c0_i32 = arith.constant 0 : i32
    %c0_i32_0 = arith.constant 0 : i32
    %c0_i32_1 = arith.constant 0 : i32
    return %c0_i32, %c0_i32_0 : i32, i32
  }
  func.func @transform_7(%arg0: i32) -> (i32, i32) {
    %c0_i32 = arith.constant 0 : i32
    %c0_i32_0 = arith.constant 0 : i32
    %c0_i32_1 = arith.constant 0 : i32
    return %c0_i32, %c0_i32_0 : i32, i32
  }
  func.func @transform_8(%arg0: i32) -> (i32, i32) {
    %c0_i32 = arith.constant 0 : i32
    %c0_i32_0 = arith.constant 0 : i32
    %c0_i32_1 = arith.constant 0 : i32
    return %c0_i32, %c0_i32_0 : i32, i32
  }
  func.func @transform_9(%arg0: i32) -> (i32, i32) {
    %c0_i32 = arith.constant 0 : i32
    %c0_i32_0 = arith.constant 0 : i32
    %c0_i32_1 = arith.constant 0 : i32
    return %c0_i32, %c0_i32_0 : i32, i32
  }
  func.func @transform_10(%arg0: i32) -> (i32, i32) {
    %c0_i32 = arith.constant 0 : i32
    %c0_i32_0 = arith.constant 0 : i32
    %c0_i32_1 = arith.constant 0 : i32
    return %c0_i32, %c0_i32_0 : i32, i32
  }
  func.func @transform_11(%arg0: i32) -> (i32, i32) {
    %c0_i32 = arith.constant 0 : i32
    %c0_i32_0 = arith.constant 0 : i32
    return %arg0, %c0_i32 : i32, i32
  }
  func.func @transform_12(%arg0: i32) -> (i32, i32) {
    %c0_i32 = arith.constant 0 : i32
    %c0_i32_0 = arith.constant 0 : i32
    %c0_i32_1 = arith.constant 0 : i32
    return %c0_i32, %c0_i32_0 : i32, i32
  }
  func.func @transform_13(%arg0: i32) -> (i32, i32) {
    %c0_i32 = arith.constant 0 : i32
    %c0_i32_0 = arith.constant 0 : i32
    %c0_i32_1 = arith.constant 0 : i32
    return %c0_i32, %c0_i32_0 : i32, i32
  }
  func.func @transform_14(%arg0: i32) -> (i32, i32) {
    %c0_i32 = arith.constant 0 : i32
    %c0_i32_0 = arith.constant 0 : i32
    return %arg0, %c0_i32 : i32, i32
  }
}

</mosaic_0001>

<sc_bundles>
// kernel: kernel.5.cloned.1.call-start
scs
__scs_entry_jumppad:
0x0: {  	(pc) =	sbr.rel $0x88, $3  }
0x1: {  	(tag) =	ssettag $0x0;
	lr =	simm.s32 $0x1  }
0x2: {  	[smem:$0x3F96] =	sst lr;
	_ =	strace $0xD0000000  }
0x3: {  	_ = 	snop  }
0x4: {  	_ = 	snop  }
0x5: {  	_ = 	snop  }
0x6: {  	_ = 	snop  }
0x7: {  	_ = 	snop  }
__scs_overlays_trampoline_lowered:
0x8: {  	[smem:$0x3FA5] =	sst s0  }
0x9: {  	[smem:$0x3FA6] =	sst s1  }
0xa: {  	[smem:$0x3FA7] =	sst s2  }
0xb: {  	[smem:$0x3FA8] =	sst s3  }
0xc: {  	[smem:$0x3FA9] =	sst s4  }
0xd: {  	[smem:$0x3FAA] =	sst s5  }
0xe: {  	[smem:$0x3FAB] =	sst s6  }
0xf: {  	[smem:$0x3FAC] =	sst s7  }
0x10: {  	[smem:$0x3FAD] =	sst s8  }
0x11: {  	[smem:$0x3FAE] =	sst s9;
	s0 =	simm.s32 @!p0 $0x0  }
0x12: {  	s1 =	sld [smem:$0x3F94];
	s0 =	simm.s32 @p0 $0x1  }
0x13: {  	[smem:$0x3FAF] =	sst s0;
	s0 =	simm.s32 @!p1 $0x0  }
0x14: {  	s2 =	sld [smem:$0x3F93];
	s0 =	simm.s32 @p1 $0x1  }
0x15: {  	[smem:$0x3FB0] =	sst s0;
	s0 =	simm.s32 @!p2 $0x0  }
0x16: {  	s3 =	sld [smem:$0x3FDB];
	s0 =	simm.s32 @p2 $0x1  }
0x17: {  	s4 =	simm.s32 $0x1BF5;
	[smem:$0x3FB2] =	sst s0  }
0x18: {  	s0 =	sld [smem:$0x3F95];
	_ =	swait.ge [sflag:s4], $0x0  }
0x19: {  	s7 =	sld [smem:$0x3F96]  }
0x1a: {  	s8 =	sadd.s32 $0xFFFFE003, lr  }
0x1b: {  	s9 =	sadd.s32 $0xFFFFFEF7, lr;
	s5 =	simm.s32 $0xFFFFFFFF;
	p2 =	slt.u32 s8, $0xFFFFF086  }
0x1c: {  	p1 =	slt.u32 s9, $0xF7A;
	s5 =	simm.s32 @!p2 $0x0  }
0x1d: {  	s5 =	simm.s32 @p1 $0x1;
	p0 =	seq.s32 s7, s2  }
0x1e: {  	s7 =	smul.u32 @!p0 $0xF7A, s2;
	p2 =	seq.s32 @!p0 s5, $0x0  }
0x1f: {  	s9 =	smul.u32 $0xF7A, s1;
	s8 =	simm.s32 @!p0 $0x1BF5;
	p2 =	por !p2, p0  }
0x20: {  	[sflag:s8] =	ssyncset.s32 @!p0 $0xFFFFF086;
	s6 =	sadd.s32 @!p0 s3, s7;
	s7 =	simm.s32 @!p0 $0x108  }
0x21: {  	s3 =	sadd.s32 s3, s9;
	s6 =	sadd.s32 @!p0 $0x88, s6;
	s7 =	simm.s32 @p2 $0x1082  }
0x22: {  	[simem:s7], [sflag:s8] =	dma.local @!p0 [hbm:s6], $0xF7A  }
0x23: {  	s9 =	sor.u32 $0xD0000000, s2;
	s6 =	simm.s32 $0x108;
	_ =	swait.ge @!p0 [sflag:s8], $0x0  }
0x24: {  	s3 =	sadd.s32 $0x88, s3;
	s6 =	simm.s32 @!p1 $0x1082;
	[sflag:s4] =	ssyncset.s32 $0xFFFFF086  }
0x25: {  	[simem:s6], [sflag:s4] =	dma.local [hbm:s3], $0xF7A  }
0x26: {  	[smem:$0x3F96] =	sst s1;
	(tag) =	ssettag s2;
	_ =	strace s9  }
0x27: {  	s1 =	sld [smem:$0x3FA6]  }
0x28: {  	s2 =	sld [smem:$0x3FA7]  }
0x29: {  	s4 =	sld [smem:$0x3FA9]  }
0x2a: {  	p0 =	seq.s32 s5, $0x0;
	s5 =	sld [smem:$0x3FAA]  }
0x2b: {  	s6 =	sld [smem:$0x3FAB]  }
0x2c: {  	s7 =	sld [smem:$0x3FAC]  }
0x2d: {  	s3 =	simm.s32 $0x108;
	s8 =	sld [smem:$0x3FAD]  }
0x2e: {  	s3 =	simm.s32 @!p0 $0x1082;
	s9 =	sld [smem:$0x3FAE]  }
0x2f: {  	lr =	sadd.s32 s0, s3;
	s0 =	sld [smem:$0x3FA5]  }
0x30: {  	s3 =	sld [smem:$0x3FA8]  }
0x31: {  	[smem:$0x3FB1] =	sst s10  }
0x32: {  	s10 =	sld [smem:$0x3FAF];
	_ =	sdelay $0x3  }
0x33: {  	p0 =	seq.s32 s10, $0x1;
	s10 =	sld [smem:$0x3FB1];
	_ =	sdelay $0x3  }
0x34: {  	[smem:$0x3FB1] =	sst s10  }
0x35: {  	s10 =	sld [smem:$0x3FB0];
	_ =	sdelay $0x3  }
0x36: {  	p1 =	seq.s32 s10, $0x1;
	s10 =	sld [smem:$0x3FB1];
	_ =	sdelay $0x3  }
0x37: {  	[smem:$0x3FB1] =	sst s10  }
0x38: {  	s10 =	sld [smem:$0x3FB2]  }
0x39: {  	_ = 	snop;
	(pc) =	sbr.ind lr, $3  }
0x3a: {  	_ = 	snop  }
0x3b: {  	_ = 	snop  }
0x3c: {  	p2 =	seq.s32 s10, $0x1;
	s10 =	sld [smem:$0x3FB1]  }
0x3d: {  	_ =	shalt  }
0x3e: {  	_ =	shalt  }
0x3f: {  	_ =	shalt  }
0x40: {  	_ =	shalt  }
0x41: {  	_ =	shalt  }
0x42: {  	_ =	shalt  }
0x43: {  	_ =	shalt  }
0x44: {  	_ =	shalt  }
0x45: {  	_ =	shalt  }
0x46: {  	_ =	shalt  }
0x47: {  	_ =	shalt  }
0x48: {  	_ =	shalt  }
0x49: {  	_ =	shalt  }
0x4a: {  	_ =	shalt  }
0x4b: {  	_ =	shalt  }
0x4c: {  	_ =	shalt  }
0x4d: {  	_ =	shalt  }
0x4e: {  	_ =	shalt  }
0x4f: {  	_ =	shalt  }
0x50: {  	_ =	shalt  }
0x51: {  	_ =	shalt  }
0x52: {  	_ =	shalt  }
0x53: {  	_ =	shalt  }
0x54: {  	_ =	shalt  }
0x55: {  	_ =	shalt  }
0x56: {  	_ =	shalt  }
0x57: {  	_ =	shalt  }
0x58: {  	_ =	shalt  }
0x59: {  	_ =	shalt  }
0x5a: {  	_ =	shalt  }
0x5b: {  	_ =	shalt  }
0x5c: {  	_ =	shalt  }
0x5d: {  	_ =	shalt  }
0x5e: {  	_ =	shalt  }
0x5f: {  	_ =	shalt  }
0x60: {  	_ =	shalt  }
0x61: {  	_ =	shalt  }
0x62: {  	_ =	shalt  }
0x63: {  	_ =	shalt  }
0x64: {  	_ =	shalt  }
0x65: {  	_ =	shalt  }
0x66: {  	_ =	shalt  }
0x67: {  	_ =	shalt  }
0x68: {  	_ =	shalt  }
0x69: {  	_ =	shalt  }
0x6a: {  	_ =	shalt  }
0x6b: {  	_ =	shalt  }
0x6c: {  	_ =	shalt  }
0x6d: {  	_ =	shalt  }
0x6e: {  	_ =	shalt  }
0x6f: {  	_ =	shalt  }
0x70: {  	_ =	shalt  }
0x71: {  	_ =	shalt  }
0x72: {  	_ =	shalt  }
0x73: {  	_ =	shalt  }
0x74: {  	_ =	shalt  }
0x75: {  	_ =	shalt  }
0x76: {  	_ =	shalt  }
0x77: {  	_ =	shalt  }
0x78: {  	_ =	shalt  }
0x79: {  	_ =	shalt  }
0x7a: {  	_ =	shalt  }
0x7b: {  	_ =	shalt  }
0x7c: {  	_ =	shalt  }
0x7d: {  	_ =	shalt  }
0x7e: {  	_ =	shalt  }
0x7f: {  	_ =	shalt  }
0x80: {  	_ =	shalt  }
0x81: {  	_ =	shalt  }
0x82: {  	_ =	shalt  }
0x83: {  	_ =	shalt  }
0x84: {  	_ =	shalt  }
0x85: {  	_ =	shalt  }
0x86: {  	_ =	shalt  }
0x87: {  	_ =	shalt  }
.Lfunc_end0:
.L_simem_size_0:
called_computation_lowered:
.L_overlay_start_0:
0x88: {  	s2 =	sld [smem:$0x3FD9]  }
0x89: {  	s3 =	sld [smem:$0x3FFE];
	_ =	sdelay $0x1  }
0x8a: {  	s1 =	srdreg.scid  }
0x8b: {  	s0 =	sand.u32 $0x1, s1  }
0x8c: {  	s17 =	sshll.u32 s0, $0xA;
	s2 =	sadd.s32 s3, s2  }
0x8d: {  	s2 =	sadd.s32 s2, s17  }
0x8e: {  	[smem:$0x3FBD] =	sst s2  }
0x8f: {  	_ = 	snop  }
0x90: {  	s2 =	sld [smem:$0x3FC9]  }
0x91: {  	s18 =	sld [smem:$0x3FD0];
	(tm) =	ssettm $0x1  }
0x92: {  	s4 =	sld [smem:$0x3FFB];
	_ =	sdelay $0x3  }
0x93: {  	_ =	strace s4  }
0x94: {  	s4 =	sld [smem:$0x3FFC];
	_ =	sdelay $0x3  }
0x95: {  	_ =	strace s4  }
0x96: {  	s4 =	sld [smem:$0x3FFD];
	_ =	sdelay $0x3  }
0x97: {  	_ =	strace s4  }
0x98: {  	_ =	strace $0x8FFFFFFF  }
0x99: {  	s19 =	sld [smem:$0x3FDB];
	_ =	sdelay $0x1  }
0x9a: {  	s5 =	simm.s32 $_scs_section_size  }
0x9b: {  	s6 =	simm.s32 $_size__tile_overlayer_lowered;
	s7 =	simm.s32 $_tile_overlayer_lowered  }
0x9c: {  	s22 =	simm.s32 $0x1BFF;
	s21 =	sshll.u32 s7, $0x1;
	s4 =	sadd.s32 s5, s19  }
0x9d: {  	s8 =	simm.s32 $0x0;
	s20 =	sshll.u32 s6, $0x1;
	s6 =	sadd.s32 s21, s4  }
0x9e: {  	[timem:s8], [sflag:s22] =	dma.local [hbm:s6], s20  }
0x9f: {  	_ =	swait.ge [sflag:s22], s20  }
0xa0: {  	s5 =	ssub.s32 $0x0, s20;
	[sflag:s22] =	ssyncset.done $0x0  }
0xa1: {  	[sflag:s22] =	ssyncadd.s32 s5;
	_ =	sdelay $0x1  }
0xa2: {  	s23 =	simm.s32 $0x1B8B  }
0xa3: {  	_ =	swait.ge [sflag:s23], $0x1  }
0xa4: {  	[sflag:s23] =	ssyncset.done $0x0  }
0xa5: {  	s25 =	simm.s32 $0x1B8E;
	s24 =	sld [smem:$0x3FFE];
	[sflag:s23] =	ssyncadd.s32 $0xFFFFFFFF  }
0xa6: {  	s26 =	simm.s32 $execute0_lowered;
	[smem:$0x3FD2] =	sst s25  }
0xa7: {  	s6 =	sshll.u32 s26, $0x1;
	_ =	strace $0x80000046;
	[dreg:$0x1] =	wrdreg $0xFFFFFFFF  }
0xa8: {  	s28 =	simm.s32 $_size_execute0_lowered;
	s4 =	sadd.s32 s4, s6;
	[dreg:$0x0] =	wrdreg $0x0  }
0xa9: {  	s6 =	sshll.u32 s28, $0x1;
	[dreg:$0x2] =	wrdreg s4  }
0xaa: {  	[dreg:$0x3] =	wrdreg s6  }
0xab: {  	[dreg:$0x4] =	wrdreg $0xC0  }
0xac: {  	_ =	task [dreg:s8], $0x5FFFF  }
0xad: {  	[dreg:$0x1] =	wrdreg $0xFFFFFFFF  }
0xae: {  	[dreg:$0x0] =	wrdreg $0x60  }
0xaf: {  	[dreg:$0x2] =	wrdreg s24  }
0xb0: {  	[dreg:$0x3] =	wrdreg s2  }
0xb1: {  	[dreg:$0x4] =	wrdreg s18  }
0xb2: {  	[dreg:$0x5] =	wrdreg $0x9  }
0xb3: {  	_ =	task.clear_ibuf [dreg:s8], $0x6FFFF;
	_ =	strace $0x90000046  }
0xb4: {  	s29 =	simm.s32 $0x9;
	_ =	strace $0x80000048  }
0xb5: {  	_ =	swait.ge [sflag:s29], $0x1  }
0xb6: {  	[sflag:s29] =	ssyncadd.s32 $0xFFFFFFFF  }
0xb7: {  	_ =	strace $0x90000048  }
0xb8: {  	_ =	sfence  }
0xb9: {  	s30 =	sld [smem:$0x0];
	_ =	sdelay $0x2  }
0xba: {  	s31 =	sshll.u32 s1, $0xD;
	s1 =	sshrl.u32 s1, $0x2  }
0xbb: {  	s3 =	sand.u32 $0x4000, s31;
	s1 =	sadd.s32 s1, s30  }
0xbc: {  	s0 =	sor.u32 s3, s0;
	s1 =	sshll.u32 s1, $0x11  }
0xbd: {  	s0 =	sor.u32 s1, s0  }
0xbe: {  	s0 =	sadd.s32 $0x8F2B, s0  }
0xbf: {  	[sflag:s0] =	ssyncadd.remote.s32 $0x1  }
0xc0: {  	_ =	sfence.sel $0xFFFF  }
0xc1: {  	[dreg:$0x0] =	wrdreg $0xFFFFFFFF;
	(pc) =	sbr.abs _section_cstart, $3  }
0xc2: {  	[dreg:$0x1] =	wrdreg $0xFFFFFFFF  }
0xc3: {  	_ =	task.clear_ibuf [dreg:s8], $0x2FFFF;
	_ =	strace $0x9FFFFFFF  }
0xc4: {  	(tm) =	ssettm $0x7FFFFFFF  }
0xc5: {  	_ =	shalt  }
tec
execute0_lowered:
.L_overlay_start_1:
0x0: {  	(tag) =	ssettag $0x1  }
0x1: {  	s0 =	srdreg.scid  }
0x2: {  	s19 =	sand.u32 $0x1, s0;
	s0 =	stileid.u32  }
0x3: {  	s4 =	sshll.u32 s0, $0x1;
	s5 =	ssub.s32 $0x0, s19  }
0x4: {  	p0 =	sne.s32 s4, s5  }
.Ltmp0:
0x5: {  	_ = 	snop;
	(pc) =	sbr.rel @p0 .LBB2_4-.Ltmp0, $4  }
0x6: {  	s7 =	rddreg [dreg:$0x0]  }
0x7: {  	s2 =	rddreg [dreg:$0x1]  }
0x8: {  	s3 =	rddreg [dreg:$0x2]  }
0x9: {  	s1 =	rddreg [dreg:$0x3];
	_ =	strace $0x80000047  }
0xa: {  	s5 =	sadd.s32 $0xC2200, s7;
	s6 =	simm.s32 $0x0;
	s4 =	simm.s32 $0x2  }
0xb: {  	[tilespmem:s6], [sflag:$0x2] =	stream.linear.gather [hbm4b:s5+s6], $0x80, $0x38;
	[tilespmem:$0x4100] =	vst v63  }
0xc: {  	_ =	swait.ge [sflag:s4], $0x80  }
0xd: {  	[sflag:s4] =	ssyncset.done $0x0  }
0xe: {  	[sflag:s4] =	ssyncadd.s32 $0xFFFFFF80  }
0xf: {  	v12 =	vld [tilespmem:$0x0]  }
0x10: {  	v13 =	vld [tilespmem:$0x10]  }
0x11: {  	v14 =	vld [tilespmem:$0x20]  }
0x12: {  	v0 =	vimm.s32 $0xFEDCBA98;
	v15 =	vld [tilespmem:$0x30]  }
0x13: {  	v1 =	vimm.s32 $0x76543210;
	v2 =	vimm.s32 $0xBA98FEDC;
	v0 =	vunpack.c.l.s4.s8 v0;
	v16 =	vld [tilespmem:$0x40]  }
0x14: {  	v3 =	vimm.s32 $0x32107654;
	v1 =	vunpack.c.l.s4.s8 v1;
	v2 =	vunpack.c.l.s4.s8 v2;
	v17 =	vld [tilespmem:$0x50]  }
0x15: {  	v3 =	vunpack.c.l.s4.s8 v3;
	v0 =	vunpack.c.0.s8.s32 v0;
	v18 =	vld [tilespmem:$0x60];
	v4 =	vmax.f32 v12, v13  }
0x16: {  	v1 =	vunpack.c.0.s8.s32 v1;
	v2 =	vunpack.c.0.s8.s32 v2;
	v19 =	vld [tilespmem:$0x70];
	v4 =	vmax.f32 v4, v14  }
0x17: {  	v3 =	vunpack.c.0.s8.s32 v3;
	v0 =	vand.u32 $0xF, v0;
	v4 =	vmax.f32 v4, v15  }
0x18: {  	v0 =	vcombine.low v0, v1;
	v1 =	vmax.f32 v4, v16  }
0x19: {  	v2 =	vcombine.low v3, v2;
	v3 =	vimm.s32 $0xDCFE98BA;
	v1 =	vmax.f32 v1, v17  }
0x1a: {  	v3 =	vunpack.c.l.s4.s8 v3;
	v4 =	vimm.s32 $0x54761032;
	v1 =	vmax.f32 v1, v18  }
0x1b: {  	v4 =	vunpack.c.l.s4.s8 v4;
	v5 =	vmax.f32 v1, v19  }
0x1c: {  	v1 =	vand.u32 $0xF, v2;
	v2 =	vunpack.c.0.s8.s32 v3;
	v3 =	vperm.xlane v5, v0  }
0x1d: {  	v6 =	vimm.s32 $0xEFCDAB89;
	v7 =	vimm.s32 $0x67452301;
	v4 =	vunpack.c.0.s8.s32 v4  }
0x1e: {  	v6 =	vunpack.c.l.s4.s8 v6;
	v7 =	vunpack.c.l.s4.s8 v7;
	v3 =	vmax.f32 v5, v3  }
0x1f: {  	v2 =	vcombine.low v4, v2;
	v4 =	vperm.xlane v3, v1  }
0x20: {  	v5 =	vunpack.c.0.s8.s32 v6;
	v6 =	vunpack.c.0.s8.s32 v7  }
0x21: {  	v2 =	vand.u32 $0xF, v2;
	v4 =	vmax.f32 v3, v4  }
0x22: {  	v3 =	vcombine.low v6, v5;
	v5 =	vperm.xlane v4, v2;
	_ =	sdelay $0x1  }
0x23: {  	v3 =	vand.u32 $0xF, v3;
	v5 =	vmax.f32 v4, v5  }
0x24: {  	v6 =	vperm.xlane v5, v3;
	_ =	sdelay $0x1  }
0x25: {  	v4 =	vlaneseq.u32;
	v20 =	vmax.f32 v5, v6  }
0x26: {  	v5 =	vor.u32 $0x70, v4;
	vm0 =	veq.f32 v19, v20  }
0x27: {  	v6 =	vor.u32 $0x60, v4;
	vm1 =	veq.f32 v18, v20;
	v8 =	vnsel vm0, $0x40000000, v5  }
0x28: {  	v7 =	vor.u32 $0x50, v4;
	vm0 =	veq.f32 v17, v20;
	v9 =	vsel vm1, v6, v8  }
0x29: {  	v8 =	vor.u32 $0x40, v4;
	vm1 =	veq.f32 v16, v20;
	v10 =	vsel vm0, v7, v9  }
0x2a: {  	v9 =	vor.u32 $0x30, v4;
	vm0 =	veq.f32 v15, v20;
	v11 =	vsel vm1, v8, v10  }
0x2b: {  	v10 =	vor.u32 $0x20, v4;
	vm1 =	veq.f32 v14, v20;
	v21 =	vsel vm0, v9, v11  }
0x2c: {  	v11 =	vor.u32 $0x10, v4;
	vm0 =	veq.f32 v13, v20;
	v21 =	vsel vm1, v10, v21  }
0x2d: {  	vm1 =	veq.f32 v12, v20;
	v57 =	vsel vm0, v11, v21  }
0x2e: {  	v20 =	vsel vm1, v4, v57  }
0x2f: {  	v58 =	vperm.xlane v20, v0;
	_ =	sdelay $0x1  }
0x30: {  	vm0 =	vlt.s32 v20, v58  }
0x31: {  	v20 =	vsel vm0, v20, v58  }
0x32: {  	v21 =	vperm.xlane v20, v1;
	_ =	sdelay $0x1  }
0x33: {  	vm0 =	vlt.s32 v20, v21  }
0x34: {  	v20 =	vsel vm0, v20, v21  }
0x35: {  	v21 =	vperm.xlane v20, v2;
	_ =	sdelay $0x1  }
0x36: {  	vm0 =	vlt.s32 v20, v21  }
0x37: {  	v20 =	vsel vm0, v20, v21  }
0x38: {  	v21 =	vperm.xlane v20, v3;
	_ =	sdelay $0x1  }
0x39: {  	vm0 =	vlt.s32 v20, v21  }
0x3a: {  	v20 =	vsel vm0, v20, v21  }
0x3b: {  	vm0 =	veq.s32 v20, v4;
	vm1 =	veq.s32 v20, v11  }
0x3c: {  	v12 =	vsel vm0, $0xFF7FC99E, v12;
	v13 =	vsel vm1, $0xFF7FC99E, v13;
	vm0 =	veq.s32 v20, v10  }
0x3d: {  	v14 =	vsel vm0, $0xFF7FC99E, v14;
	vm0 =	veq.s32 v20, v9;
	v59 =	vmax.f32 v12, v13  }
0x3e: {  	vm1 =	veq.s32 v20, v8;
	v15 =	vsel vm0, $0xFF7FC99E, v15;
	v21 =	vmax.f32 v59, v14  }
0x3f: {  	v16 =	vsel vm1, $0xFF7FC99E, v16;
	vm0 =	veq.s32 v20, v7;
	v21 =	vmax.f32 v21, v15  }
0x40: {  	vm1 =	veq.s32 v20, v6;
	v17 =	vsel vm0, $0xFF7FC99E, v17;
	v21 =	vmax.f32 v21, v16  }
0x41: {  	v18 =	vsel vm1, $0xFF7FC99E, v18;
	vm0 =	veq.s32 v20, v5;
	v21 =	vmax.f32 v21, v17  }
0x42: {  	v19 =	vsel vm0, $0xFF7FC99E, v19;
	v21 =	vmax.f32 v21, v18  }
0x43: {  	v21 =	vmax.f32 v21, v19  }
0x44: {  	v22 =	vperm.xlane v21, v0;
	_ =	sdelay $0x1  }
0x45: {  	v21 =	vmax.f32 v21, v22  }
0x46: {  	v22 =	vperm.xlane v21, v1;
	_ =	sdelay $0x1  }
0x47: {  	v21 =	vmax.f32 v21, v22  }
0x48: {  	v22 =	vperm.xlane v21, v2;
	_ =	sdelay $0x1  }
0x49: {  	v21 =	vmax.f32 v21, v22  }
0x4a: {  	v22 =	vperm.xlane v21, v3;
	_ =	sdelay $0x1  }
0x4b: {  	v21 =	vmax.f32 v21, v22  }
0x4c: {  	vm0 =	veq.f32 v19, v21  }
0x4d: {  	vm1 =	veq.f32 v18, v21;
	v60 =	vnsel vm0, $0x40000000, v5  }
0x4e: {  	vm0 =	veq.f32 v17, v21;
	v61 =	vsel vm1, v6, v60  }
0x4f: {  	vm1 =	veq.f32 v16, v21;
	v62 =	vsel vm0, v7, v61  }
0x50: {  	vm0 =	veq.f32 v15, v21;
	v15 =	vsel vm1, v8, v62  }
0x51: {  	vm1 =	veq.f32 v14, v21;
	v14 =	vsel vm0, v9, v15  }
0x52: {  	vm0 =	veq.f32 v13, v21;
	v13 =	vsel vm1, v10, v14  }
0x53: {  	vm1 =	veq.f32 v12, v21;
	v12 =	vsel vm0, v11, v13  }
0x54: {  	v12 =	vsel vm1, v4, v12  }
0x55: {  	v13 =	vperm.xlane v12, v0;
	_ =	sdelay $0x1  }
0x56: {  	vm0 =	vlt.s32 v12, v13  }
0x57: {  	v12 =	vsel vm0, v12, v13  }
0x58: {  	v13 =	vperm.xlane v12, v1;
	_ =	sdelay $0x1  }
0x59: {  	vm0 =	vlt.s32 v12, v13  }
0x5a: {  	v12 =	vsel vm0, v12, v13  }
0x5b: {  	v13 =	vperm.xlane v12, v2;
	_ =	sdelay $0x1  }
0x5c: {  	vm0 =	vlt.s32 v12, v13  }
0x5d: {  	v12 =	vsel vm0, v12, v13  }
0x5e: {  	v13 =	vperm.xlane v12, v3;
	_ =	sdelay $0x1  }
0x5f: {  	vm1 =	vlt.s32 v12, v13  }
0x60: {  	vm0 =	vmmov $0xff;
	v12 =	vsel vm1, v12, v13  }
0x61: {  	v13 =	vsel vm0, v20, v12  }
0x62: {  	v12 =	vand.u32 $0x7, v4;
	v13 =	vshll.u32 v13, $0x4  }
0x63: {  	v13 =	vor.u32 v12, v13  }
0x64: {  	s7 =	sadd.s32 $0xC2400, s7;
	s8 =	simm.s32 $0x80;
	[tilespmem:$0x80] =	vst v13  }
0x65: {  	[hbm4b:s7+s6] =	stream.linear.scatter [tilespmem:s8], [sflag:$0x2], $0x80, $0x38;
	[tilespmem:$0x4100] =	vst v63  }
0x66: {  	_ =	swait.ge [sflag:s4], $0x80  }
0x67: {  	[sflag:s4] =	ssyncset.done $0x0  }
0x68: {  	[sflag:s4] =	ssyncadd.s32 $0xFFFFFF80  }
0x69: {  	v13 =	vld [tilespmem:$0x80];
	_ =	sdelay $0x4  }
0x6a: {  	v14 =	vshll.u32 v13, $0x3  }
0x6b: {  	v13 =	vand.u32 $0x7, v13;
	v14 =	vand.u32 $0xFFFFFFC0, v14  }
0x6c: {  	v15 =	vshrl.u32 v4, $0x3;
	v63 =	vor.u32 v13, v14  }
0x6d: {  	v13 =	vmul.u32 $0x8, v15;
	v14 =	vperm.xlane v63, v12;
	_ =	sdelay $0x1  }
0x6e: {  	v15 =	vadd.s32 v13, v14;
	_ =	sdelay $0x3  }
0x6f: {  	s9 =	simm.s32 $0x100;
	vm1 =	vmmov $0xffff  }
0x70: {  	v14 =	vor.u32 $0x8, v4;
	[tilespmem:s9], [sflag:$0x1] =	stream.indirect_vreg.gather [hbm4b:s2+s6], $0x80, v15, vm1, $0xb8;
	[tilespmem:$0x4100] =	vst v63  }
0x71: {  	s10 =	sadd.s32 $0x100, s2;
	s11 =	simm.s32 $0x900;
	v16 =	vperm.xlane v63, v14  }
0x72: {  	[tilespmem:s11], [sflag:$0x1] =	stream.indirect_vreg.gather [hbm4b:s10+s6], $0x80, v15, vm1, $0xb8;
	[tilespmem:$0x4100] =	vst v63  }
0x73: {  	s12 =	sadd.s32 $0x200, s2;
	s13 =	simm.s32 $0x1100;
	v16 =	vadd.s32 v13, v16  }
0x74: {  	[tilespmem:s13], [sflag:$0x1] =	stream.indirect_vreg.gather [hbm4b:s12+s6], $0x80, v15, vm1, $0xb8;
	[tilespmem:$0x4100] =	vst v63  }
0x75: {  	s14 =	sadd.s32 $0x300, s2;
	s15 =	simm.s32 $0x1900;
	s21 =	ssub.s32 $0x2, s19  }
0x76: {  	[tilespmem:s15], [sflag:$0x1] =	stream.indirect_vreg.gather [hbm4b:s14+s6], $0x80, v15, vm1, $0xb8;
	[tilespmem:$0x4100] =	vst v63  }
0x77: {  	s16 =	simm.s32 $0x2100;
	s22 =	sshrl.u32 s21, $0x1  }
0x78: {  	[tilespmem:s16], [sflag:$0x1] =	stream.indirect_vreg.gather [hbm4b:s2+s6], $0x80, v16, vm1, $0xb8;
	[tilespmem:$0x4100] =	vst v63  }
0x79: {  	s17 =	simm.s32 $0x2900;
	s21 =	ssub.s32 s21, s22  }
0x7a: {  	[tilespmem:s17], [sflag:$0x1] =	stream.indirect_vreg.gather [hbm4b:s10+s6], $0x80, v16, vm1, $0xb8;
	[tilespmem:$0x4100] =	vst v63  }
0x7b: {  	s18 =	simm.s32 $0x3100;
	s21 =	smax.u32 s21, $0x1  }
0x7c: {  	[tilespmem:s18], [sflag:$0x1] =	stream.indirect_vreg.gather [hbm4b:s12+s6], $0x80, v16, vm1, $0xb8;
	[tilespmem:$0x4100] =	vst v63  }
0x7d: {  	s19 =	simm.s32 $0x3900;
	p0 =	sne.s32 s21, $0x1  }
0x7e: {  	[tilespmem:s19], [sflag:$0x1] =	stream.indirect_vreg.gather [hbm4b:s14+s6], $0x80, v16, vm1, $0xb8;
	[tilespmem:$0x4100] =	vst v63  }
.Ltmp1:
0x7f: {  	s20 =	simm.s32 $0x1;
	(pc) =	sbr.rel @!p0 .LBB2_3-.Ltmp1, $4  }
0x80: {  	_ =	swait.ge [sflag:s20], $0x4000  }
0x81: {  	[sflag:s20] =	ssyncset.done $0x0  }
0x82: {  	s21 =	sadd.s32 $0xFFFFFFFF, s21;
	[sflag:s20] =	ssyncadd.s32 $0xFFFFC000  }
0x83: {  	[hbm4b:s3+s6] =	stream.linear.scatter [tilespmem:s9], [sflag:$0x2], $0x4000, $0x38;
	[tilespmem:$0x4100] =	vst v63  }
.LBB2_2:
0x84: {  	p0 =	sne.s32 s21, $0x1;
	s21 =	sadd.s32 $0xFFFFFFFF, s21;
	_ =	swait.ge [sflag:s4], $0x4000  }
0x85: {  	[sflag:s4] =	ssyncset.done $0x0  }
0x86: {  	[sflag:s4] =	ssyncadd.s32 $0xFFFFC000  }
0x87: {  	[tilespmem:s6], [sflag:$0x2] =	stream.linear.gather [hbm4b:s5+s6], $0x80, $0x38;
	[tilespmem:$0x4100] =	vst v63  }
0x88: {  	_ =	swait.ge [sflag:s4], $0x80  }
0x89: {  	[sflag:s4] =	ssyncset.done $0x0  }
0x8a: {  	[sflag:s4] =	ssyncadd.s32 $0xFFFFFF80  }
0x8b: {  	v15 =	vld [tilespmem:$0x20]  }
0x8c: {  	v16 =	vld [tilespmem:$0x0]  }
0x8d: {  	v17 =	vld [tilespmem:$0x10];
	_ =	sdelay $0x1  }
0x8e: {  	v18 =	vld [tilespmem:$0x30]  }
0x8f: {  	v19 =	vld [tilespmem:$0x40]  }
0x90: {  	v20 =	vld [tilespmem:$0x50]  }
0x91: {  	v21 =	vld [tilespmem:$0x60];
	v22 =	vmax.f32 v16, v17  }
0x92: {  	v23 =	vld [tilespmem:$0x70];
	v22 =	vmax.f32 v22, v15  }
0x93: {  	v22 =	vmax.f32 v22, v18  }
0x94: {  	v22 =	vmax.f32 v22, v19  }
0x95: {  	v22 =	vmax.f32 v22, v20  }
0x96: {  	v22 =	vmax.f32 v22, v21  }
0x97: {  	v22 =	vmax.f32 v22, v23  }
0x98: {  	v24 =	vperm.xlane v22, v0;
	_ =	sdelay $0x1  }
0x99: {  	v22 =	vmax.f32 v22, v24  }
0x9a: {  	v24 =	vperm.xlane v22, v1;
	_ =	sdelay $0x1  }
0x9b: {  	v22 =	vmax.f32 v22, v24  }
0x9c: {  	v24 =	vperm.xlane v22, v2;
	_ =	sdelay $0x1  }
0x9d: {  	v22 =	vmax.f32 v22, v24  }
0x9e: {  	v24 =	vperm.xlane v22, v3;
	_ =	sdelay $0x1  }
0x9f: {  	v22 =	vmax.f32 v22, v24  }
0xa0: {  	vm2 =	veq.f32 v15, v22;
	vm3 =	veq.f32 v21, v22;
	vm4 =	veq.f32 v23, v22  }
0xa1: {  	vm5 =	veq.f32 v17, v22;
	vm6 =	veq.f32 v20, v22;
	v24 =	vnsel vm4, $0x40000000, v5  }
0xa2: {  	vm7 =	veq.f32 v19, v22;
	vm4 =	veq.f32 v16, v22;
	v24 =	vsel vm3, v6, v24  }
0xa3: {  	vm3 =	veq.f32 v18, v22;
	v22 =	vsel vm6, v7, v24  }
0xa4: {  	v22 =	vsel vm7, v8, v22  }
0xa5: {  	v22 =	vsel vm3, v9, v22  }
0xa6: {  	v22 =	vsel vm2, v10, v22  }
0xa7: {  	v22 =	vsel vm5, v11, v22  }
0xa8: {  	v22 =	vsel vm4, v4, v22  }
0xa9: {  	v24 =	vperm.xlane v22, v0;
	_ =	sdelay $0x1  }
0xaa: {  	vm2 =	vlt.s32 v22, v24  }
0xab: {  	v22 =	vsel vm2, v22, v24  }
0xac: {  	v24 =	vperm.xlane v22, v1;
	_ =	sdelay $0x1  }
0xad: {  	vm2 =	vlt.s32 v22, v24  }
0xae: {  	v22 =	vsel vm2, v22, v24  }
0xaf: {  	v24 =	vperm.xlane v22, v2;
	_ =	sdelay $0x1  }
0xb0: {  	vm2 =	vlt.s32 v22, v24  }
0xb1: {  	v22 =	vsel vm2, v22, v24  }
0xb2: {  	v24 =	vperm.xlane v22, v3;
	_ =	sdelay $0x1  }
0xb3: {  	vm2 =	vlt.s32 v22, v24  }
0xb4: {  	v22 =	vsel vm2, v22, v24  }
0xb5: {  	vm2 =	veq.s32 v22, v4;
	vm3 =	veq.s32 v22, v11;
	vm4 =	veq.s32 v22, v8  }
0xb6: {  	v16 =	vsel vm2, $0xFF7FC99E, v16;
	v17 =	vsel vm3, $0xFF7FC99E, v17;
	vm2 =	veq.s32 v22, v10  }
0xb7: {  	v15 =	vsel vm2, $0xFF7FC99E, v15;
	vm2 =	veq.s32 v22, v9;
	v24 =	vmax.f32 v16, v17  }
0xb8: {  	v18 =	vsel vm2, $0xFF7FC99E, v18;
	vm2 =	veq.s32 v22, v7;
	v24 =	vmax.f32 v24, v15  }
0xb9: {  	v19 =	vsel vm4, $0xFF7FC99E, v19;
	vm3 =	veq.s32 v22, v6;
	v24 =	vmax.f32 v24, v18  }
0xba: {  	v20 =	vsel vm2, $0xFF7FC99E, v20;
	vm2 =	veq.s32 v22, v5;
	v24 =	vmax.f32 v24, v19  }
0xbb: {  	v21 =	vsel vm3, $0xFF7FC99E, v21;
	v24 =	vmax.f32 v24, v20  }
0xbc: {  	v23 =	vsel vm2, $0xFF7FC99E, v23;
	v24 =	vmax.f32 v24, v21  }
0xbd: {  	v24 =	vmax.f32 v24, v23  }
0xbe: {  	v25 =	vperm.xlane v24, v0;
	_ =	sdelay $0x1  }
0xbf: {  	v24 =	vmax.f32 v24, v25  }
0xc0: {  	v25 =	vperm.xlane v24, v1;
	_ =	sdelay $0x1  }
0xc1: {  	v24 =	vmax.f32 v24, v25  }
0xc2: {  	v25 =	vperm.xlane v24, v2;
	_ =	sdelay $0x1  }
0xc3: {  	v24 =	vmax.f32 v24, v25  }
0xc4: {  	v25 =	vperm.xlane v24, v3;
	_ =	sdelay $0x1  }
0xc5: {  	v24 =	vmax.f32 v24, v25  }
0xc6: {  	vm2 =	veq.f32 v18, v24;
	vm3 =	veq.f32 v19, v24;
	vm4 =	veq.f32 v23, v24  }
0xc7: {  	vm5 =	veq.f32 v15, v24;
	vm6 =	veq.f32 v21, v24;
	v15 =	vnsel vm4, $0x40000000, v5  }
0xc8: {  	vm7 =	veq.f32 v20, v24;
	vm4 =	veq.f32 v17, v24;
	v15 =	vsel vm6, v6, v15  }
0xc9: {  	vm6 =	veq.f32 v16, v24;
	v15 =	vsel vm7, v7, v15  }
0xca: {  	v15 =	vsel vm3, v8, v15  }
0xcb: {  	v15 =	vsel vm2, v9, v15  }
0xcc: {  	v15 =	vsel vm5, v10, v15  }
0xcd: {  	v15 =	vsel vm4, v11, v15  }
0xce: {  	v15 =	vsel vm6, v4, v15  }
0xcf: {  	v16 =	vperm.xlane v15, v0;
	_ =	sdelay $0x1  }
0xd0: {  	vm2 =	vlt.s32 v15, v16  }
0xd1: {  	v15 =	vsel vm2, v15, v16  }
0xd2: {  	v16 =	vperm.xlane v15, v1;
	_ =	sdelay $0x1  }
0xd3: {  	vm2 =	vlt.s32 v15, v16  }
0xd4: {  	v15 =	vsel vm2, v15, v16  }
0xd5: {  	v16 =	vperm.xlane v15, v2;
	_ =	sdelay $0x1  }
0xd6: {  	vm2 =	vlt.s32 v15, v16  }
0xd7: {  	v15 =	vsel vm2, v15, v16  }
0xd8: {  	v16 =	vperm.xlane v15, v3;
	_ =	sdelay $0x1  }
0xd9: {  	vm2 =	vlt.s32 v15, v16  }
0xda: {  	v15 =	vsel vm2, v15, v16  }
0xdb: {  	v15 =	vsel vm0, v22, v15  }
0xdc: {  	v15 =	vshll.u32 v15, $0x4  }
0xdd: {  	v15 =	vor.u32 v12, v15  }
0xde: {  	[tilespmem:$0x80] =	vst v15  }
0xdf: {  	[hbm4b:s7+s6] =	stream.linear.scatter [tilespmem:s8], [sflag:$0x2], $0x80, $0x38;
	[tilespmem:$0x4100] =	vst v63  }
0xe0: {  	_ =	swait.ge [sflag:s4], $0x80  }
0xe1: {  	[sflag:s4] =	ssyncset.done $0x0  }
0xe2: {  	[sflag:s4] =	ssyncadd.s32 $0xFFFFFF80  }
0xe3: {  	v15 =	vld [tilespmem:$0x80];
	_ =	sdelay $0x4  }
0xe4: {  	v16 =	vshll.u32 v15, $0x3  }
0xe5: {  	v15 =	vand.u32 $0x7, v15;
	v16 =	vand.u32 $0xFFFFFFC0, v16  }
0xe6: {  	v15 =	vor.u32 v15, v16  }
0xe7: {  	v16 =	vperm.xlane v15, v12;
	v15 =	vperm.xlane v15, v14;
	_ =	sdelay $0x1  }
0xe8: {  	v16 =	vadd.s32 v13, v16;
	_ =	sdelay $0x4  }
0xe9: {  	[tilespmem:s9], [sflag:$0x1] =	stream.indirect_vreg.gather [hbm4b:s2+s6], $0x80, v16, vm1, $0xb8;
	[tilespmem:$0x4100] =	vst v63  }
0xea: {  	_ = 	snop  }
0xeb: {  	[tilespmem:s11], [sflag:$0x1] =	stream.indirect_vreg.gather [hbm4b:s10+s6], $0x80, v16, vm1, $0xb8;
	[tilespmem:$0x4100] =	vst v63  }
0xec: {  	v15 =	vadd.s32 v13, v15  }
0xed: {  	[tilespmem:s13], [sflag:$0x1] =	stream.indirect_vreg.gather [hbm4b:s12+s6], $0x80, v16, vm1, $0xb8;
	[tilespmem:$0x4100] =	vst v63  }
0xee: {  	_ = 	snop  }
0xef: {  	[tilespmem:s15], [sflag:$0x1] =	stream.indirect_vreg.gather [hbm4b:s14+s6], $0x80, v16, vm1, $0xb8;
	[tilespmem:$0x4100] =	vst v63  }
0xf0: {  	_ = 	snop  }
0xf1: {  	[tilespmem:s16], [sflag:$0x1] =	stream.indirect_vreg.gather [hbm4b:s2+s6], $0x80, v15, vm1, $0xb8;
	[tilespmem:$0x4100] =	vst v63  }
0xf2: {  	_ = 	snop  }
0xf3: {  	[tilespmem:s17], [sflag:$0x1] =	stream.indirect_vreg.gather [hbm4b:s10+s6], $0x80, v15, vm1, $0xb8;
	[tilespmem:$0x4100] =	vst v63  }
0xf4: {  	_ = 	snop  }
0xf5: {  	[tilespmem:s18], [sflag:$0x1] =	stream.indirect_vreg.gather [hbm4b:s12+s6], $0x80, v15, vm1, $0xb8;
	[tilespmem:$0x4100] =	vst v63  }
0xf6: {  	_ = 	snop  }
0xf7: {  	[tilespmem:s19], [sflag:$0x1] =	stream.indirect_vreg.gather [hbm4b:s14+s6], $0x80, v15, vm1, $0xb8;
	[tilespmem:$0x4100] =	vst v63  }
.Ltmp2:
0xf8: {  	_ = 	snop;
	(pc) =	sbr.rel @p0 .LBB2_2-.Ltmp2, $4  }
0xf9: {  	_ =	swait.ge [sflag:s20], $0x4000  }
0xfa: {  	[sflag:s20] =	ssyncset.done $0x0  }
0xfb: {  	[sflag:s20] =	ssyncadd.s32 $0xFFFFC000  }
0xfc: {  	[hbm4b:s3+s6] =	stream.linear.scatter [tilespmem:s9], [sflag:$0x2], $0x4000, $0x38;
	[tilespmem:$0x4100] =	vst v63  }
.LBB2_3:
0xfd: {  	_ =	swait.ge [sflag:s4], $0x4000  }
0xfe: {  	[sflag:s4] =	ssyncset.done $0x0  }
0xff: {  	[sflag:s4] =	ssyncadd.s32 $0xFFFFC000  }
.LBB2_4:
0x100: {  	_ =	sfence.sel $0x180000  }
0x101: {  	[bflag:$0x0] =	sbarrier.arrive $0xFFFF  }
0x102: {  	p0 =	sne.s32 s0, $0x0;
	_ =	strace $0x90000047  }
0x103: {  	s0 =	sadd.s32 @!p0 $0x100000, s1;
	[bflag:$0x2] =	sbarrier.arrive $0xFFFF  }
0x104: {  	[sflag:s0] =	ssyncadd.tile.s32 @!p0 $0x1;
	_ =	shalt  }
.Lfunc_end2:
_tile_overlayer_lowered:
.L_overlay_start_2:
0x105: {  	(tag) =	ssettag $0x2  }
0x106: {  	s0 =	rddreg [dreg:$0x0];
	s2 =	stileid.u32  }
0x107: {  	s1 =	rddreg [dreg:$0x1];
	p0 =	sne.s32 s2, $0x0  }
0x108: {  	s3 =	rddreg [dreg:$0x2];
	[bflag:$0x3] =	sbarrier.arrive $0xFFFF;
	s2 =	simm.s32 @!p0 $0x1C02  }
0x109: {  	[timem:s3], [sflag:s2] =	dma.local @!p0 [hbm:s0], s1  }
0x10a: {  	s0 =	simm.s32 @!p0 $0x2  }
0x10b: {  	_ =	swait.ge @!p0 [sflag:s0], s1  }
0x10c: {  	s1 =	ssub.s32 @!p0 $0x0, s1;
	[sflag:s0] =	ssyncset.done @!p0 $0x0  }
0x10d: {  	[sflag:s0] =	ssyncadd.s32 @!p0 s1  }
0x10e: {  	[bflag:$0x3] =	sbarrier.arrive $0xFFFF  }
0x10f: {  	_ =	shalt  }

</sc_bundles>
